<compile_context>
chip_gen: v7x
topology: tpu7x:2x2x1
jax: 0.10.2.dev20260603
libtpu: 0.0.44.dev20260713+nightly
codegen_flags: <defaults>
</compile_context>

<pallas_src>
import functools

import jax
import jax.numpy as jnp
from jax import lax
from jax.experimental import pallas as pl
from jax.experimental.pallas import tpu as pltpu
from jax.experimental.pallas import tpu_sc as plsc

_N = 100000
_D = 128
_S = 64
_K = 8
_SK = _S * _K
_NC = 2
_NS = 16
_NW = _NC * _NS
_CHUNK = 80
_TCBLK = 3072
_NTC = 46080
_BASE = _NTC
_NSC = _N - _NTC
_NCHUNKS = _NSC // _CHUNK
_KEXTRA = _NCHUNKS % _NW
_KFULL = _NCHUNKS // _NW
_ZROWS = _SK // _NS


def _sc_body(x_hbm, b_hbm, out_hbm, xb0, xb1, bb0, bb1, ib0, ib1, zbuf, fbuf,
             shared, sx0, sb0, sx1, sb1):
    c = lax.axis_index("c")
    s = lax.axis_index("s")
    wid = c * _NS + s
    iota = lax.broadcasted_iota(jnp.int32, (16,), 0)
    spread = jnp.bitwise_and(iota, _K - 1)
    zv = jnp.zeros((16,), jnp.float32)

    def zrow(i, carry):
        for j8 in range(_D // 16):
            zbuf[i, pl.ds(j8 * 16, 16)] = zv
        return carry

    lax.fori_loop(0, _ZROWS, zrow, 0)
    pltpu.sync_copy(zbuf, shared.at[pl.ds(s * _ZROWS, _ZROWS)])

    plsc.subcore_barrier()

    nk = jnp.where(wid < _KEXTRA, _KFULL + 1, _KFULL)

    pltpu.async_copy(x_hbm.at[pl.ds(_BASE + wid * _CHUNK, _CHUNK)], xb0, sx0)
    pltpu.async_copy(b_hbm.at[wid], bb0, sb0)

    def turn(k, xb_cur, bb_cur, ib_cur, sx_cur, sb_cur, xb_nxt, bb_nxt, sx_nxt,
             sb_nxt):
        @pl.when(k < nk)
        def _():
            @pl.when(k + 1 < nk)
            def _issue_next():
                ch = (k + 1) * _NW + wid
                pltpu.async_copy(x_hbm.at[pl.ds(_BASE + ch * _CHUNK, _CHUNK)],
                                 xb_nxt, sx_nxt)
                pltpu.async_copy(b_hbm.at[ch], bb_nxt, sb_nxt)

            pltpu.make_async_copy(
                x_hbm.at[pl.ds(0, _CHUNK)], xb_cur, sx_cur).wait()
            pltpu.make_async_copy(b_hbm.at[0], bb_cur, sb_cur).wait()
            for m in range(_CHUNK // 16):
                bvec = bb_cur[0, pl.ds(m * 16, 16)]
                ib_cur[0, pl.ds(m * 16, 16)] = bvec * _K + spread
            pltpu.sync_copy(xb_cur, shared.at[ib_cur.at[0]], add=True)

    def body(g, carry):
        turn(2 * g, xb0, bb0, ib0, sx0, sb0, xb1, bb1, sx1, sb1)
        turn(2 * g + 1, xb1, bb1, ib1, sx1, sb1, xb0, bb0, sx0, sb0)
        return carry

    lax.fori_loop(0, (_KFULL + 2) // 2, body, 0)

    plsc.subcore_barrier()

    pltpu.sync_copy(shared.at[pl.ds(s * _ZROWS, _ZROWS)], zbuf)
    for st in range(_ZROWS // _K):
        for j8 in range(_D // 16):
            acc16 = zbuf[st * _K, pl.ds(j8 * 16, 16)]
            for kk in range(1, _K):
                acc16 = acc16 + zbuf[st * _K + kk, pl.ds(j8 * 16, 16)]
            fbuf[st, pl.ds(j8 * 16, 16)] = acc16
    pltpu.sync_copy(fbuf, out_hbm.at[c, pl.ds(s * (_ZROWS // _K), _ZROWS // _K)])


_sc_segment_sum = functools.partial(
    pl.kernel,
    out_type=jax.ShapeDtypeStruct((_NC, _S, _D), jnp.float32),
    mesh=plsc.VectorSubcoreMesh(
        core_axis_name="c", subcore_axis_name="s",
        num_cores=_NC, num_subcores=_NS,
    ),
    scratch_types=[
        pltpu.VMEM((_CHUNK, _D), jnp.float32),
        pltpu.VMEM((_CHUNK, _D), jnp.float32),
        pltpu.VMEM((1, _CHUNK), jnp.int32),
        pltpu.VMEM((1, _CHUNK), jnp.int32),
        pltpu.VMEM((1, _CHUNK), jnp.int32),
        pltpu.VMEM((1, _CHUNK), jnp.int32),
        pltpu.VMEM((_ZROWS, _D), jnp.float32),
        pltpu.VMEM((_ZROWS // _K, _D), jnp.float32),
        pltpu.VMEM_SHARED((_SK, _D), jnp.float32),
        pltpu.SemaphoreType.DMA,
        pltpu.SemaphoreType.DMA,
        pltpu.SemaphoreType.DMA,
        pltpu.SemaphoreType.DMA,
    ],
)(_sc_body)


def _tc_body(x_ref, b_ref, o_ref):
    i = pl.program_id(0)

    @pl.when(i == 0)
    def _init():
        o_ref[...] = jnp.zeros_like(o_ref)

    ids = b_ref[...]
    oh = (ids[None, :] ==
          lax.broadcasted_iota(jnp.int32, (_S, _TCBLK), 0)
          ).astype(jnp.float32)
    o_ref[...] += jnp.dot(oh, x_ref[...],
                          preferred_element_type=jnp.float32)


_tc_partial = pl.pallas_call(
    _tc_body,
    grid=(_NTC // _TCBLK,),
    in_specs=[
        pl.BlockSpec((_TCBLK, _D), lambda i: (i, 0)),
        pl.BlockSpec((_TCBLK,), lambda i: (i,)),
    ],
    out_specs=pl.BlockSpec((_S, _D), lambda i: (0, 0)),
    out_shape=jax.ShapeDtypeStruct((_S, _D), jnp.float32),
)


def _readout_body(f_ref, t_ref, w_ref, o_ref):
    w_row = w_ref[...].reshape(1, _D)
    folded = f_ref[0] + f_ref[1]
    o_ref[...] = jnp.sum((folded + t_ref[...]) * w_row, axis=1)


_readout = pl.pallas_call(
    _readout_body,
    out_shape=jax.ShapeDtypeStruct((_S,), jnp.float32),
)


def kernel(x, batch, W):
    b32 = batch.astype(jnp.int32)
    bsc = b32[_BASE:].reshape(_NCHUNKS, 1, _CHUNK)
    feat = _sc_segment_sum(x, bsc)
    tcp = _tc_partial(x, b32[:_NTC])
    return _readout(feat, tcp, W.reshape(_D))

# --- scband reference (transcript-rebuilt; emitter-appended) ---
"""Pipeline reference for scband-graph-pesmodel-69277822484607 (READ-ONLY COPY).

The authoritative reference and input builder live on the scoring server;
editing this copy changes nothing except your own understanding.
"""

import jax, jax.numpy as jnp
import numpy as np

N_ATOMS = 100000
D_FEAT = 128
N_STRUCTURES = 64

def setup_inputs(seed: int = 0) -> dict:
    key = jax.random.key(seed)
    k1, k2, k3 = jax.random.split(key, 3)
    # per-atom node features (stand-in for the learned per-atom representation)
    x = jax.random.normal(k1, (N_ATOMS, D_FEAT), dtype=jnp.float32)
    # structure-membership ids: sorted so each structure's atoms are contiguous (as in to_batch)
    batch = jnp.sort(jax.random.randint(k2, (N_ATOMS,), 0, N_STRUCTURES, dtype=jnp.int64))
    # learned readout weight mapping features -> scalar local energy
    W = jax.random.normal(k3, (D_FEAT, 1), dtype=jnp.float32) * 0.05
    return {"x": x, "batch": batch, "W": W}

def reference(x, batch, W):
    # predict_local_energies: per-atom scalar energy, then .squeeze()
    local_energies = (x @ W).squeeze()  # [N]
    # sum_per_structure: segment-sum of local energies over structure ids -> [B]
    total_energy = jax.ops.segment_sum(local_energies, batch, num_segments=N_STRUCTURES)
    return total_energy

if __name__ == "__main__":
    import jax
    _d = setup_inputs()
    print(jax.jit(kernel)(*tuple(_d.values())))

</pallas_src>

<mosaic_0001>
#map = affine_map<(d0, d1) -> (0, 0)>
#map1 = affine_map<(d0, d1) -> (0, 0, 0)>
module attributes {stable_mosaic.version = 14 : i64} {
  func.func @_sc_body(%arg0: i32, %arg1: i32, %arg2: memref<100000x128xf32, #tpu.memory_space<hbm>>, %arg3: memref<674x1x80xi32, #tpu.memory_space<hbm>>, %arg4: memref<2x64x128xf32, #tpu.memory_space<hbm>>, %arg5: memref<80x128xf32, #tpu.memory_space<vmem>>, %arg6: memref<80x128xf32, #tpu.memory_space<vmem>>, %arg7: memref<1x80xi32, #tpu.memory_space<vmem>>, %arg8: memref<1x80xi32, #tpu.memory_space<vmem>>, %arg9: memref<1x80xi32, #tpu.memory_space<vmem>>, %arg10: memref<1x80xi32, #tpu.memory_space<vmem>>, %arg11: memref<32x128xf32, #tpu.memory_space<vmem>>, %arg12: memref<4x128xf32, #tpu.memory_space<vmem>>, %arg13: memref<512x128xf32, #tpu.memory_space<vmem_shared>>, %arg14: memref<!tpu.dma_semaphore, #tpu.memory_space<semaphore_mem>>, %arg15: memref<!tpu.dma_semaphore, #tpu.memory_space<semaphore_mem>>, %arg16: memref<!tpu.dma_semaphore, #tpu.memory_space<semaphore_mem>>, %arg17: memref<!tpu.dma_semaphore, #tpu.memory_space<semaphore_mem>>) attributes {dimension_semantics = [#tpu.dimension_semantics<core_parallel>, #tpu.dimension_semantics<subcore_parallel>], iteration_bounds = array<i64: 2, 16>, scalar_prefetch = 0 : i64, scratch_operands = 13 : i64, tpu.core_type = #tpu.core_type<sc_vector_subcore>, window_params = [{transform_indices = #map}, {transform_indices = #map1}, {transform_indices = #map1}]} {
    %mul3A = arith.constant 16 : i32
    %mul3A_0 = arith.muli %arg0, %mul3A : i32
    %add3A = arith.addi %mul3A_0, %arg1 : i32
    %iota3A = tpu.iota {dimensions = array<i32: 0>} : vector<16xi32>
    %and3A = arith.constant 7 : i32
    %and3A_1 = vector.broadcast %and3A : i32 to vector<16xi32>
    %and3A_2 = arith.andi %iota3A, %and3A_1 : vector<16xi32>
    %broadcast_in_dim3A = arith.constant 0.000000e+00 : f32
    %broadcast_in_dim3A_3 = vector.broadcast %broadcast_in_dim3A : f32 to vector<16xf32>
    %scan3A = arith.constant 0 : i32
    %scan3A_4 = arith.constant 0 : i32
    %scan3A_5 = arith.constant 32 : i32
    %scan3A_6 = arith.addi %scan3A_4, %scan3A_5 : i32
    %scan3A_7 = arith.constant 1 : i32
    scf.for %scan3A_1733 = %scan3A_4 to %scan3A_6 step %scan3A_7  : i32 {
      %swap3A_1734 = arith.index_cast %scan3A_1733 : i32 to index
      %swap3A_1735 = arith.constant 0 : index
      %swap3A_1736 = tpu.vector_load %arg11[%swap3A_1734, %swap3A_1735] {strides = array<i32>} : memref<32x128xf32, #tpu.memory_space<vmem>>, vector<1x16xf32>,
      %swap3A_1737 = vector.shape_cast %swap3A_1736 : vector<1x16xf32> to vector<16xf32>
      %swap3A_1738 = vector.shape_cast %broadcast_in_dim3A_3 : vector<16xf32> to vector<1x16xf32>
      tpu.vector_store %arg11[%swap3A_1734, %swap3A_1735], %swap3A_1738 {strides = array<i32>} : memref<32x128xf32, #tpu.memory_space<vmem>>, vector<1x16xf32>,
      %swap3A_1739 = arith.index_cast %scan3A_1733 : i32 to index
      %swap3A_1740 = arith.constant 16 : index
      %swap3A_1741 = tpu.vector_load %arg11[%swap3A_1739, %swap3A_1740] {strides = array<i32>} : memref<32x128xf32, #tpu.memory_space<vmem>>, vector<1x16xf32>,
      %swap3A_1742 = vector.shape_cast %swap3A_1741 : vector<1x16xf32> to vector<16xf32>
      %swap3A_1743 = vector.shape_cast %broadcast_in_dim3A_3 : vector<16xf32> to vector<1x16xf32>
      tpu.vector_store %arg11[%swap3A_1739, %swap3A_1740], %swap3A_1743 {strides = array<i32>} : memref<32x128xf32, #tpu.memory_space<vmem>>, vector<1x16xf32>,
      %swap3A_1744 = arith.index_cast %scan3A_1733 : i32 to index
      %swap3A_1745 = arith.constant 32 : index
      %swap3A_1746 = tpu.vector_load %arg11[%swap3A_1744, %swap3A_1745] {strides = array<i32>} : memref<32x128xf32, #tpu.memory_space<vmem>>, vector<1x16xf32>,
      %swap3A_1747 = vector.shape_cast %swap3A_1746 : vector<1x16xf32> to vector<16xf32>
      %swap3A_1748 = vector.shape_cast %broadcast_in_dim3A_3 : vector<16xf32> to vector<1x16xf32>
      tpu.vector_store %arg11[%swap3A_1744, %swap3A_1745], %swap3A_1748 {strides = array<i32>} : memref<32x128xf32, #tpu.memory_space<vmem>>, vector<1x16xf32>,
      %swap3A_1749 = arith.index_cast %scan3A_1733 : i32 to index
      %swap3A_1750 = arith.constant 48 : index
      %swap3A_1751 = tpu.vector_load %arg11[%swap3A_1749, %swap3A_1750] {strides = array<i32>} : memref<32x128xf32, #tpu.memory_space<vmem>>, vector<1x16xf32>,
      %swap3A_1752 = vector.shape_cast %swap3A_1751 : vector<1x16xf32> to vector<16xf32>
      %swap3A_1753 = vector.shape_cast %broadcast_in_dim3A_3 : vector<16xf32> to vector<1x16xf32>
      tpu.vector_store %arg11[%swap3A_1749, %swap3A_1750], %swap3A_1753 {strides = array<i32>} : memref<32x128xf32, #tpu.memory_space<vmem>>, vector<1x16xf32>,
      %swap3A_1754 = arith.index_cast %scan3A_1733 : i32 to index
      %swap3A_1755 = arith.constant 64 : index
      %swap3A_1756 = tpu.vector_load %arg11[%swap3A_1754, %swap3A_1755] {strides = array<i32>} : memref<32x128xf32, #tpu.memory_space<vmem>>, vector<1x16xf32>,
      %swap3A_1757 = vector.shape_cast %swap3A_1756 : vector<1x16xf32> to vector<16xf32>
      %swap3A_1758 = vector.shape_cast %broadcast_in_dim3A_3 : vector<16xf32> to vector<1x16xf32>
      tpu.vector_store %arg11[%swap3A_1754, %swap3A_1755], %swap3A_1758 {strides = array<i32>} : memref<32x128xf32, #tpu.memory_space<vmem>>, vector<1x16xf32>,
      %swap3A_1759 = arith.index_cast %scan3A_1733 : i32 to index
      %swap3A_1760 = arith.constant 80 : index
      %swap3A_1761 = tpu.vector_load %arg11[%swap3A_1759, %swap3A_1760] {strides = array<i32>} : memref<32x128xf32, #tpu.memory_space<vmem>>, vector<1x16xf32>,
      %swap3A_1762 = vector.shape_cast %swap3A_1761 : vector<1x16xf32> to vector<16xf32>
      %swap3A_1763 = vector.shape_cast %broadcast_in_dim3A_3 : vector<16xf32> to vector<1x16xf32>
      tpu.vector_store %arg11[%swap3A_1759, %swap3A_1760], %swap3A_1763 {strides = array<i32>} : memref<32x128xf32, #tpu.memory_space<vmem>>, vector<1x16xf32>,
      %swap3A_1764 = arith.index_cast %scan3A_1733 : i32 to index
      %swap3A_1765 = arith.constant 96 : index
      %swap3A_1766 = tpu.vector_load %arg11[%swap3A_1764, %swap3A_1765] {strides = array<i32>} : memref<32x128xf32, #tpu.memory_space<vmem>>, vector<1x16xf32>,
      %swap3A_1767 = vector.shape_cast %swap3A_1766 : vector<1x16xf32> to vector<16xf32>
      %swap3A_1768 = vector.shape_cast %broadcast_in_dim3A_3 : vector<16xf32> to vector<1x16xf32>
      tpu.vector_store %arg11[%swap3A_1764, %swap3A_1765], %swap3A_1768 {strides = array<i32>} : memref<32x128xf32, #tpu.memory_space<vmem>>, vector<1x16xf32>,
      %swap3A_1769 = arith.index_cast %scan3A_1733 : i32 to index
      %swap3A_1770 = arith.constant 112 : index
      %swap3A_1771 = tpu.vector_load %arg11[%swap3A_1769, %swap3A_1770] {strides = array<i32>} : memref<32x128xf32, #tpu.memory_space<vmem>>, vector<1x16xf32>,
      %swap3A_1772 = vector.shape_cast %swap3A_1771 : vector<1x16xf32> to vector<16xf32>
      %swap3A_1773 = vector.shape_cast %broadcast_in_dim3A_3 : vector<16xf32> to vector<1x16xf32>
      tpu.vector_store %arg11[%swap3A_1769, %swap3A_1770], %swap3A_1773 {strides = array<i32>} : memref<32x128xf32, #tpu.memory_space<vmem>>, vector<1x16xf32>,
    }
    %scan3A_8 = arith.constant 32 : i32
    %mul3A_9 = arith.constant 32 : i32
    %mul3A_10 = arith.muli %arg1, %mul3A_9 : i32
    "tpu.region"() ({
      %run_scoped3A = tpu.sem_alloc : memref<!tpu.dma_semaphore, #tpu.memory_space<semaphore_mem>>
      %dma_start3A_1733 = arith.constant 0 : i32
      %dma_start3A_1734 = tpu.memref_slice %arg13[%mul3A_10, %dma_start3A_1733] : memref<512x128xf32, #tpu.memory_space<vmem_shared>> -> memref<32x128xf32, #tpu.memory_space<vmem_shared>>
      %dma_start3A_1735 = arith.constant 0 : i32
      %dma_start3A_1736 = tpu.memref_slice %arg13[%mul3A_10, %dma_start3A_1735] : memref<512x128xf32, #tpu.memory_space<vmem_shared>> -> memref<32x128xf32, #tpu.memory_space<vmem_shared>>
      tpu.enqueue_dma source(%arg11 : memref<32x128xf32, #tpu.memory_space<vmem>>) target(%dma_start3A_1736 : memref<32x128xf32, #tpu.memory_space<vmem_shared>>) target_semaphore(%run_scoped3A : memref<!tpu.dma_semaphore, #tpu.memory_space<semaphore_mem>>)
      %dma_wait3A = arith.constant 0 : i32
      %dma_wait3A_1737 = tpu.memref_slice %arg13[%mul3A_10, %dma_wait3A] : memref<512x128xf32, #tpu.memory_space<vmem_shared>> -> memref<32x128xf32, #tpu.memory_space<vmem_shared>>
      %dma_wait3A_1738 = arith.constant 0 : i32
      %dma_wait3A_1739 = tpu.memref_slice %arg13[%mul3A_10, %dma_wait3A_1738] : memref<512x128xf32, #tpu.memory_space<vmem_shared>> -> memref<32x128xf32, #tpu.memory_space<vmem_shared>>
      tpu.wait_dma2 semaphore(%run_scoped3A : memref<!tpu.dma_semaphore, #tpu.memory_space<semaphore_mem>>) src(%arg11 : memref<32x128xf32, #tpu.memory_space<vmem>>) dst(%dma_wait3A_1739 : memref<32x128xf32, #tpu.memory_space<vmem_shared>>)
      tpu.yield
    }) : () -> ()
    %barrier3A = arith.constant 0 : index
    tpu.barrier barrier_id(%barrier3A)
    %lt3A = arith.constant 2 : i32
    %lt3A_11 = arith.cmpi slt, %add3A, %lt3A : i32
    %jit3A = arith.constant 22 : i32
    %jit3A_12 = arith.constant 21 : i32
    %select_n3A = arith.select %lt3A_11, %jit3A, %jit3A_12 : i32
    %mul3A_13 = arith.constant 80 : i32
    %mul3A_14 = arith.muli %add3A, %mul3A_13 : i32
    %add3A_15 = arith.constant 46080 : i32
    %add3A_16 = arith.addi %add3A_15, %mul3A_14 : i32
    %dma_start3A = arith.constant 0 : i32
    %dma_start3A_17 = tpu.memref_slice %arg2[%add3A_16, %dma_start3A] : memref<100000x128xf32, #tpu.memory_space<hbm>> -> memref<80x128xf32, #tpu.memory_space<hbm>>
    %dma_start3A_18 = arith.constant 0 : i32
    %dma_start3A_19 = tpu.memref_slice %arg2[%add3A_16, %dma_start3A_18] : memref<100000x128xf32, #tpu.memory_space<hbm>> -> memref<80x128xf32, #tpu.memory_space<hbm>>
    tpu.enqueue_dma source(%dma_start3A_19 : memref<80x128xf32, #tpu.memory_space<hbm>>) target(%arg5 : memref<80x128xf32, #tpu.memory_space<vmem>>) target_semaphore(%arg14 : memref<!tpu.dma_semaphore, #tpu.memory_space<semaphore_mem>>)
    %dma_start3A_20 = arith.constant 0 : i32
    %dma_start3A_21 = arith.constant 0 : i32
    %dma_start3A_22 = tpu.memref_slice %arg3[%add3A, %dma_start3A_20, %dma_start3A_21] : memref<674x1x80xi32, #tpu.memory_space<hbm>> -> memref<1x1x80xi32, #tpu.memory_space<hbm>>
    %dma_start3A_23 = tpu.memref_squeeze %dma_start3A_22 : memref<1x1x80xi32, #tpu.memory_space<hbm>> -> memref<1x80xi32, #tpu.memory_space<hbm>>
    %dma_start3A_24 = arith.constant 0 : i32
    %dma_start3A_25 = arith.constant 0 : i32
    %dma_start3A_26 = tpu.memref_slice %arg3[%add3A, %dma_start3A_24, %dma_start3A_25] : memref<674x1x80xi32, #tpu.memory_space<hbm>> -> memref<1x1x80xi32, #tpu.memory_space<hbm>>
    %dma_start3A_27 = tpu.memref_squeeze %dma_start3A_26 : memref<1x1x80xi32, #tpu.memory_space<hbm>> -> memref<1x80xi32, #tpu.memory_space<hbm>>
    tpu.enqueue_dma source(%dma_start3A_27 : memref<1x80xi32, #tpu.memory_space<hbm>>) target(%arg7 : memref<1x80xi32, #tpu.memory_space<vmem>>) target_semaphore(%arg15 : memref<!tpu.dma_semaphore, #tpu.memory_space<semaphore_mem>>)
    %scan3A_28 = arith.constant 0 : i32
    %scan3A_29 = arith.constant 0 : i32
    %scan3A_30 = arith.constant 11 : i32
    %scan3A_31 = arith.addi %scan3A_29, %scan3A_30 : i32
    %scan3A_32 = arith.constant 1 : i32
    scf.for %scan3A_1733 = %scan3A_29 to %scan3A_31 step %scan3A_32  : i32 {
      %mul3A_1734 = arith.constant 2 : i32
      %mul3A_1735 = arith.muli %mul3A_1734, %scan3A_1733 : i32
      %lt3A_1736 = arith.cmpi slt, %mul3A_1735, %select_n3A : i32
      %convert_element_type3A = arith.extui %lt3A_1736 : i1 to i32
      %cond3A = arith.constant 0 : i32
      %cond3A_1737 = arith.cmpi ne, %convert_element_type3A, %cond3A : i32
      scf.if %cond3A_1737 {
        %add3A_1746 = arith.constant 1 : i32
        %add3A_1747 = arith.addi %mul3A_1735, %add3A_1746 : i32
        %lt3A_1748 = arith.cmpi slt, %add3A_1747, %select_n3A : i32
        %convert_element_type3A_1749 = arith.extui %lt3A_1748 : i1 to i32
        %cond3A_1750 = arith.constant 0 : i32
        %cond3A_1751 = arith.cmpi ne, %convert_element_type3A_1749, %cond3A_1750 : i32
        scf.if %cond3A_1751 {
          %add3A_1841 = arith.constant 1 : i32
          %add3A_1842 = arith.addi %mul3A_1735, %add3A_1841 : i32
          %mul3A_1843 = arith.constant 32 : i32
          %mul3A_1844 = arith.muli %add3A_1842, %mul3A_1843 : i32
          %add3A_1845 = arith.addi %mul3A_1844, %add3A : i32
          %mul3A_1846 = arith.constant 80 : i32
          %mul3A_1847 = arith.muli %add3A_1845, %mul3A_1846 : i32
          %add3A_1848 = arith.constant 46080 : i32
          %add3A_1849 = arith.addi %add3A_1848, %mul3A_1847 : i32
          %dma_start3A_1850 = arith.constant 0 : i32
          %dma_start3A_1851 = tpu.memref_slice %arg2[%add3A_1849, %dma_start3A_1850] : memref<100000x128xf32, #tpu.memory_space<hbm>> -> memref<80x128xf32, #tpu.memory_space<hbm>>
          %dma_start3A_1852 = arith.constant 0 : i32
          %dma_start3A_1853 = tpu.memref_slice %arg2[%add3A_1849, %dma_start3A_1852] : memref<100000x128xf32, #tpu.memory_space<hbm>> -> memref<80x128xf32, #tpu.memory_space<hbm>>
          tpu.enqueue_dma source(%dma_start3A_1853 : memref<80x128xf32, #tpu.memory_space<hbm>>) target(%arg6 : memref<80x128xf32, #tpu.memory_space<vmem>>) target_semaphore(%arg16 : memref<!tpu.dma_semaphore, #tpu.memory_space<semaphore_mem>>)
          %dma_start3A_1854 = arith.constant 0 : i32
          %dma_start3A_1855 = arith.constant 0 : i32
          %dma_start3A_1856 = tpu.memref_slice %arg3[%add3A_1845, %dma_start3A_1854, %dma_start3A_1855] : memref<674x1x80xi32, #tpu.memory_space<hbm>> -> memref<1x1x80xi32, #tpu.memory_space<hbm>>
          %dma_start3A_1857 = tpu.memref_squeeze %dma_start3A_1856 : memref<1x1x80xi32, #tpu.memory_space<hbm>> -> memref<1x80xi32, #tpu.memory_space<hbm>>
          %dma_start3A_1858 = arith.constant 0 : i32
          %dma_start3A_1859 = arith.constant 0 : i32
          %dma_start3A_1860 = tpu.memref_slice %arg3[%add3A_1845, %dma_start3A_1858, %dma_start3A_1859] : memref<674x1x80xi32, #tpu.memory_space<hbm>> -> memref<1x1x80xi32, #tpu.memory_space<hbm>>
          %dma_start3A_1861 = tpu.memref_squeeze %dma_start3A_1860 : memref<1x1x80xi32, #tpu.memory_space<hbm>> -> memref<1x80xi32, #tpu.memory_space<hbm>>
          tpu.enqueue_dma source(%dma_start3A_1861 : memref<1x80xi32, #tpu.memory_space<hbm>>) target(%arg8 : memref<1x80xi32, #tpu.memory_space<vmem>>) target_semaphore(%arg17 : memref<!tpu.dma_semaphore, #tpu.memory_space<semaphore_mem>>)
        } else {
        }
        %dma_wait3A = arith.constant 0 : i32
        %dma_wait3A_1752 = arith.constant 0 : i32
        %dma_wait3A_1753 = tpu.memref_slice %arg2[%dma_wait3A, %dma_wait3A_1752] : memref<100000x128xf32, #tpu.memory_space<hbm>> -> memref<80x128xf32, #tpu.memory_space<hbm>>
        %dma_wait3A_1754 = arith.constant 0 : i32
        %dma_wait3A_1755 = arith.constant 0 : i32
        %dma_wait3A_1756 = tpu.memref_slice %arg2[%dma_wait3A_1754, %dma_wait3A_1755] : memref<100000x128xf32, #tpu.memory_space<hbm>> -> memref<80x128xf32, #tpu.memory_space<hbm>>
        tpu.wait_dma2 semaphore(%arg14 : memref<!tpu.dma_semaphore, #tpu.memory_space<semaphore_mem>>) src(%dma_wait3A_1756 : memref<80x128xf32, #tpu.memory_space<hbm>>) dst(%arg5 : memref<80x128xf32, #tpu.memory_space<vmem>>)
        %dma_wait3A_1757 = arith.constant 0 : i32
        %dma_wait3A_1758 = arith.constant 0 : i32
        %dma_wait3A_1759 = arith.constant 0 : i32
        %dma_wait3A_1760 = tpu.memref_slice %arg3[%dma_wait3A_1757, %dma_wait3A_1758, %dma_wait3A_1759] : memref<674x1x80xi32, #tpu.memory_space<hbm>> -> memref<1x1x80xi32, #tpu.memory_space<hbm>>
        %dma_wait3A_1761 = tpu.memref_squeeze %dma_wait3A_1760 : memref<1x1x80xi32, #tpu.memory_space<hbm>> -> memref<1x80xi32, #tpu.memory_space<hbm>>
        %dma_wait3A_1762 = arith.constant 0 : i32
        %dma_wait3A_1763 = arith.constant 0 : i32
        %dma_wait3A_1764 = tpu.memref_slice %arg3[%dma_wait3A_1757, %dma_wait3A_1762, %dma_wait3A_1763] : memref<674x1x80xi32, #tpu.memory_space<hbm>> -> memref<1x1x80xi32, #tpu.memory_space<hbm>>
        %dma_wait3A_1765 = tpu.memref_squeeze %dma_wait3A_1764 : memref<1x1x80xi32, #tpu.memory_space<hbm>> -> memref<1x80xi32, #tpu.memory_space<hbm>>
        tpu.wait_dma2 semaphore(%arg15 : memref<!tpu.dma_semaphore, #tpu.memory_space<semaphore_mem>>) src(%dma_wait3A_1765 : memref<1x80xi32, #tpu.memory_space<hbm>>) dst(%arg7 : memref<1x80xi32, #tpu.memory_space<vmem>>)
        %get3A_1766 = arith.constant 0 : i32
        %get3A_1767 = arith.index_cast %get3A_1766 : i32 to index
        %get3A_1768 = arith.constant 0 : index
        %get3A_1769 = tpu.vector_load %arg7[%get3A_1767, %get3A_1768] {strides = array<i32>} : memref<1x80xi32, #tpu.memory_space<vmem>>, vector<1x16xi32>,
        %get3A_1770 = vector.shape_cast %get3A_1769 : vector<1x16xi32> to vector<16xi32>
        %mul3A_1771 = arith.constant 8 : i32
        %mul3A_1772 = vector.broadcast %mul3A_1771 : i32 to vector<16xi32>
        %mul3A_1773 = arith.muli %get3A_1770, %mul3A_1772 : vector<16xi32>
        %add3A_1774 = arith.addi %mul3A_1773, %and3A_2 : vector<16xi32>
        %swap3A_1775 = arith.constant 0 : i32
        %swap3A_1776 = arith.index_cast %swap3A_1775 : i32 to index
        %swap3A_1777 = arith.constant 0 : index
        %swap3A_1778 = tpu.vector_load %arg9[%swap3A_1776, %swap3A_1777] {strides = array<i32>} : memref<1x80xi32, #tpu.memory_space<vmem>>, vector<1x16xi32>,
        %swap3A_1779 = vector.shape_cast %swap3A_1778 : vector<1x16xi32> to vector<16xi32>
        %swap3A_1780 = vector.shape_cast %add3A_1774 : vector<16xi32> to vector<1x16xi32>
        tpu.vector_store %arg9[%swap3A_1776, %swap3A_1777], %swap3A_1780 {strides = array<i32>} : memref<1x80xi32, #tpu.memory_space<vmem>>, vector<1x16xi32>,
        %get3A_1781 = arith.constant 0 : i32
        %get3A_1782 = arith.index_cast %get3A_1781 : i32 to index
        %get3A_1783 = arith.constant 16 : index
        %get3A_1784 = tpu.vector_load %arg7[%get3A_1782, %get3A_1783] {strides = array<i32>} : memref<1x80xi32, #tpu.memory_space<vmem>>, vector<1x16xi32>,
        %get3A_1785 = vector.shape_cast %get3A_1784 : vector<1x16xi32> to vector<16xi32>
        %mul3A_1786 = arith.constant 8 : i32
        %mul3A_1787 = vector.broadcast %mul3A_1786 : i32 to vector<16xi32>
        %mul3A_1788 = arith.muli %get3A_1785, %mul3A_1787 : vector<16xi32>
        %add3A_1789 = arith.addi %mul3A_1788, %and3A_2 : vector<16xi32>
        %swap3A_1790 = arith.constant 0 : i32
        %swap3A_1791 = arith.index_cast %swap3A_1790 : i32 to index
        %swap3A_1792 = arith.constant 16 : index
        %swap3A_1793 = tpu.vector_load %arg9[%swap3A_1791, %swap3A_1792] {strides = array<i32>} : memref<1x80xi32, #tpu.memory_space<vmem>>, vector<1x16xi32>,
        %swap3A_1794 = vector.shape_cast %swap3A_1793 : vector<1x16xi32> to vector<16xi32>
        %swap3A_1795 = vector.shape_cast %add3A_1789 : vector<16xi32> to vector<1x16xi32>
        tpu.vector_store %arg9[%swap3A_1791, %swap3A_1792], %swap3A_1795 {strides = array<i32>} : memref<1x80xi32, #tpu.memory_space<vmem>>, vector<1x16xi32>,
        %get3A_1796 = arith.constant 0 : i32
        %get3A_1797 = arith.index_cast %get3A_1796 : i32 to index
        %get3A_1798 = arith.constant 32 : index
        %get3A_1799 = tpu.vector_load %arg7[%get3A_1797, %get3A_1798] {strides = array<i32>} : memref<1x80xi32, #tpu.memory_space<vmem>>, vector<1x16xi32>,
        %get3A_1800 = vector.shape_cast %get3A_1799 : vector<1x16xi32> to vector<16xi32>
        %mul3A_1801 = arith.constant 8 : i32
        %mul3A_1802 = vector.broadcast %mul3A_1801 : i32 to vector<16xi32>
        %mul3A_1803 = arith.muli %get3A_1800, %mul3A_1802 : vector<16xi32>
        %add3A_1804 = arith.addi %mul3A_1803, %and3A_2 : vector<16xi32>
        %swap3A_1805 = arith.constant 0 : i32
        %swap3A_1806 = arith.index_cast %swap3A_1805 : i32 to index
        %swap3A_1807 = arith.constant 32 : index
        %swap3A_1808 = tpu.vector_load %arg9[%swap3A_1806, %swap3A_1807] {strides = array<i32>} : memref<1x80xi32, #tpu.memory_space<vmem>>, vector<1x16xi32>,
        %swap3A_1809 = vector.shape_cast %swap3A_1808 : vector<1x16xi32> to vector<16xi32>
        %swap3A_1810 = vector.shape_cast %add3A_1804 : vector<16xi32> to vector<1x16xi32>
        tpu.vector_store %arg9[%swap3A_1806, %swap3A_1807], %swap3A_1810 {strides = array<i32>} : memref<1x80xi32, #tpu.memory_space<vmem>>, vector<1x16xi32>,
        %get3A_1811 = arith.constant 0 : i32
        %get3A_1812 = arith.index_cast %get3A_1811 : i32 to index
        %get3A_1813 = arith.constant 48 : index
        %get3A_1814 = tpu.vector_load %arg7[%get3A_1812, %get3A_1813] {strides = array<i32>} : memref<1x80xi32, #tpu.memory_space<vmem>>, vector<1x16xi32>,
        %get3A_1815 = vector.shape_cast %get3A_1814 : vector<1x16xi32> to vector<16xi32>
        %mul3A_1816 = arith.constant 8 : i32
        %mul3A_1817 = vector.broadcast %mul3A_1816 : i32 to vector<16xi32>
        %mul3A_1818 = arith.muli %get3A_1815, %mul3A_1817 : vector<16xi32>
        %add3A_1819 = arith.addi %mul3A_1818, %and3A_2 : vector<16xi32>
        %swap3A_1820 = arith.constant 0 : i32
        %swap3A_1821 = arith.index_cast %swap3A_1820 : i32 to index
        %swap3A_1822 = arith.constant 48 : index
        %swap3A_1823 = tpu.vector_load %arg9[%swap3A_1821, %swap3A_1822] {strides = array<i32>} : memref<1x80xi32, #tpu.memory_space<vmem>>, vector<1x16xi32>,
        %swap3A_1824 = vector.shape_cast %swap3A_1823 : vector<1x16xi32> to vector<16xi32>
        %swap3A_1825 = vector.shape_cast %add3A_1819 : vector<16xi32> to vector<1x16xi32>
        tpu.vector_store %arg9[%swap3A_1821, %swap3A_1822], %swap3A_1825 {strides = array<i32>} : memref<1x80xi32, #tpu.memory_space<vmem>>, vector<1x16xi32>,
        %get3A_1826 = arith.constant 0 : i32
        %get3A_1827 = arith.index_cast %get3A_1826 : i32 to index
        %get3A_1828 = arith.constant 64 : index
        %get3A_1829 = tpu.vector_load %arg7[%get3A_1827, %get3A_1828] {strides = array<i32>} : memref<1x80xi32, #tpu.memory_space<vmem>>, vector<1x16xi32>,
        %get3A_1830 = vector.shape_cast %get3A_1829 : vector<1x16xi32> to vector<16xi32>
        %mul3A_1831 = arith.constant 8 : i32
        %mul3A_1832 = vector.broadcast %mul3A_1831 : i32 to vector<16xi32>
        %mul3A_1833 = arith.muli %get3A_1830, %mul3A_1832 : vector<16xi32>
        %add3A_1834 = arith.addi %mul3A_1833, %and3A_2 : vector<16xi32>
        %swap3A_1835 = arith.constant 0 : i32
        %swap3A_1836 = arith.index_cast %swap3A_1835 : i32 to index
        %swap3A_1837 = arith.constant 64 : index
        %swap3A_1838 = tpu.vector_load %arg9[%swap3A_1836, %swap3A_1837] {strides = array<i32>} : memref<1x80xi32, #tpu.memory_space<vmem>>, vector<1x16xi32>,
        %swap3A_1839 = vector.shape_cast %swap3A_1838 : vector<1x16xi32> to vector<16xi32>
        %swap3A_1840 = vector.shape_cast %add3A_1834 : vector<16xi32> to vector<1x16xi32>
        tpu.vector_store %arg9[%swap3A_1836, %swap3A_1837], %swap3A_1840 {strides = array<i32>} : memref<1x80xi32, #tpu.memory_space<vmem>>, vector<1x16xi32>,
        %run_scoped3A = arith.constant 0 : i32
        "tpu.region"() ({
          %run_scoped3A_1841 = tpu.sem_alloc : memref<!tpu.dma_semaphore, #tpu.memory_space<semaphore_mem>>
          %dma_start3A_1842 = arith.constant 0 : i32
          %dma_start3A_1843 = tpu.memref_slice %arg9[%run_scoped3A, %dma_start3A_1842] : memref<1x80xi32, #tpu.memory_space<vmem>> -> memref<1x80xi32, #tpu.memory_space<vmem>>
          %dma_start3A_1844 = tpu.memref_squeeze %dma_start3A_1843 : memref<1x80xi32, #tpu.memory_space<vmem>> -> memref<80xi32, #tpu.memory_space<vmem>>
          %dma_start3A_1845 = arith.constant 0 : i32
          %dma_start3A_1846 = arith.constant 0 : i32
          %dma_start3A_1847 = tpu.memref_slice %arg13[%dma_start3A_1845, %dma_start3A_1846] : memref<512x128xf32, #tpu.memory_space<vmem_shared>> -> memref<512x128xf32, #tpu.memory_space<vmem_shared>>
          tpu.enqueue_indirect_dma source(%arg5 : memref<80x128xf32, #tpu.memory_space<vmem>>) target(%dma_start3A_1847 : memref<512x128xf32, #tpu.memory_space<vmem_shared>>) offsets(%dma_start3A_1844 : memref<80xi32, #tpu.memory_space<vmem>>) semaphore(%run_scoped3A_1841 : memref<!tpu.dma_semaphore, #tpu.memory_space<semaphore_mem>>) {add = true}
          %dma_wait3A_1848 = arith.constant 0 : i32
          %dma_wait3A_1849 = tpu.memref_slice %arg9[%run_scoped3A, %dma_wait3A_1848] : memref<1x80xi32, #tpu.memory_space<vmem>> -> memref<1x80xi32, #tpu.memory_space<vmem>>
          %dma_wait3A_1850 = tpu.memref_squeeze %dma_wait3A_1849 : memref<1x80xi32, #tpu.memory_space<vmem>> -> memref<80xi32, #tpu.memory_space<vmem>>
          %dma_wait3A_1851 = arith.constant 0 : i32
          %dma_wait3A_1852 = arith.constant 0 : i32
          %dma_wait3A_1853 = tpu.memref_slice %arg13[%dma_wait3A_1851, %dma_wait3A_1852] : memref<512x128xf32, #tpu.memory_space<vmem_shared>> -> memref<512x128xf32, #tpu.memory_space<vmem_shared>>
          tpu.wait_indirect_dma semaphore(%run_scoped3A_1841 : memref<!tpu.dma_semaphore, #tpu.memory_space<semaphore_mem>>) src(%arg5 : memref<80x128xf32, #tpu.memory_space<vmem>>) dst(%dma_wait3A_1853 : memref<512x128xf32, #tpu.memory_space<vmem_shared>>)
          tpu.yield
        }) : () -> ()
      } else {
      }
      %mul3A_1738 = arith.constant 2 : i32
      %mul3A_1739 = arith.muli %mul3A_1738, %scan3A_1733 : i32
      %add3A_1740 = arith.constant 1 : i32
      %add3A_1741 = arith.addi %mul3A_1739, %add3A_1740 : i32
      %lt3A_1742 = arith.cmpi slt, %add3A_1741, %select_n3A : i32
      %convert_element_type3A_1743 = arith.extui %lt3A_1742 : i1 to i32
      %cond3A_1744 = arith.constant 0 : i32
      %cond3A_1745 = arith.cmpi ne, %convert_element_type3A_1743, %cond3A_1744 : i32
      scf.if %cond3A_1745 {
        %add3A_1746 = arith.constant 1 : i32
        %add3A_1747 = arith.addi %add3A_1741, %add3A_1746 : i32
        %lt3A_1748 = arith.cmpi slt, %add3A_1747, %select_n3A : i32
        %convert_element_type3A_1749 = arith.extui %lt3A_1748 : i1 to i32
        %cond3A_1750 = arith.constant 0 : i32
        %cond3A_1751 = arith.cmpi ne, %convert_element_type3A_1749, %cond3A_1750 : i32
        scf.if %cond3A_1751 {
          %add3A_1841 = arith.constant 1 : i32
          %add3A_1842 = arith.addi %add3A_1741, %add3A_1841 : i32
          %mul3A_1843 = arith.constant 32 : i32
          %mul3A_1844 = arith.muli %add3A_1842, %mul3A_1843 : i32
          %add3A_1845 = arith.addi %mul3A_1844, %add3A : i32
          %mul3A_1846 = arith.constant 80 : i32
          %mul3A_1847 = arith.muli %add3A_1845, %mul3A_1846 : i32
          %add3A_1848 = arith.constant 46080 : i32
          %add3A_1849 = arith.addi %add3A_1848, %mul3A_1847 : i32
          %dma_start3A_1850 = arith.constant 0 : i32
          %dma_start3A_1851 = tpu.memref_slice %arg2[%add3A_1849, %dma_start3A_1850] : memref<100000x128xf32, #tpu.memory_space<hbm>> -> memref<80x128xf32, #tpu.memory_space<hbm>>
          %dma_start3A_1852 = arith.constant 0 : i32
          %dma_start3A_1853 = tpu.memref_slice %arg2[%add3A_1849, %dma_start3A_1852] : memref<100000x128xf32, #tpu.memory_space<hbm>> -> memref<80x128xf32, #tpu.memory_space<hbm>>
          tpu.enqueue_dma source(%dma_start3A_1853 : memref<80x128xf32, #tpu.memory_space<hbm>>) target(%arg5 : memref<80x128xf32, #tpu.memory_space<vmem>>) target_semaphore(%arg14 : memref<!tpu.dma_semaphore, #tpu.memory_space<semaphore_mem>>)
          %dma_start3A_1854 = arith.constant 0 : i32
          %dma_start3A_1855 = arith.constant 0 : i32
          %dma_start3A_1856 = tpu.memref_slice %arg3[%add3A_1845, %dma_start3A_1854, %dma_start3A_1855] : memref<674x1x80xi32, #tpu.memory_space<hbm>> -> memref<1x1x80xi32, #tpu.memory_space<hbm>>
          %dma_start3A_1857 = tpu.memref_squeeze %dma_start3A_1856 : memref<1x1x80xi32, #tpu.memory_space<hbm>> -> memref<1x80xi32, #tpu.memory_space<hbm>>
          %dma_start3A_1858 = arith.constant 0 : i32
          %dma_start3A_1859 = arith.constant 0 : i32
          %dma_start3A_1860 = tpu.memref_slice %arg3[%add3A_1845, %dma_start3A_1858, %dma_start3A_1859] : memref<674x1x80xi32, #tpu.memory_space<hbm>> -> memref<1x1x80xi32, #tpu.memory_space<hbm>>
          %dma_start3A_1861 = tpu.memref_squeeze %dma_start3A_1860 : memref<1x1x80xi32, #tpu.memory_space<hbm>> -> memref<1x80xi32, #tpu.memory_space<hbm>>
          tpu.enqueue_dma source(%dma_start3A_1861 : memref<1x80xi32, #tpu.memory_space<hbm>>) target(%arg7 : memref<1x80xi32, #tpu.memory_space<vmem>>) target_semaphore(%arg15 : memref<!tpu.dma_semaphore, #tpu.memory_space<semaphore_mem>>)
        } else {
        }
        %dma_wait3A = arith.constant 0 : i32
        %dma_wait3A_1752 = arith.constant 0 : i32
        %dma_wait3A_1753 = tpu.memref_slice %arg2[%dma_wait3A, %dma_wait3A_1752] : memref<100000x128xf32, #tpu.memory_space<hbm>> -> memref<80x128xf32, #tpu.memory_space<hbm>>
        %dma_wait3A_1754 = arith.constant 0 : i32
        %dma_wait3A_1755 = arith.constant 0 : i32
        %dma_wait3A_1756 = tpu.memref_slice %arg2[%dma_wait3A_1754, %dma_wait3A_1755] : memref<100000x128xf32, #tpu.memory_space<hbm>> -> memref<80x128xf32, #tpu.memory_space<hbm>>
        tpu.wait_dma2 semaphore(%arg16 : memref<!tpu.dma_semaphore, #tpu.memory_space<semaphore_mem>>) src(%dma_wait3A_1756 : memref<80x128xf32, #tpu.memory_space<hbm>>) dst(%arg6 : memref<80x128xf32, #tpu.memory_space<vmem>>)
        %dma_wait3A_1757 = arith.constant 0 : i32
        %dma_wait3A_1758 = arith.constant 0 : i32
        %dma_wait3A_1759 = arith.constant 0 : i32
        %dma_wait3A_1760 = tpu.memref_slice %arg3[%dma_wait3A_1757, %dma_wait3A_1758, %dma_wait3A_1759] : memref<674x1x80xi32, #tpu.memory_space<hbm>> -> memref<1x1x80xi32, #tpu.memory_space<hbm>>
        %dma_wait3A_1761 = tpu.memref_squeeze %dma_wait3A_1760 : memref<1x1x80xi32, #tpu.memory_space<hbm>> -> memref<1x80xi32, #tpu.memory_space<hbm>>
        %dma_wait3A_1762 = arith.constant 0 : i32
        %dma_wait3A_1763 = arith.constant 0 : i32
        %dma_wait3A_1764 = tpu.memref_slice %arg3[%dma_wait3A_1757, %dma_wait3A_1762, %dma_wait3A_1763] : memref<674x1x80xi32, #tpu.memory_space<hbm>> -> memref<1x1x80xi32, #tpu.memory_space<hbm>>
        %dma_wait3A_1765 = tpu.memref_squeeze %dma_wait3A_1764 : memref<1x1x80xi32, #tpu.memory_space<hbm>> -> memref<1x80xi32, #tpu.memory_space<hbm>>
        tpu.wait_dma2 semaphore(%arg17 : memref<!tpu.dma_semaphore, #tpu.memory_space<semaphore_mem>>) src(%dma_wait3A_1765 : memref<1x80xi32, #tpu.memory_space<hbm>>) dst(%arg8 : memref<1x80xi32, #tpu.memory_space<vmem>>)
        %get3A_1766 = arith.constant 0 : i32
        %get3A_1767 = arith.index_cast %get3A_1766 : i32 to index
        %get3A_1768 = arith.constant 0 : index
        %get3A_1769 = tpu.vector_load %arg8[%get3A_1767, %get3A_1768] {strides = array<i32>} : memref<1x80xi32, #tpu.memory_space<vmem>>, vector<1x16xi32>,
        %get3A_1770 = vector.shape_cast %get3A_1769 : vector<1x16xi32> to vector<16xi32>
        %mul3A_1771 = arith.constant 8 : i32
        %mul3A_1772 = vector.broadcast %mul3A_1771 : i32 to vector<16xi32>
        %mul3A_1773 = arith.muli %get3A_1770, %mul3A_1772 : vector<16xi32>
        %add3A_1774 = arith.addi %mul3A_1773, %and3A_2 : vector<16xi32>
        %swap3A_1775 = arith.constant 0 : i32
        %swap3A_1776 = arith.index_cast %swap3A_1775 : i32 to index
        %swap3A_1777 = arith.constant 0 : index
        %swap3A_1778 = tpu.vector_load %arg10[%swap3A_1776, %swap3A_1777] {strides = array<i32>} : memref<1x80xi32, #tpu.memory_space<vmem>>, vector<1x16xi32>,
        %swap3A_1779 = vector.shape_cast %swap3A_1778 : vector<1x16xi32> to vector<16xi32>
        %swap3A_1780 = vector.shape_cast %add3A_1774 : vector<16xi32> to vector<1x16xi32>
        tpu.vector_store %arg10[%swap3A_1776, %swap3A_1777], %swap3A_1780 {strides = array<i32>} : memref<1x80xi32, #tpu.memory_space<vmem>>, vector<1x16xi32>,
        %get3A_1781 = arith.constant 0 : i32
        %get3A_1782 = arith.index_cast %get3A_1781 : i32 to index
        %get3A_1783 = arith.constant 16 : index
        %get3A_1784 = tpu.vector_load %arg8[%get3A_1782, %get3A_1783] {strides = array<i32>} : memref<1x80xi32, #tpu.memory_space<vmem>>, vector<1x16xi32>,
        %get3A_1785 = vector.shape_cast %get3A_1784 : vector<1x16xi32> to vector<16xi32>
        %mul3A_1786 = arith.constant 8 : i32
        %mul3A_1787 = vector.broadcast %mul3A_1786 : i32 to vector<16xi32>
        %mul3A_1788 = arith.muli %get3A_1785, %mul3A_1787 : vector<16xi32>
        %add3A_1789 = arith.addi %mul3A_1788, %and3A_2 : vector<16xi32>
        %swap3A_1790 = arith.constant 0 : i32
        %swap3A_1791 = arith.index_cast %swap3A_1790 : i32 to index
        %swap3A_1792 = arith.constant 16 : index
        %swap3A_1793 = tpu.vector_load %arg10[%swap3A_1791, %swap3A_1792] {strides = array<i32>} : memref<1x80xi32, #tpu.memory_space<vmem>>, vector<1x16xi32>,
        %swap3A_1794 = vector.shape_cast %swap3A_1793 : vector<1x16xi32> to vector<16xi32>
        %swap3A_1795 = vector.shape_cast %add3A_1789 : vector<16xi32> to vector<1x16xi32>
        tpu.vector_store %arg10[%swap3A_1791, %swap3A_1792], %swap3A_1795 {strides = array<i32>} : memref<1x80xi32, #tpu.memory_space<vmem>>, vector<1x16xi32>,
        %get3A_1796 = arith.constant 0 : i32
        %get3A_1797 = arith.index_cast %get3A_1796 : i32 to index
        %get3A_1798 = arith.constant 32 : index
        %get3A_1799 = tpu.vector_load %arg8[%get3A_1797, %get3A_1798] {strides = array<i32>} : memref<1x80xi32, #tpu.memory_space<vmem>>, vector<1x16xi32>,
        %get3A_1800 = vector.shape_cast %get3A_1799 : vector<1x16xi32> to vector<16xi32>
        %mul3A_1801 = arith.constant 8 : i32
        %mul3A_1802 = vector.broadcast %mul3A_1801 : i32 to vector<16xi32>
        %mul3A_1803 = arith.muli %get3A_1800, %mul3A_1802 : vector<16xi32>
        %add3A_1804 = arith.addi %mul3A_1803, %and3A_2 : vector<16xi32>
        %swap3A_1805 = arith.constant 0 : i32
        %swap3A_1806 = arith.index_cast %swap3A_1805 : i32 to index
        %swap3A_1807 = arith.constant 32 : index
        %swap3A_1808 = tpu.vector_load %arg10[%swap3A_1806, %swap3A_1807] {strides = array<i32>} : memref<1x80xi32, #tpu.memory_space<vmem>>, vector<1x16xi32>,
        %swap3A_1809 = vector.shape_cast %swap3A_1808 : vector<1x16xi32> to vector<16xi32>
        %swap3A_1810 = vector.shape_cast %add3A_1804 : vector<16xi32> to vector<1x16xi32>
        tpu.vector_store %arg10[%swap3A_1806, %swap3A_1807], %swap3A_1810 {strides = array<i32>} : memref<1x80xi32, #tpu.memory_space<vmem>>, vector<1x16xi32>,
        %get3A_1811 = arith.constant 0 : i32
        %get3A_1812 = arith.index_cast %get3A_1811 : i32 to index
        %get3A_1813 = arith.constant 48 : index
        %get3A_1814 = tpu.vector_load %arg8[%get3A_1812, %get3A_1813] {strides = array<i32>} : memref<1x80xi32, #tpu.memory_space<vmem>>, vector<1x16xi32>,
        %get3A_1815 = vector.shape_cast %get3A_1814 : vector<1x16xi32> to vector<16xi32>
        %mul3A_1816 = arith.constant 8 : i32
        %mul3A_1817 = vector.broadcast %mul3A_1816 : i32 to vector<16xi32>
        %mul3A_1818 = arith.muli %get3A_1815, %mul3A_1817 : vector<16xi32>
        %add3A_1819 = arith.addi %mul3A_1818, %and3A_2 : vector<16xi32>
        %swap3A_1820 = arith.constant 0 : i32
        %swap3A_1821 = arith.index_cast %swap3A_1820 : i32 to index
        %swap3A_1822 = arith.constant 48 : index
        %swap3A_1823 = tpu.vector_load %arg10[%swap3A_1821, %swap3A_1822] {strides = array<i32>} : memref<1x80xi32, #tpu.memory_space<vmem>>, vector<1x16xi32>,
        %swap3A_1824 = vector.shape_cast %swap3A_1823 : vector<1x16xi32> to vector<16xi32>
        %swap3A_1825 = vector.shape_cast %add3A_1819 : vector<16xi32> to vector<1x16xi32>
        tpu.vector_store %arg10[%swap3A_1821, %swap3A_1822], %swap3A_1825 {strides = array<i32>} : memref<1x80xi32, #tpu.memory_space<vmem>>, vector<1x16xi32>,
        %get3A_1826 = arith.constant 0 : i32
        %get3A_1827 = arith.index_cast %get3A_1826 : i32 to index
        %get3A_1828 = arith.constant 64 : index
        %get3A_1829 = tpu.vector_load %arg8[%get3A_1827, %get3A_1828] {strides = array<i32>} : memref<1x80xi32, #tpu.memory_space<vmem>>, vector<1x16xi32>,
        %get3A_1830 = vector.shape_cast %get3A_1829 : vector<1x16xi32> to vector<16xi32>
        %mul3A_1831 = arith.constant 8 : i32
        %mul3A_1832 = vector.broadcast %mul3A_1831 : i32 to vector<16xi32>
        %mul3A_1833 = arith.muli %get3A_1830, %mul3A_1832 : vector<16xi32>
        %add3A_1834 = arith.addi %mul3A_1833, %and3A_2 : vector<16xi32>
        %swap3A_1835 = arith.constant 0 : i32
        %swap3A_1836 = arith.index_cast %swap3A_1835 : i32 to index
        %swap3A_1837 = arith.constant 64 : index
        %swap3A_1838 = tpu.vector_load %arg10[%swap3A_1836, %swap3A_1837] {strides = array<i32>} : memref<1x80xi32, #tpu.memory_space<vmem>>, vector<1x16xi32>,
        %swap3A_1839 = vector.shape_cast %swap3A_1838 : vector<1x16xi32> to vector<16xi32>
        %swap3A_1840 = vector.shape_cast %add3A_1834 : vector<16xi32> to vector<1x16xi32>
        tpu.vector_store %arg10[%swap3A_1836, %swap3A_1837], %swap3A_1840 {strides = array<i32>} : memref<1x80xi32, #tpu.memory_space<vmem>>, vector<1x16xi32>,
        %run_scoped3A = arith.constant 0 : i32
        "tpu.region"() ({
          %run_scoped3A_1841 = tpu.sem_alloc : memref<!tpu.dma_semaphore, #tpu.memory_space<semaphore_mem>>
          %dma_start3A_1842 = arith.constant 0 : i32
          %dma_start3A_1843 = tpu.memref_slice %arg10[%run_scoped3A, %dma_start3A_1842] : memref<1x80xi32, #tpu.memory_space<vmem>> -> memref<1x80xi32, #tpu.memory_space<vmem>>
          %dma_start3A_1844 = tpu.memref_squeeze %dma_start3A_1843 : memref<1x80xi32, #tpu.memory_space<vmem>> -> memref<80xi32, #tpu.memory_space<vmem>>
          %dma_start3A_1845 = arith.constant 0 : i32
          %dma_start3A_1846 = arith.constant 0 : i32
          %dma_start3A_1847 = tpu.memref_slice %arg13[%dma_start3A_1845, %dma_start3A_1846] : memref<512x128xf32, #tpu.memory_space<vmem_shared>> -> memref<512x128xf32, #tpu.memory_space<vmem_shared>>
          tpu.enqueue_indirect_dma source(%arg6 : memref<80x128xf32, #tpu.memory_space<vmem>>) target(%dma_start3A_1847 : memref<512x128xf32, #tpu.memory_space<vmem_shared>>) offsets(%dma_start3A_1844 : memref<80xi32, #tpu.memory_space<vmem>>) semaphore(%run_scoped3A_1841 : memref<!tpu.dma_semaphore, #tpu.memory_space<semaphore_mem>>) {add = true}
          %dma_wait3A_1848 = arith.constant 0 : i32
          %dma_wait3A_1849 = tpu.memref_slice %arg10[%run_scoped3A, %dma_wait3A_1848] : memref<1x80xi32, #tpu.memory_space<vmem>> -> memref<1x80xi32, #tpu.memory_space<vmem>>
          %dma_wait3A_1850 = tpu.memref_squeeze %dma_wait3A_1849 : memref<1x80xi32, #tpu.memory_space<vmem>> -> memref<80xi32, #tpu.memory_space<vmem>>
          %dma_wait3A_1851 = arith.constant 0 : i32
          %dma_wait3A_1852 = arith.constant 0 : i32
          %dma_wait3A_1853 = tpu.memref_slice %arg13[%dma_wait3A_1851, %dma_wait3A_1852] : memref<512x128xf32, #tpu.memory_space<vmem_shared>> -> memref<512x128xf32, #tpu.memory_space<vmem_shared>>
          tpu.wait_indirect_dma semaphore(%run_scoped3A_1841 : memref<!tpu.dma_semaphore, #tpu.memory_space<semaphore_mem>>) src(%arg6 : memref<80x128xf32, #tpu.memory_space<vmem>>) dst(%dma_wait3A_1853 : memref<512x128xf32, #tpu.memory_space<vmem_shared>>)
          tpu.yield
        }) : () -> ()
      } else {
      }
    }
    %scan3A_33 = arith.constant 11 : i32
    %barrier3A_34 = arith.constant 0 : index
    tpu.barrier barrier_id(%barrier3A_34)
    %mul3A_35 = arith.constant 32 : i32
    %mul3A_36 = arith.muli %arg1, %mul3A_35 : i32
    "tpu.region"() ({
      %run_scoped3A = tpu.sem_alloc : memref<!tpu.dma_semaphore, #tpu.memory_space<semaphore_mem>>
      %dma_start3A_1733 = arith.constant 0 : i32
      %dma_start3A_1734 = tpu.memref_slice %arg13[%mul3A_36, %dma_start3A_1733] : memref<512x128xf32, #tpu.memory_space<vmem_shared>> -> memref<32x128xf32, #tpu.memory_space<vmem_shared>>
      %dma_start3A_1735 = arith.constant 0 : i32
      %dma_start3A_1736 = tpu.memref_slice %arg13[%mul3A_36, %dma_start3A_1735] : memref<512x128xf32, #tpu.memory_space<vmem_shared>> -> memref<32x128xf32, #tpu.memory_space<vmem_shared>>
      tpu.enqueue_dma source(%dma_start3A_1736 : memref<32x128xf32, #tpu.memory_space<vmem_shared>>) target(%arg11 : memref<32x128xf32, #tpu.memory_space<vmem>>) target_semaphore(%run_scoped3A : memref<!tpu.dma_semaphore, #tpu.memory_space<semaphore_mem>>)
      %dma_wait3A = arith.constant 0 : i32
      %dma_wait3A_1737 = tpu.memref_slice %arg13[%mul3A_36, %dma_wait3A] : memref<512x128xf32, #tpu.memory_space<vmem_shared>> -> memref<32x128xf32, #tpu.memory_space<vmem_shared>>
      %dma_wait3A_1738 = arith.constant 0 : i32
      %dma_wait3A_1739 = tpu.memref_slice %arg13[%mul3A_36, %dma_wait3A_1738] : memref<512x128xf32, #tpu.memory_space<vmem_shared>> -> memref<32x128xf32, #tpu.memory_space<vmem_shared>>
      tpu.wait_dma2 semaphore(%run_scoped3A : memref<!tpu.dma_semaphore, #tpu.memory_space<semaphore_mem>>) src(%dma_wait3A_1739 : memref<32x128xf32, #tpu.memory_space<vmem_shared>>) dst(%arg11 : memref<32x128xf32, #tpu.memory_space<vmem>>)
      tpu.yield
    }) : () -> ()
    %get3A = arith.constant 0 : i32
    %get3A_37 = arith.index_cast %get3A : i32 to index
    %get3A_38 = arith.constant 0 : index
    %get3A_39 = tpu.vector_load %arg11[%get3A_37, %get3A_38] {strides = array<i32>} : memref<32x128xf32, #tpu.memory_space<vmem>>, vector<1x16xf32>,
    %get3A_40 = vector.shape_cast %get3A_39 : vector<1x16xf32> to vector<16xf32>
    %get3A_41 = arith.constant 1 : i32
    %get3A_42 = arith.index_cast %get3A_41 : i32 to index
    %get3A_43 = arith.constant 0 : index
    %get3A_44 = tpu.vector_load %arg11[%get3A_42, %get3A_43] {strides = array<i32>} : memref<32x128xf32, #tpu.memory_space<vmem>>, vector<1x16xf32>,
    %get3A_45 = vector.shape_cast %get3A_44 : vector<1x16xf32> to vector<16xf32>
    %add3A_46 = arith.addf %get3A_40, %get3A_45 : vector<16xf32>
    %get3A_47 = arith.constant 2 : i32
    %get3A_48 = arith.index_cast %get3A_47 : i32 to index
    %get3A_49 = arith.constant 0 : index
    %get3A_50 = tpu.vector_load %arg11[%get3A_48, %get3A_49] {strides = array<i32>} : memref<32x128xf32, #tpu.memory_space<vmem>>, vector<1x16xf32>,
    %get3A_51 = vector.shape_cast %get3A_50 : vector<1x16xf32> to vector<16xf32>
    %add3A_52 = arith.addf %add3A_46, %get3A_51 : vector<16xf32>
    %get3A_53 = arith.constant 3 : i32
    %get3A_54 = arith.index_cast %get3A_53 : i32 to index
    %get3A_55 = arith.constant 0 : index
    %get3A_56 = tpu.vector_load %arg11[%get3A_54, %get3A_55] {strides = array<i32>} : memref<32x128xf32, #tpu.memory_space<vmem>>, vector<1x16xf32>,
    %get3A_57 = vector.shape_cast %get3A_56 : vector<1x16xf32> to vector<16xf32>
    %add3A_58 = arith.addf %add3A_52, %get3A_57 : vector<16xf32>
    %get3A_59 = arith.constant 4 : i32
    %get3A_60 = arith.index_cast %get3A_59 : i32 to index
    %get3A_61 = arith.constant 0 : index
    %get3A_62 = tpu.vector_load %arg11[%get3A_60, %get3A_61] {strides = array<i32>} : memref<32x128xf32, #tpu.memory_space<vmem>>, vector<1x16xf32>,
    %get3A_63 = vector.shape_cast %get3A_62 : vector<1x16xf32> to vector<16xf32>
    %add3A_64 = arith.addf %add3A_58, %get3A_63 : vector<16xf32>
    %get3A_65 = arith.constant 5 : i32
    %get3A_66 = arith.index_cast %get3A_65 : i32 to index
    %get3A_67 = arith.constant 0 : index
    %get3A_68 = tpu.vector_load %arg11[%get3A_66, %get3A_67] {strides = array<i32>} : memref<32x128xf32, #tpu.memory_space<vmem>>, vector<1x16xf32>,
    %get3A_69 = vector.shape_cast %get3A_68 : vector<1x16xf32> to vector<16xf32>
    %add3A_70 = arith.addf %add3A_64, %get3A_69 : vector<16xf32>
    %get3A_71 = arith.constant 6 : i32
    %get3A_72 = arith.index_cast %get3A_71 : i32 to index
    %get3A_73 = arith.constant 0 : index
    %get3A_74 = tpu.vector_load %arg11[%get3A_72, %get3A_73] {strides = array<i32>} : memref<32x128xf32, #tpu.memory_space<vmem>>, vector<1x16xf32>,
    %get3A_75 = vector.shape_cast %get3A_74 : vector<1x16xf32> to vector<16xf32>
    %add3A_76 = arith.addf %add3A_70, %get3A_75 : vector<16xf32>
    %get3A_77 = arith.constant 7 : i32
    %get3A_78 = arith.index_cast %get3A_77 : i32 to index
    %get3A_79 = arith.constant 0 : index
    %get3A_80 = tpu.vector_load %arg11[%get3A_78, %get3A_79] {strides = array<i32>} : memref<32x128xf32, #tpu.memory_space<vmem>>, vector<1x16xf32>,
    %get3A_81 = vector.shape_cast %get3A_80 : vector<1x16xf32> to vector<16xf32>
    %add3A_82 = arith.addf %add3A_76, %get3A_81 : vector<16xf32>
    %swap3A = arith.constant 0 : i32
    %swap3A_83 = arith.index_cast %swap3A : i32 to index
    %swap3A_84 = arith.constant 0 : index
    %swap3A_85 = tpu.vector_load %arg12[%swap3A_83, %swap3A_84] {strides = array<i32>} : memref<4x128xf32, #tpu.memory_space<vmem>>, vector<1x16xf32>,
    %swap3A_86 = vector.shape_cast %swap3A_85 : vector<1x16xf32> to vector<16xf32>
    %swap3A_87 = vector.shape_cast %add3A_82 : vector<16xf32> to vector<1x16xf32>
    tpu.vector_store %arg12[%swap3A_83, %swap3A_84], %swap3A_87 {strides = array<i32>} : memref<4x128xf32, #tpu.memory_space<vmem>>, vector<1x16xf32>,
    %get3A_88 = arith.constant 0 : i32
    %get3A_89 = arith.index_cast %get3A_88 : i32 to index
    %get3A_90 = arith.constant 16 : index
    %get3A_91 = tpu.vector_load %arg11[%get3A_89, %get3A_90] {strides = array<i32>} : memref<32x128xf32, #tpu.memory_space<vmem>>, vector<1x16xf32>,
    %get3A_92 = vector.shape_cast %get3A_91 : vector<1x16xf32> to vector<16xf32>
    %get3A_93 = arith.constant 1 : i32
    %get3A_94 = arith.index_cast %get3A_93 : i32 to index
    %get3A_95 = arith.constant 16 : index
    %get3A_96 = tpu.vector_load %arg11[%get3A_94, %get3A_95] {strides = array<i32>} : memref<32x128xf32, #tpu.memory_space<vmem>>, vector<1x16xf32>,
    %get3A_97 = vector.shape_cast %get3A_96 : vector<1x16xf32> to vector<16xf32>
    %add3A_98 = arith.addf %get3A_92, %get3A_97 : vector<16xf32>
    %get3A_99 = arith.constant 2 : i32
    %get3A_100 = arith.index_cast %get3A_99 : i32 to index
    %get3A_101 = arith.constant 16 : index
    %get3A_102 = tpu.vector_load %arg11[%get3A_100, %get3A_101] {strides = array<i32>} : memref<32x128xf32, #tpu.memory_space<vmem>>, vector<1x16xf32>,
    %get3A_103 = vector.shape_cast %get3A_102 : vector<1x16xf32> to vector<16xf32>
    %add3A_104 = arith.addf %add3A_98, %get3A_103 : vector<16xf32>
    %get3A_105 = arith.constant 3 : i32
    %get3A_106 = arith.index_cast %get3A_105 : i32 to index
    %get3A_107 = arith.constant 16 : index
    %get3A_108 = tpu.vector_load %arg11[%get3A_106, %get3A_107] {strides = array<i32>} : memref<32x128xf32, #tpu.memory_space<vmem>>, vector<1x16xf32>,
    %get3A_109 = vector.shape_cast %get3A_108 : vector<1x16xf32> to vector<16xf32>
    %add3A_110 = arith.addf %add3A_104, %get3A_109 : vector<16xf32>
    %get3A_111 = arith.constant 4 : i32
    %get3A_112 = arith.index_cast %get3A_111 : i32 to index
    %get3A_113 = arith.constant 16 : index
    %get3A_114 = tpu.vector_load %arg11[%get3A_112, %get3A_113] {strides = array<i32>} : memref<32x128xf32, #tpu.memory_space<vmem>>, vector<1x16xf32>,
    %get3A_115 = vector.shape_cast %get3A_114 : vector<1x16xf32> to vector<16xf32>
    %add3A_116 = arith.addf %add3A_110, %get3A_115 : vector<16xf32>
    %get3A_117 = arith.constant 5 : i32
    %get3A_118 = arith.index_cast %get3A_117 : i32 to index
    %get3A_119 = arith.constant 16 : index
    %get3A_120 = tpu.vector_load %arg11[%get3A_118, %get3A_119] {strides = array<i32>} : memref<32x128xf32, #tpu.memory_space<vmem>>, vector<1x16xf32>,
    %get3A_121 = vector.shape_cast %get3A_120 : vector<1x16xf32> to vector<16xf32>
    %add3A_122 = arith.addf %add3A_116, %get3A_121 : vector<16xf32>
    %get3A_123 = arith.constant 6 : i32
    %get3A_124 = arith.index_cast %get3A_123 : i32 to index
    %get3A_125 = arith.constant 16 : index
    %get3A_126 = tpu.vector_load %arg11[%get3A_124, %get3A_125] {strides = array<i32>} : memref<32x128xf32, #tpu.memory_space<vmem>>, vector<1x16xf32>,
    %get3A_127 = vector.shape_cast %get3A_126 : vector<1x16xf32> to vector<16xf32>
    %add3A_128 = arith.addf %add3A_122, %get3A_127 : vector<16xf32>
    %get3A_129 = arith.constant 7 : i32
    %get3A_130 = arith.index_cast %get3A_129 : i32 to index
    %get3A_131 = arith.constant 16 : index
    %get3A_132 = tpu.vector_load %arg11[%get3A_130, %get3A_131] {strides = array<i32>} : memref<32x128xf32, #tpu.memory_space<vmem>>, vector<1x16xf32>,
    %get3A_133 = vector.shape_cast %get3A_132 : vector<1x16xf32> to vector<16xf32>
    %add3A_134 = arith.addf %add3A_128, %get3A_133 : vector<16xf32>
    %swap3A_135 = arith.constant 0 : i32
    %swap3A_136 = arith.index_cast %swap3A_135 : i32 to index
    %swap3A_137 = arith.constant 16 : index
    %swap3A_138 = tpu.vector_load %arg12[%swap3A_136, %swap3A_137] {strides = array<i32>} : memref<4x128xf32, #tpu.memory_space<vmem>>, vector<1x16xf32>,
    %swap3A_139 = vector.shape_cast %swap3A_138 : vector<1x16xf32> to vector<16xf32>
    %swap3A_140 = vector.shape_cast %add3A_134 : vector<16xf32> to vector<1x16xf32>
    tpu.vector_store %arg12[%swap3A_136, %swap3A_137], %swap3A_140 {strides = array<i32>} : memref<4x128xf32, #tpu.memory_space<vmem>>, vector<1x16xf32>,
    %get3A_141 = arith.constant 0 : i32
    %get3A_142 = arith.index_cast %get3A_141 : i32 to index
    %get3A_143 = arith.constant 32 : index
    %get3A_144 = tpu.vector_load %arg11[%get3A_142, %get3A_143] {strides = array<i32>} : memref<32x128xf32, #tpu.memory_space<vmem>>, vector<1x16xf32>,
    %get3A_145 = vector.shape_cast %get3A_144 : vector<1x16xf32> to vector<16xf32>
    %get3A_146 = arith.constant 1 : i32
    %get3A_147 = arith.index_cast %get3A_146 : i32 to index
    %get3A_148 = arith.constant 32 : index
    %get3A_149 = tpu.vector_load %arg11[%get3A_147, %get3A_148] {strides = array<i32>} : memref<32x128xf32, #tpu.memory_space<vmem>>, vector<1x16xf32>,
    %get3A_150 = vector.shape_cast %get3A_149 : vector<1x16xf32> to vector<16xf32>
    %add3A_151 = arith.addf %get3A_145, %get3A_150 : vector<16xf32>
    %get3A_152 = arith.constant 2 : i32
    %get3A_153 = arith.index_cast %get3A_152 : i32 to index
    %get3A_154 = arith.constant 32 : index
    %get3A_155 = tpu.vector_load %arg11[%get3A_153, %get3A_154] {strides = array<i32>} : memref<32x128xf32, #tpu.memory_space<vmem>>, vector<1x16xf32>,
    %get3A_156 = vector.shape_cast %get3A_155 : vector<1x16xf32> to vector<16xf32>
    %add3A_157 = arith.addf %add3A_151, %get3A_156 : vector<16xf32>
    %get3A_158 = arith.constant 3 : i32
    %get3A_159 = arith.index_cast %get3A_158 : i32 to index
    %get3A_160 = arith.constant 32 : index
    %get3A_161 = tpu.vector_load %arg11[%get3A_159, %get3A_160] {strides = array<i32>} : memref<32x128xf32, #tpu.memory_space<vmem>>, vector<1x16xf32>,
    %get3A_162 = vector.shape_cast %get3A_161 : vector<1x16xf32> to vector<16xf32>
    %add3A_163 = arith.addf %add3A_157, %get3A_162 : vector<16xf32>
    %get3A_164 = arith.constant 4 : i32
    %get3A_165 = arith.index_cast %get3A_164 : i32 to index
    %get3A_166 = arith.constant 32 : index
    %get3A_167 = tpu.vector_load %arg11[%get3A_165, %get3A_166] {strides = array<i32>} : memref<32x128xf32, #tpu.memory_space<vmem>>, vector<1x16xf32>,
    %get3A_168 = vector.shape_cast %get3A_167 : vector<1x16xf32> to vector<16xf32>
    %add3A_169 = arith.addf %add3A_163, %get3A_168 : vector<16xf32>
    %get3A_170 = arith.constant 5 : i32
    %get3A_171 = arith.index_cast %get3A_170 : i32 to index
    %get3A_172 = arith.constant 32 : index
    %get3A_173 = tpu.vector_load %arg11[%get3A_171, %get3A_172] {strides = array<i32>} : memref<32x128xf32, #tpu.memory_space<vmem>>, vector<1x16xf32>,
    %get3A_174 = vector.shape_cast %get3A_173 : vector<1x16xf32> to vector<16xf32>
    %add3A_175 = arith.addf %add3A_169, %get3A_174 : vector<16xf32>
    %get3A_176 = arith.constant 6 : i32
    %get3A_177 = arith.index_cast %get3A_176 : i32 to index
    %get3A_178 = arith.constant 32 : index
    %get3A_179 = tpu.vector_load %arg11[%get3A_177, %get3A_178] {strides = array<i32>} : memref<32x128xf32, #tpu.memory_space<vmem>>, vector<1x16xf32>,
    %get3A_180 = vector.shape_cast %get3A_179 : vector<1x16xf32> to vector<16xf32>
    %add3A_181 = arith.addf %add3A_175, %get3A_180 : vector<16xf32>
    %get3A_182 = arith.constant 7 : i32
    %get3A_183 = arith.index_cast %get3A_182 : i32 to index
    %get3A_184 = arith.constant 32 : index
    %get3A_185 = tpu.vector_load %arg11[%get3A_183, %get3A_184] {strides = array<i32>} : memref<32x128xf32, #tpu.memory_space<vmem>>, vector<1x16xf32>,
    %get3A_186 = vector.shape_cast %get3A_185 : vector<1x16xf32> to vector<16xf32>
    %add3A_187 = arith.addf %add3A_181, %get3A_186 : vector<16xf32>
    %swap3A_188 = arith.constant 0 : i32
    %swap3A_189 = arith.index_cast %swap3A_188 : i32 to index
    %swap3A_190 = arith.constant 32 : index
    %swap3A_191 = tpu.vector_load %arg12[%swap3A_189, %swap3A_190] {strides = array<i32>} : memref<4x128xf32, #tpu.memory_space<vmem>>, vector<1x16xf32>,
    %swap3A_192 = vector.shape_cast %swap3A_191 : vector<1x16xf32> to vector<16xf32>
    %swap3A_193 = vector.shape_cast %add3A_187 : vector<16xf32> to vector<1x16xf32>
    tpu.vector_store %arg12[%swap3A_189, %swap3A_190], %swap3A_193 {strides = array<i32>} : memref<4x128xf32, #tpu.memory_space<vmem>>, vector<1x16xf32>,
    %get3A_194 = arith.constant 0 : i32
    %get3A_195 = arith.index_cast %get3A_194 : i32 to index
    %get3A_196 = arith.constant 48 : index
    %get3A_197 = tpu.vector_load %arg11[%get3A_195, %get3A_196] {strides = array<i32>} : memref<32x128xf32, #tpu.memory_space<vmem>>, vector<1x16xf32>,
    %get3A_198 = vector.shape_cast %get3A_197 : vector<1x16xf32> to vector<16xf32>
    %get3A_199 = arith.constant 1 : i32
    %get3A_200 = arith.index_cast %get3A_199 : i32 to index
    %get3A_201 = arith.constant 48 : index
    %get3A_202 = tpu.vector_load %arg11[%get3A_200, %get3A_201] {strides = array<i32>} : memref<32x128xf32, #tpu.memory_space<vmem>>, vector<1x16xf32>,
    %get3A_203 = vector.shape_cast %get3A_202 : vector<1x16xf32> to vector<16xf32>
    %add3A_204 = arith.addf %get3A_198, %get3A_203 : vector<16xf32>
    %get3A_205 = arith.constant 2 : i32
    %get3A_206 = arith.index_cast %get3A_205 : i32 to index
    %get3A_207 = arith.constant 48 : index
    %get3A_208 = tpu.vector_load %arg11[%get3A_206, %get3A_207] {strides = array<i32>} : memref<32x128xf32, #tpu.memory_space<vmem>>, vector<1x16xf32>,
    %get3A_209 = vector.shape_cast %get3A_208 : vector<1x16xf32> to vector<16xf32>
    %add3A_210 = arith.addf %add3A_204, %get3A_209 : vector<16xf32>
    %get3A_211 = arith.constant 3 : i32
    %get3A_212 = arith.index_cast %get3A_211 : i32 to index
    %get3A_213 = arith.constant 48 : index
    %get3A_214 = tpu.vector_load %arg11[%get3A_212, %get3A_213] {strides = array<i32>} : memref<32x128xf32, #tpu.memory_space<vmem>>, vector<1x16xf32>,
    %get3A_215 = vector.shape_cast %get3A_214 : vector<1x16xf32> to vector<16xf32>
    %add3A_216 = arith.addf %add3A_210, %get3A_215 : vector<16xf32>
    %get3A_217 = arith.constant 4 : i32
    %get3A_218 = arith.index_cast %get3A_217 : i32 to index
    %get3A_219 = arith.constant 48 : index
    %get3A_220 = tpu.vector_load %arg11[%get3A_218, %get3A_219] {strides = array<i32>} : memref<32x128xf32, #tpu.memory_space<vmem>>, vector<1x16xf32>,
    %get3A_221 = vector.shape_cast %get3A_220 : vector<1x16xf32> to vector<16xf32>
    %add3A_222 = arith.addf %add3A_216, %get3A_221 : vector<16xf32>
    %get3A_223 = arith.constant 5 : i32
    %get3A_224 = arith.index_cast %get3A_223 : i32 to index
    %get3A_225 = arith.constant 48 : index
    %get3A_226 = tpu.vector_load %arg11[%get3A_224, %get3A_225] {strides = array<i32>} : memref<32x128xf32, #tpu.memory_space<vmem>>, vector<1x16xf32>,
    %get3A_227 = vector.shape_cast %get3A_226 : vector<1x16xf32> to vector<16xf32>
    %add3A_228 = arith.addf %add3A_222, %get3A_227 : vector<16xf32>
    %get3A_229 = arith.constant 6 : i32
    %get3A_230 = arith.index_cast %get3A_229 : i32 to index
    %get3A_231 = arith.constant 48 : index
    %get3A_232 = tpu.vector_load %arg11[%get3A_230, %get3A_231] {strides = array<i32>} : memref<32x128xf32, #tpu.memory_space<vmem>>, vector<1x16xf32>,
    %get3A_233 = vector.shape_cast %get3A_232 : vector<1x16xf32> to vector<16xf32>
    %add3A_234 = arith.addf %add3A_228, %get3A_233 : vector<16xf32>
    %get3A_235 = arith.constant 7 : i32
    %get3A_236 = arith.index_cast %get3A_235 : i32 to index
    %get3A_237 = arith.constant 48 : index
    %get3A_238 = tpu.vector_load %arg11[%get3A_236, %get3A_237] {strides = array<i32>} : memref<32x128xf32, #tpu.memory_space<vmem>>, vector<1x16xf32>,
    %get3A_239 = vector.shape_cast %get3A_238 : vector<1x16xf32> to vector<16xf32>
    %add3A_240 = arith.addf %add3A_234, %get3A_239 : vector<16xf32>
    %swap3A_241 = arith.constant 0 : i32
    %swap3A_242 = arith.index_cast %swap3A_241 : i32 to index
    %swap3A_243 = arith.constant 48 : index
    %swap3A_244 = tpu.vector_load %arg12[%swap3A_242, %swap3A_243] {strides = array<i32>} : memref<4x128xf32, #tpu.memory_space<vmem>>, vector<1x16xf32>,
    %swap3A_245 = vector.shape_cast %swap3A_244 : vector<1x16xf32> to vector<16xf32>
    %swap3A_246 = vector.shape_cast %add3A_240 : vector<16xf32> to vector<1x16xf32>
    tpu.vector_store %arg12[%swap3A_242, %swap3A_243], %swap3A_246 {strides = array<i32>} : memref<4x128xf32, #tpu.memory_space<vmem>>, vector<1x16xf32>,
    %get3A_247 = arith.constant 0 : i32
    %get3A_248 = arith.index_cast %get3A_247 : i32 to index
    %get3A_249 = arith.constant 64 : index
    %get3A_250 = tpu.vector_load %arg11[%get3A_248, %get3A_249] {strides = array<i32>} : memref<32x128xf32, #tpu.memory_space<vmem>>, vector<1x16xf32>,
    %get3A_251 = vector.shape_cast %get3A_250 : vector<1x16xf32> to vector<16xf32>
    %get3A_252 = arith.constant 1 : i32
    %get3A_253 = arith.index_cast %get3A_252 : i32 to index
    %get3A_254 = arith.constant 64 : index
    %get3A_255 = tpu.vector_load %arg11[%get3A_253, %get3A_254] {strides = array<i32>} : memref<32x128xf32, #tpu.memory_space<vmem>>, vector<1x16xf32>,
    %get3A_256 = vector.shape_cast %get3A_255 : vector<1x16xf32> to vector<16xf32>
    %add3A_257 = arith.addf %get3A_251, %get3A_256 : vector<16xf32>
    %get3A_258 = arith.constant 2 : i32
    %get3A_259 = arith.index_cast %get3A_258 : i32 to index
    %get3A_260 = arith.constant 64 : index
    %get3A_261 = tpu.vector_load %arg11[%get3A_259, %get3A_260] {strides = array<i32>} : memref<32x128xf32, #tpu.memory_space<vmem>>, vector<1x16xf32>,
    %get3A_262 = vector.shape_cast %get3A_261 : vector<1x16xf32> to vector<16xf32>
    %add3A_263 = arith.addf %add3A_257, %get3A_262 : vector<16xf32>
    %get3A_264 = arith.constant 3 : i32
    %get3A_265 = arith.index_cast %get3A_264 : i32 to index
    %get3A_266 = arith.constant 64 : index
    %get3A_267 = tpu.vector_load %arg11[%get3A_265, %get3A_266] {strides = array<i32>} : memref<32x128xf32, #tpu.memory_space<vmem>>, vector<1x16xf32>,
    %get3A_268 = vector.shape_cast %get3A_267 : vector<1x16xf32> to vector<16xf32>
    %add3A_269 = arith.addf %add3A_263, %get3A_268 : vector<16xf32>
    %get3A_270 = arith.constant 4 : i32
    %get3A_271 = arith.index_cast %get3A_270 : i32 to index
    %get3A_272 = arith.constant 64 : index
    %get3A_273 = tpu.vector_load %arg11[%get3A_271, %get3A_272] {strides = array<i32>} : memref<32x128xf32, #tpu.memory_space<vmem>>, vector<1x16xf32>,
    %get3A_274 = vector.shape_cast %get3A_273 : vector<1x16xf32> to vector<16xf32>
    %add3A_275 = arith.addf %add3A_269, %get3A_274 : vector<16xf32>
    %get3A_276 = arith.constant 5 : i32
    %get3A_277 = arith.index_cast %get3A_276 : i32 to index
    %get3A_278 = arith.constant 64 : index
    %get3A_279 = tpu.vector_load %arg11[%get3A_277, %get3A_278] {strides = array<i32>} : memref<32x128xf32, #tpu.memory_space<vmem>>, vector<1x16xf32>,
    %get3A_280 = vector.shape_cast %get3A_279 : vector<1x16xf32> to vector<16xf32>
    %add3A_281 = arith.addf %add3A_275, %get3A_280 : vector<16xf32>
    %get3A_282 = arith.constant 6 : i32
    %get3A_283 = arith.index_cast %get3A_282 : i32 to index
    %get3A_284 = arith.constant 64 : index
    %get3A_285 = tpu.vector_load %arg11[%get3A_283, %get3A_284] {strides = array<i32>} : memref<32x128xf32, #tpu.memory_space<vmem>>, vector<1x16xf32>,
    %get3A_286 = vector.shape_cast %get3A_285 : vector<1x16xf32> to vector<16xf32>
    %add3A_287 = arith.addf %add3A_281, %get3A_286 : vector<16xf32>
    %get3A_288 = arith.constant 7 : i32
    %get3A_289 = arith.index_cast %get3A_288 : i32 to index
    %get3A_290 = arith.constant 64 : index
    %get3A_291 = tpu.vector_load %arg11[%get3A_289, %get3A_290] {strides = array<i32>} : memref<32x128xf32, #tpu.memory_space<vmem>>, vector<1x16xf32>,
    %get3A_292 = vector.shape_cast %get3A_291 : vector<1x16xf32> to vector<16xf32>
    %add3A_293 = arith.addf %add3A_287, %get3A_292 : vector<16xf32>
    %swap3A_294 = arith.constant 0 : i32
    %swap3A_295 = arith.index_cast %swap3A_294 : i32 to index
    %swap3A_296 = arith.constant 64 : index
    %swap3A_297 = tpu.vector_load %arg12[%swap3A_295, %swap3A_296] {strides = array<i32>} : memref<4x128xf32, #tpu.memory_space<vmem>>, vector<1x16xf32>,
    %swap3A_298 = vector.shape_cast %swap3A_297 : vector<1x16xf32> to vector<16xf32>
    %swap3A_299 = vector.shape_cast %add3A_293 : vector<16xf32> to vector<1x16xf32>
    tpu.vector_store %arg12[%swap3A_295, %swap3A_296], %swap3A_299 {strides = array<i32>} : memref<4x128xf32, #tpu.memory_space<vmem>>, vector<1x16xf32>,
    %get3A_300 = arith.constant 0 : i32
    %get3A_301 = arith.index_cast %get3A_300 : i32 to index
    %get3A_302 = arith.constant 80 : index
    %get3A_303 = tpu.vector_load %arg11[%get3A_301, %get3A_302] {strides = array<i32>} : memref<32x128xf32, #tpu.memory_space<vmem>>, vector<1x16xf32>,
    %get3A_304 = vector.shape_cast %get3A_303 : vector<1x16xf32> to vector<16xf32>
    %get3A_305 = arith.constant 1 : i32
    %get3A_306 = arith.index_cast %get3A_305 : i32 to index
    %get3A_307 = arith.constant 80 : index
    %get3A_308 = tpu.vector_load %arg11[%get3A_306, %get3A_307] {strides = array<i32>} : memref<32x128xf32, #tpu.memory_space<vmem>>, vector<1x16xf32>,
    %get3A_309 = vector.shape_cast %get3A_308 : vector<1x16xf32> to vector<16xf32>
    %add3A_310 = arith.addf %get3A_304, %get3A_309 : vector<16xf32>
    %get3A_311 = arith.constant 2 : i32
    %get3A_312 = arith.index_cast %get3A_311 : i32 to index
    %get3A_313 = arith.constant 80 : index
    %get3A_314 = tpu.vector_load %arg11[%get3A_312, %get3A_313] {strides = array<i32>} : memref<32x128xf32, #tpu.memory_space<vmem>>, vector<1x16xf32>,
    %get3A_315 = vector.shape_cast %get3A_314 : vector<1x16xf32> to vector<16xf32>
    %add3A_316 = arith.addf %add3A_310, %get3A_315 : vector<16xf32>
    %get3A_317 = arith.constant 3 : i32
    %get3A_318 = arith.index_cast %get3A_317 : i32 to index
    %get3A_319 = arith.constant 80 : index
    %get3A_320 = tpu.vector_load %arg11[%get3A_318, %get3A_319] {strides = array<i32>} : memref<32x128xf32, #tpu.memory_space<vmem>>, vector<1x16xf32>,
    %get3A_321 = vector.shape_cast %get3A_320 : vector<1x16xf32> to vector<16xf32>
    %add3A_322 = arith.addf %add3A_316, %get3A_321 : vector<16xf32>
    %get3A_323 = arith.constant 4 : i32
    %get3A_324 = arith.index_cast %get3A_323 : i32 to index
    %get3A_325 = arith.constant 80 : index
    %get3A_326 = tpu.vector_load %arg11[%get3A_324, %get3A_325] {strides = array<i32>} : memref<32x128xf32, #tpu.memory_space<vmem>>, vector<1x16xf32>,
    %get3A_327 = vector.shape_cast %get3A_326 : vector<1x16xf32> to vector<16xf32>
    %add3A_328 = arith.addf %add3A_322, %get3A_327 : vector<16xf32>
    %get3A_329 = arith.constant 5 : i32
    %get3A_330 = arith.index_cast %get3A_329 : i32 to index
    %get3A_331 = arith.constant 80 : index
    %get3A_332 = tpu.vector_load %arg11[%get3A_330, %get3A_331] {strides = array<i32>} : memref<32x128xf32, #tpu.memory_space<vmem>>, vector<1x16xf32>,
    %get3A_333 = vector.shape_cast %get3A_332 : vector<1x16xf32> to vector<16xf32>
    %add3A_334 = arith.addf %add3A_328, %get3A_333 : vector<16xf32>
    %get3A_335 = arith.constant 6 : i32
    %get3A_336 = arith.index_cast %get3A_335 : i32 to index
    %get3A_337 = arith.constant 80 : index
    %get3A_338 = tpu.vector_load %arg11[%get3A_336, %get3A_337] {strides = array<i32>} : memref<32x128xf32, #tpu.memory_space<vmem>>, vector<1x16xf32>,
    %get3A_339 = vector.shape_cast %get3A_338 : vector<1x16xf32> to vector<16xf32>
    %add3A_340 = arith.addf %add3A_334, %get3A_339 : vector<16xf32>
    %get3A_341 = arith.constant 7 : i32
    %get3A_342 = arith.index_cast %get3A_341 : i32 to index
    %get3A_343 = arith.constant 80 : index
    %get3A_344 = tpu.vector_load %arg11[%get3A_342, %get3A_343] {strides = array<i32>} : memref<32x128xf32, #tpu.memory_space<vmem>>, vector<1x16xf32>,
    %get3A_345 = vector.shape_cast %get3A_344 : vector<1x16xf32> to vector<16xf32>
    %add3A_346 = arith.addf %add3A_340, %get3A_345 : vector<16xf32>
    %swap3A_347 = arith.constant 0 : i32
    %swap3A_348 = arith.index_cast %swap3A_347 : i32 to index
    %swap3A_349 = arith.constant 80 : index
    %swap3A_350 = tpu.vector_load %arg12[%swap3A_348, %swap3A_349] {strides = array<i32>} : memref<4x128xf32, #tpu.memory_space<vmem>>, vector<1x16xf32>,
    %swap3A_351 = vector.shape_cast %swap3A_350 : vector<1x16xf32> to vector<16xf32>
    %swap3A_352 = vector.shape_cast %add3A_346 : vector<16xf32> to vector<1x16xf32>
    tpu.vector_store %arg12[%swap3A_348, %swap3A_349], %swap3A_352 {strides = array<i32>} : memref<4x128xf32, #tpu.memory_space<vmem>>, vector<1x16xf32>,
    %get3A_353 = arith.constant 0 : i32
    %get3A_354 = arith.index_cast %get3A_353 : i32 to index
    %get3A_355 = arith.constant 96 : index
    %get3A_356 = tpu.vector_load %arg11[%get3A_354, %get3A_355] {strides = array<i32>} : memref<32x128xf32, #tpu.memory_space<vmem>>, vector<1x16xf32>,
    %get3A_357 = vector.shape_cast %get3A_356 : vector<1x16xf32> to vector<16xf32>
    %get3A_358 = arith.constant 1 : i32
    %get3A_359 = arith.index_cast %get3A_358 : i32 to index
    %get3A_360 = arith.constant 96 : index
    %get3A_361 = tpu.vector_load %arg11[%get3A_359, %get3A_360] {strides = array<i32>} : memref<32x128xf32, #tpu.memory_space<vmem>>, vector<1x16xf32>,
    %get3A_362 = vector.shape_cast %get3A_361 : vector<1x16xf32> to vector<16xf32>
    %add3A_363 = arith.addf %get3A_357, %get3A_362 : vector<16xf32>
    %get3A_364 = arith.constant 2 : i32
    %get3A_365 = arith.index_cast %get3A_364 : i32 to index
    %get3A_366 = arith.constant 96 : index
    %get3A_367 = tpu.vector_load %arg11[%get3A_365, %get3A_366] {strides = array<i32>} : memref<32x128xf32, #tpu.memory_space<vmem>>, vector<1x16xf32>,
    %get3A_368 = vector.shape_cast %get3A_367 : vector<1x16xf32> to vector<16xf32>
    %add3A_369 = arith.addf %add3A_363, %get3A_368 : vector<16xf32>
    %get3A_370 = arith.constant 3 : i32
    %get3A_371 = arith.index_cast %get3A_370 : i32 to index
    %get3A_372 = arith.constant 96 : index
    %get3A_373 = tpu.vector_load %arg11[%get3A_371, %get3A_372] {strides = array<i32>} : memref<32x128xf32, #tpu.memory_space<vmem>>, vector<1x16xf32>,
    %get3A_374 = vector.shape_cast %get3A_373 : vector<1x16xf32> to vector<16xf32>
    %add3A_375 = arith.addf %add3A_369, %get3A_374 : vector<16xf32>
    %get3A_376 = arith.constant 4 : i32
    %get3A_377 = arith.index_cast %get3A_376 : i32 to index
    %get3A_378 = arith.constant 96 : index
    %get3A_379 = tpu.vector_load %arg11[%get3A_377, %get3A_378] {strides = array<i32>} : memref<32x128xf32, #tpu.memory_space<vmem>>, vector<1x16xf32>,
    %get3A_380 = vector.shape_cast %get3A_379 : vector<1x16xf32> to vector<16xf32>
    %add3A_381 = arith.addf %add3A_375, %get3A_380 : vector<16xf32>
    %get3A_382 = arith.constant 5 : i32
    %get3A_383 = arith.index_cast %get3A_382 : i32 to index
    %get3A_384 = arith.constant 96 : index
    %get3A_385 = tpu.vector_load %arg11[%get3A_383, %get3A_384] {strides = array<i32>} : memref<32x128xf32, #tpu.memory_space<vmem>>, vector<1x16xf32>,
    %get3A_386 = vector.shape_cast %get3A_385 : vector<1x16xf32> to vector<16xf32>
    %add3A_387 = arith.addf %add3A_381, %get3A_386 : vector<16xf32>
    %get3A_388 = arith.constant 6 : i32
    %get3A_389 = arith.index_cast %get3A_388 : i32 to index
    %get3A_390 = arith.constant 96 : index
    %get3A_391 = tpu.vector_load %arg11[%get3A_389, %get3A_390] {strides = array<i32>} : memref<32x128xf32, #tpu.memory_space<vmem>>, vector<1x16xf32>,
    %get3A_392 = vector.shape_cast %get3A_391 : vector<1x16xf32> to vector<16xf32>
    %add3A_393 = arith.addf %add3A_387, %get3A_392 : vector<16xf32>
    %get3A_394 = arith.constant 7 : i32
    %get3A_395 = arith.index_cast %get3A_394 : i32 to index
    %get3A_396 = arith.constant 96 : index
    %get3A_397 = tpu.vector_load %arg11[%get3A_395, %get3A_396] {strides = array<i32>} : memref<32x128xf32, #tpu.memory_space<vmem>>, vector<1x16xf32>,
    %get3A_398 = vector.shape_cast %get3A_397 : vector<1x16xf32> to vector<16xf32>
    %add3A_399 = arith.addf %add3A_393, %get3A_398 : vector<16xf32>
    %swap3A_400 = arith.constant 0 : i32
    %swap3A_401 = arith.index_cast %swap3A_400 : i32 to index
    %swap3A_402 = arith.constant 96 : index
    %swap3A_403 = tpu.vector_load %arg12[%swap3A_401, %swap3A_402] {strides = array<i32>} : memref<4x128xf32, #tpu.memory_space<vmem>>, vector<1x16xf32>,
    %swap3A_404 = vector.shape_cast %swap3A_403 : vector<1x16xf32> to vector<16xf32>
    %swap3A_405 = vector.shape_cast %add3A_399 : vector<16xf32> to vector<1x16xf32>
    tpu.vector_store %arg12[%swap3A_401, %swap3A_402], %swap3A_405 {strides = array<i32>} : memref<4x128xf32, #tpu.memory_space<vmem>>, vector<1x16xf32>,
    %get3A_406 = arith.constant 0 : i32
    %get3A_407 = arith.index_cast %get3A_406 : i32 to index
    %get3A_408 = arith.constant 112 : index
    %get3A_409 = tpu.vector_load %arg11[%get3A_407, %get3A_408] {strides = array<i32>} : memref<32x128xf32, #tpu.memory_space<vmem>>, vector<1x16xf32>,
    %get3A_410 = vector.shape_cast %get3A_409 : vector<1x16xf32> to vector<16xf32>
    %get3A_411 = arith.constant 1 : i32
    %get3A_412 = arith.index_cast %get3A_411 : i32 to index
    %get3A_413 = arith.constant 112 : index
    %get3A_414 = tpu.vector_load %arg11[%get3A_412, %get3A_413] {strides = array<i32>} : memref<32x128xf32, #tpu.memory_space<vmem>>, vector<1x16xf32>,
    %get3A_415 = vector.shape_cast %get3A_414 : vector<1x16xf32> to vector<16xf32>
    %add3A_416 = arith.addf %get3A_410, %get3A_415 : vector<16xf32>
    %get3A_417 = arith.constant 2 : i32
    %get3A_418 = arith.index_cast %get3A_417 : i32 to index
    %get3A_419 = arith.constant 112 : index
    %get3A_420 = tpu.vector_load %arg11[%get3A_418, %get3A_419] {strides = array<i32>} : memref<32x128xf32, #tpu.memory_space<vmem>>, vector<1x16xf32>,
    %get3A_421 = vector.shape_cast %get3A_420 : vector<1x16xf32> to vector<16xf32>
    %add3A_422 = arith.addf %add3A_416, %get3A_421 : vector<16xf32>
    %get3A_423 = arith.constant 3 : i32
    %get3A_424 = arith.index_cast %get3A_423 : i32 to index
    %get3A_425 = arith.constant 112 : index
    %get3A_426 = tpu.vector_load %arg11[%get3A_424, %get3A_425] {strides = array<i32>} : memref<32x128xf32, #tpu.memory_space<vmem>>, vector<1x16xf32>,
    %get3A_427 = vector.shape_cast %get3A_426 : vector<1x16xf32> to vector<16xf32>
    %add3A_428 = arith.addf %add3A_422, %get3A_427 : vector<16xf32>
    %get3A_429 = arith.constant 4 : i32
    %get3A_430 = arith.index_cast %get3A_429 : i32 to index
    %get3A_431 = arith.constant 112 : index
    %get3A_432 = tpu.vector_load %arg11[%get3A_430, %get3A_431] {strides = array<i32>} : memref<32x128xf32, #tpu.memory_space<vmem>>, vector<1x16xf32>,
    %get3A_433 = vector.shape_cast %get3A_432 : vector<1x16xf32> to vector<16xf32>
    %add3A_434 = arith.addf %add3A_428, %get3A_433 : vector<16xf32>
    %get3A_435 = arith.constant 5 : i32
    %get3A_436 = arith.index_cast %get3A_435 : i32 to index
    %get3A_437 = arith.constant 112 : index
    %get3A_438 = tpu.vector_load %arg11[%get3A_436, %get3A_437] {strides = array<i32>} : memref<32x128xf32, #tpu.memory_space<vmem>>, vector<1x16xf32>,
    %get3A_439 = vector.shape_cast %get3A_438 : vector<1x16xf32> to vector<16xf32>
    %add3A_440 = arith.addf %add3A_434, %get3A_439 : vector<16xf32>
    %get3A_441 = arith.constant 6 : i32
    %get3A_442 = arith.index_cast %get3A_441 : i32 to index
    %get3A_443 = arith.constant 112 : index
    %get3A_444 = tpu.vector_load %arg11[%get3A_442, %get3A_443] {strides = array<i32>} : memref<32x128xf32, #tpu.memory_space<vmem>>, vector<1x16xf32>,
    %get3A_445 = vector.shape_cast %get3A_444 : vector<1x16xf32> to vector<16xf32>
    %add3A_446 = arith.addf %add3A_440, %get3A_445 : vector<16xf32>
    %get3A_447 = arith.constant 7 : i32
    %get3A_448 = arith.index_cast %get3A_447 : i32 to index
    %get3A_449 = arith.constant 112 : index
    %get3A_450 = tpu.vector_load %arg11[%get3A_448, %get3A_449] {strides = array<i32>} : memref<32x128xf32, #tpu.memory_space<vmem>>, vector<1x16xf32>,
    %get3A_451 = vector.shape_cast %get3A_450 : vector<1x16xf32> to vector<16xf32>
    %add3A_452 = arith.addf %add3A_446, %get3A_451 : vector<16xf32>
    %swap3A_453 = arith.constant 0 : i32
    %swap3A_454 = arith.index_cast %swap3A_453 : i32 to index
    %swap3A_455 = arith.constant 112 : index
    %swap3A_456 = tpu.vector_load %arg12[%swap3A_454, %swap3A_455] {strides = array<i32>} : memref<4x128xf32, #tpu.memory_space<vmem>>, vector<1x16xf32>,
    %swap3A_457 = vector.shape_cast %swap3A_456 : vector<1x16xf32> to vector<16xf32>
    %swap3A_458 = vector.shape_cast %add3A_452 : vector<16xf32> to vector<1x16xf32>
    tpu.vector_store %arg12[%swap3A_454, %swap3A_455], %swap3A_458 {strides = array<i32>} : memref<4x128xf32, #tpu.memory_space<vmem>>, vector<1x16xf32>,
    %get3A_459 = arith.constant 8 : i32
    %get3A_460 = arith.index_cast %get3A_459 : i32 to index
    %get3A_461 = arith.constant 0 : index
    %get3A_462 = tpu.vector_load %arg11[%get3A_460, %get3A_461] {strides = array<i32>} : memref<32x128xf32, #tpu.memory_space<vmem>>, vector<1x16xf32>,
    %get3A_463 = vector.shape_cast %get3A_462 : vector<1x16xf32> to vector<16xf32>
    %get3A_464 = arith.constant 9 : i32
    %get3A_465 = arith.index_cast %get3A_464 : i32 to index
    %get3A_466 = arith.constant 0 : index
    %get3A_467 = tpu.vector_load %arg11[%get3A_465, %get3A_466] {strides = array<i32>} : memref<32x128xf32, #tpu.memory_space<vmem>>, vector<1x16xf32>,
    %get3A_468 = vector.shape_cast %get3A_467 : vector<1x16xf32> to vector<16xf32>
    %add3A_469 = arith.addf %get3A_463, %get3A_468 : vector<16xf32>
    %get3A_470 = arith.constant 10 : i32
    %get3A_471 = arith.index_cast %get3A_470 : i32 to index
    %get3A_472 = arith.constant 0 : index
    %get3A_473 = tpu.vector_load %arg11[%get3A_471, %get3A_472] {strides = array<i32>} : memref<32x128xf32, #tpu.memory_space<vmem>>, vector<1x16xf32>,
    %get3A_474 = vector.shape_cast %get3A_473 : vector<1x16xf32> to vector<16xf32>
    %add3A_475 = arith.addf %add3A_469, %get3A_474 : vector<16xf32>
    %get3A_476 = arith.constant 11 : i32
    %get3A_477 = arith.index_cast %get3A_476 : i32 to index
    %get3A_478 = arith.constant 0 : index
    %get3A_479 = tpu.vector_load %arg11[%get3A_477, %get3A_478] {strides = array<i32>} : memref<32x128xf32, #tpu.memory_space<vmem>>, vector<1x16xf32>,
    %get3A_480 = vector.shape_cast %get3A_479 : vector<1x16xf32> to vector<16xf32>
    %add3A_481 = arith.addf %add3A_475, %get3A_480 : vector<16xf32>
    %get3A_482 = arith.constant 12 : i32
    %get3A_483 = arith.index_cast %get3A_482 : i32 to index
    %get3A_484 = arith.constant 0 : index
    %get3A_485 = tpu.vector_load %arg11[%get3A_483, %get3A_484] {strides = array<i32>} : memref<32x128xf32, #tpu.memory_space<vmem>>, vector<1x16xf32>,
    %get3A_486 = vector.shape_cast %get3A_485 : vector<1x16xf32> to vector<16xf32>
    %add3A_487 = arith.addf %add3A_481, %get3A_486 : vector<16xf32>
    %get3A_488 = arith.constant 13 : i32
    %get3A_489 = arith.index_cast %get3A_488 : i32 to index
    %get3A_490 = arith.constant 0 : index
    %get3A_491 = tpu.vector_load %arg11[%get3A_489, %get3A_490] {strides = array<i32>} : memref<32x128xf32, #tpu.memory_space<vmem>>, vector<1x16xf32>,
    %get3A_492 = vector.shape_cast %get3A_491 : vector<1x16xf32> to vector<16xf32>
    %add3A_493 = arith.addf %add3A_487, %get3A_492 : vector<16xf32>
    %get3A_494 = arith.constant 14 : i32
    %get3A_495 = arith.index_cast %get3A_494 : i32 to index
    %get3A_496 = arith.constant 0 : index
    %get3A_497 = tpu.vector_load %arg11[%get3A_495, %get3A_496] {strides = array<i32>} : memref<32x128xf32, #tpu.memory_space<vmem>>, vector<1x16xf32>,
    %get3A_498 = vector.shape_cast %get3A_497 : vector<1x16xf32> to vector<16xf32>
    %add3A_499 = arith.addf %add3A_493, %get3A_498 : vector<16xf32>
    %get3A_500 = arith.constant 15 : i32
    %get3A_501 = arith.index_cast %get3A_500 : i32 to index
    %get3A_502 = arith.constant 0 : index
    %get3A_503 = tpu.vector_load %arg11[%get3A_501, %get3A_502] {strides = array<i32>} : memref<32x128xf32, #tpu.memory_space<vmem>>, vector<1x16xf32>,
    %get3A_504 = vector.shape_cast %get3A_503 : vector<1x16xf32> to vector<16xf32>
    %add3A_505 = arith.addf %add3A_499, %get3A_504 : vector<16xf32>
    %swap3A_506 = arith.constant 1 : i32
    %swap3A_507 = arith.index_cast %swap3A_506 : i32 to index
    %swap3A_508 = arith.constant 0 : index
    %swap3A_509 = tpu.vector_load %arg12[%swap3A_507, %swap3A_508] {strides = array<i32>} : memref<4x128xf32, #tpu.memory_space<vmem>>, vector<1x16xf32>,
    %swap3A_510 = vector.shape_cast %swap3A_509 : vector<1x16xf32> to vector<16xf32>
    %swap3A_511 = vector.shape_cast %add3A_505 : vector<16xf32> to vector<1x16xf32>
    tpu.vector_store %arg12[%swap3A_507, %swap3A_508], %swap3A_511 {strides = array<i32>} : memref<4x128xf32, #tpu.memory_space<vmem>>, vector<1x16xf32>,
    %get3A_512 = arith.constant 8 : i32
    %get3A_513 = arith.index_cast %get3A_512 : i32 to index
    %get3A_514 = arith.constant 16 : index
    %get3A_515 = tpu.vector_load %arg11[%get3A_513, %get3A_514] {strides = array<i32>} : memref<32x128xf32, #tpu.memory_space<vmem>>, vector<1x16xf32>,
    %get3A_516 = vector.shape_cast %get3A_515 : vector<1x16xf32> to vector<16xf32>
    %get3A_517 = arith.constant 9 : i32
    %get3A_518 = arith.index_cast %get3A_517 : i32 to index
    %get3A_519 = arith.constant 16 : index
    %get3A_520 = tpu.vector_load %arg11[%get3A_518, %get3A_519] {strides = array<i32>} : memref<32x128xf32, #tpu.memory_space<vmem>>, vector<1x16xf32>,
    %get3A_521 = vector.shape_cast %get3A_520 : vector<1x16xf32> to vector<16xf32>
    %add3A_522 = arith.addf %get3A_516, %get3A_521 : vector<16xf32>
    %get3A_523 = arith.constant 10 : i32
    %get3A_524 = arith.index_cast %get3A_523 : i32 to index
    %get3A_525 = arith.constant 16 : index
    %get3A_526 = tpu.vector_load %arg11[%get3A_524, %get3A_525] {strides = array<i32>} : memref<32x128xf32, #tpu.memory_space<vmem>>, vector<1x16xf32>,
    %get3A_527 = vector.shape_cast %get3A_526 : vector<1x16xf32> to vector<16xf32>
    %add3A_528 = arith.addf %add3A_522, %get3A_527 : vector<16xf32>
    %get3A_529 = arith.constant 11 : i32
    %get3A_530 = arith.index_cast %get3A_529 : i32 to index
    %get3A_531 = arith.constant 16 : index
    %get3A_532 = tpu.vector_load %arg11[%get3A_530, %get3A_531] {strides = array<i32>} : memref<32x128xf32, #tpu.memory_space<vmem>>, vector<1x16xf32>,
    %get3A_533 = vector.shape_cast %get3A_532 : vector<1x16xf32> to vector<16xf32>
    %add3A_534 = arith.addf %add3A_528, %get3A_533 : vector<16xf32>
    %get3A_535 = arith.constant 12 : i32
    %get3A_536 = arith.index_cast %get3A_535 : i32 to index
    %get3A_537 = arith.constant 16 : index
    %get3A_538 = tpu.vector_load %arg11[%get3A_536, %get3A_537] {strides = array<i32>} : memref<32x128xf32, #tpu.memory_space<vmem>>, vector<1x16xf32>,
    %get3A_539 = vector.shape_cast %get3A_538 : vector<1x16xf32> to vector<16xf32>
    %add3A_540 = arith.addf %add3A_534, %get3A_539 : vector<16xf32>
    %get3A_541 = arith.constant 13 : i32
    %get3A_542 = arith.index_cast %get3A_541 : i32 to index
    %get3A_543 = arith.constant 16 : index
    %get3A_544 = tpu.vector_load %arg11[%get3A_542, %get3A_543] {strides = array<i32>} : memref<32x128xf32, #tpu.memory_space<vmem>>, vector<1x16xf32>,
    %get3A_545 = vector.shape_cast %get3A_544 : vector<1x16xf32> to vector<16xf32>
    %add3A_546 = arith.addf %add3A_540, %get3A_545 : vector<16xf32>
    %get3A_547 = arith.constant 14 : i32
    %get3A_548 = arith.index_cast %get3A_547 : i32 to index
    %get3A_549 = arith.constant 16 : index
    %get3A_550 = tpu.vector_load %arg11[%get3A_548, %get3A_549] {strides = array<i32>} : memref<32x128xf32, #tpu.memory_space<vmem>>, vector<1x16xf32>,
    %get3A_551 = vector.shape_cast %get3A_550 : vector<1x16xf32> to vector<16xf32>
    %add3A_552 = arith.addf %add3A_546, %get3A_551 : vector<16xf32>
    %get3A_553 = arith.constant 15 : i32
    %get3A_554 = arith.index_cast %get3A_553 : i32 to index
    %get3A_555 = arith.constant 16 : index
    %get3A_556 = tpu.vector_load %arg11[%get3A_554, %get3A_555] {strides = array<i32>} : memref<32x128xf32, #tpu.memory_space<vmem>>, vector<1x16xf32>,
    %get3A_557 = vector.shape_cast %get3A_556 : vector<1x16xf32> to vector<16xf32>
    %add3A_558 = arith.addf %add3A_552, %get3A_557 : vector<16xf32>
    %swap3A_559 = arith.constant 1 : i32
    %swap3A_560 = arith.index_cast %swap3A_559 : i32 to index
    %swap3A_561 = arith.constant 16 : index
    %swap3A_562 = tpu.vector_load %arg12[%swap3A_560, %swap3A_561] {strides = array<i32>} : memref<4x128xf32, #tpu.memory_space<vmem>>, vector<1x16xf32>,
    %swap3A_563 = vector.shape_cast %swap3A_562 : vector<1x16xf32> to vector<16xf32>
    %swap3A_564 = vector.shape_cast %add3A_558 : vector<16xf32> to vector<1x16xf32>
    tpu.vector_store %arg12[%swap3A_560, %swap3A_561], %swap3A_564 {strides = array<i32>} : memref<4x128xf32, #tpu.memory_space<vmem>>, vector<1x16xf32>,
    %get3A_565 = arith.constant 8 : i32
    %get3A_566 = arith.index_cast %get3A_565 : i32 to index
    %get3A_567 = arith.constant 32 : index
    %get3A_568 = tpu.vector_load %arg11[%get3A_566, %get3A_567] {strides = array<i32>} : memref<32x128xf32, #tpu.memory_space<vmem>>, vector<1x16xf32>,
    %get3A_569 = vector.shape_cast %get3A_568 : vector<1x16xf32> to vector<16xf32>
    %get3A_570 = arith.constant 9 : i32
    %get3A_571 = arith.index_cast %get3A_570 : i32 to index
    %get3A_572 = arith.constant 32 : index
    %get3A_573 = tpu.vector_load %arg11[%get3A_571, %get3A_572] {strides = array<i32>} : memref<32x128xf32, #tpu.memory_space<vmem>>, vector<1x16xf32>,
    %get3A_574 = vector.shape_cast %get3A_573 : vector<1x16xf32> to vector<16xf32>
    %add3A_575 = arith.addf %get3A_569, %get3A_574 : vector<16xf32>
    %get3A_576 = arith.constant 10 : i32
    %get3A_577 = arith.index_cast %get3A_576 : i32 to index
    %get3A_578 = arith.constant 32 : index
    %get3A_579 = tpu.vector_load %arg11[%get3A_577, %get3A_578] {strides = array<i32>} : memref<32x128xf32, #tpu.memory_space<vmem>>, vector<1x16xf32>,
    %get3A_580 = vector.shape_cast %get3A_579 : vector<1x16xf32> to vector<16xf32>
    %add3A_581 = arith.addf %add3A_575, %get3A_580 : vector<16xf32>
    %get3A_582 = arith.constant 11 : i32
    %get3A_583 = arith.index_cast %get3A_582 : i32 to index
    %get3A_584 = arith.constant 32 : index
    %get3A_585 = tpu.vector_load %arg11[%get3A_583, %get3A_584] {strides = array<i32>} : memref<32x128xf32, #tpu.memory_space<vmem>>, vector<1x16xf32>,
    %get3A_586 = vector.shape_cast %get3A_585 : vector<1x16xf32> to vector<16xf32>
    %add3A_587 = arith.addf %add3A_581, %get3A_586 : vector<16xf32>
    %get3A_588 = arith.constant 12 : i32
    %get3A_589 = arith.index_cast %get3A_588 : i32 to index
    %get3A_590 = arith.constant 32 : index
    %get3A_591 = tpu.vector_load %arg11[%get3A_589, %get3A_590] {strides = array<i32>} : memref<32x128xf32, #tpu.memory_space<vmem>>, vector<1x16xf32>,
    %get3A_592 = vector.shape_cast %get3A_591 : vector<1x16xf32> to vector<16xf32>
    %add3A_593 = arith.addf %add3A_587, %get3A_592 : vector<16xf32>
    %get3A_594 = arith.constant 13 : i32
    %get3A_595 = arith.index_cast %get3A_594 : i32 to index
    %get3A_596 = arith.constant 32 : index
    %get3A_597 = tpu.vector_load %arg11[%get3A_595, %get3A_596] {strides = array<i32>} : memref<32x128xf32, #tpu.memory_space<vmem>>, vector<1x16xf32>,
    %get3A_598 = vector.shape_cast %get3A_597 : vector<1x16xf32> to vector<16xf32>
    %add3A_599 = arith.addf %add3A_593, %get3A_598 : vector<16xf32>
    %get3A_600 = arith.constant 14 : i32
    %get3A_601 = arith.index_cast %get3A_600 : i32 to index
    %get3A_602 = arith.constant 32 : index
    %get3A_603 = tpu.vector_load %arg11[%get3A_601, %get3A_602] {strides = array<i32>} : memref<32x128xf32, #tpu.memory_space<vmem>>, vector<1x16xf32>,
    %get3A_604 = vector.shape_cast %get3A_603 : vector<1x16xf32> to vector<16xf32>
    %add3A_605 = arith.addf %add3A_599, %get3A_604 : vector<16xf32>
    %get3A_606 = arith.constant 15 : i32
    %get3A_607 = arith.index_cast %get3A_606 : i32 to index
    %get3A_608 = arith.constant 32 : index
    %get3A_609 = tpu.vector_load %arg11[%get3A_607, %get3A_608] {strides = array<i32>} : memref<32x128xf32, #tpu.memory_space<vmem>>, vector<1x16xf32>,
    %get3A_610 = vector.shape_cast %get3A_609 : vector<1x16xf32> to vector<16xf32>
    %add3A_611 = arith.addf %add3A_605, %get3A_610 : vector<16xf32>
    %swap3A_612 = arith.constant 1 : i32
    %swap3A_613 = arith.index_cast %swap3A_612 : i32 to index
    %swap3A_614 = arith.constant 32 : index
    %swap3A_615 = tpu.vector_load %arg12[%swap3A_613, %swap3A_614] {strides = array<i32>} : memref<4x128xf32, #tpu.memory_space<vmem>>, vector<1x16xf32>,
    %swap3A_616 = vector.shape_cast %swap3A_615 : vector<1x16xf32> to vector<16xf32>
    %swap3A_617 = vector.shape_cast %add3A_611 : vector<16xf32> to vector<1x16xf32>
    tpu.vector_store %arg12[%swap3A_613, %swap3A_614], %swap3A_617 {strides = array<i32>} : memref<4x128xf32, #tpu.memory_space<vmem>>, vector<1x16xf32>,
    %get3A_618 = arith.constant 8 : i32
    %get3A_619 = arith.index_cast %get3A_618 : i32 to index
    %get3A_620 = arith.constant 48 : index
    %get3A_621 = tpu.vector_load %arg11[%get3A_619, %get3A_620] {strides = array<i32>} : memref<32x128xf32, #tpu.memory_space<vmem>>, vector<1x16xf32>,
    %get3A_622 = vector.shape_cast %get3A_621 : vector<1x16xf32> to vector<16xf32>
    %get3A_623 = arith.constant 9 : i32
    %get3A_624 = arith.index_cast %get3A_623 : i32 to index
    %get3A_625 = arith.constant 48 : index
    %get3A_626 = tpu.vector_load %arg11[%get3A_624, %get3A_625] {strides = array<i32>} : memref<32x128xf32, #tpu.memory_space<vmem>>, vector<1x16xf32>,
    %get3A_627 = vector.shape_cast %get3A_626 : vector<1x16xf32> to vector<16xf32>
    %add3A_628 = arith.addf %get3A_622, %get3A_627 : vector<16xf32>
    %get3A_629 = arith.constant 10 : i32
    %get3A_630 = arith.index_cast %get3A_629 : i32 to index
    %get3A_631 = arith.constant 48 : index
    %get3A_632 = tpu.vector_load %arg11[%get3A_630, %get3A_631] {strides = array<i32>} : memref<32x128xf32, #tpu.memory_space<vmem>>, vector<1x16xf32>,
    %get3A_633 = vector.shape_cast %get3A_632 : vector<1x16xf32> to vector<16xf32>
    %add3A_634 = arith.addf %add3A_628, %get3A_633 : vector<16xf32>
    %get3A_635 = arith.constant 11 : i32
    %get3A_636 = arith.index_cast %get3A_635 : i32 to index
    %get3A_637 = arith.constant 48 : index
    %get3A_638 = tpu.vector_load %arg11[%get3A_636, %get3A_637] {strides = array<i32>} : memref<32x128xf32, #tpu.memory_space<vmem>>, vector<1x16xf32>,
    %get3A_639 = vector.shape_cast %get3A_638 : vector<1x16xf32> to vector<16xf32>
    %add3A_640 = arith.addf %add3A_634, %get3A_639 : vector<16xf32>
    %get3A_641 = arith.constant 12 : i32
    %get3A_642 = arith.index_cast %get3A_641 : i32 to index
    %get3A_643 = arith.constant 48 : index
    %get3A_644 = tpu.vector_load %arg11[%get3A_642, %get3A_643] {strides = array<i32>} : memref<32x128xf32, #tpu.memory_space<vmem>>, vector<1x16xf32>,
    %get3A_645 = vector.shape_cast %get3A_644 : vector<1x16xf32> to vector<16xf32>
    %add3A_646 = arith.addf %add3A_640, %get3A_645 : vector<16xf32>
    %get3A_647 = arith.constant 13 : i32
    %get3A_648 = arith.index_cast %get3A_647 : i32 to index
    %get3A_649 = arith.constant 48 : index
    %get3A_650 = tpu.vector_load %arg11[%get3A_648, %get3A_649] {strides = array<i32>} : memref<32x128xf32, #tpu.memory_space<vmem>>, vector<1x16xf32>,
    %get3A_651 = vector.shape_cast %get3A_650 : vector<1x16xf32> to vector<16xf32>
    %add3A_652 = arith.addf %add3A_646, %get3A_651 : vector<16xf32>
    %get3A_653 = arith.constant 14 : i32
    %get3A_654 = arith.index_cast %get3A_653 : i32 to index
    %get3A_655 = arith.constant 48 : index
    %get3A_656 = tpu.vector_load %arg11[%get3A_654, %get3A_655] {strides = array<i32>} : memref<32x128xf32, #tpu.memory_space<vmem>>, vector<1x16xf32>,
    %get3A_657 = vector.shape_cast %get3A_656 : vector<1x16xf32> to vector<16xf32>
    %add3A_658 = arith.addf %add3A_652, %get3A_657 : vector<16xf32>
    %get3A_659 = arith.constant 15 : i32
    %get3A_660 = arith.index_cast %get3A_659 : i32 to index
    %get3A_661 = arith.constant 48 : index
    %get3A_662 = tpu.vector_load %arg11[%get3A_660, %get3A_661] {strides = array<i32>} : memref<32x128xf32, #tpu.memory_space<vmem>>, vector<1x16xf32>,
    %get3A_663 = vector.shape_cast %get3A_662 : vector<1x16xf32> to vector<16xf32>
    %add3A_664 = arith.addf %add3A_658, %get3A_663 : vector<16xf32>
    %swap3A_665 = arith.constant 1 : i32
    %swap3A_666 = arith.index_cast %swap3A_665 : i32 to index
    %swap3A_667 = arith.constant 48 : index
    %swap3A_668 = tpu.vector_load %arg12[%swap3A_666, %swap3A_667] {strides = array<i32>} : memref<4x128xf32, #tpu.memory_space<vmem>>, vector<1x16xf32>,
    %swap3A_669 = vector.shape_cast %swap3A_668 : vector<1x16xf32> to vector<16xf32>
    %swap3A_670 = vector.shape_cast %add3A_664 : vector<16xf32> to vector<1x16xf32>
    tpu.vector_store %arg12[%swap3A_666, %swap3A_667], %swap3A_670 {strides = array<i32>} : memref<4x128xf32, #tpu.memory_space<vmem>>, vector<1x16xf32>,
    %get3A_671 = arith.constant 8 : i32
    %get3A_672 = arith.index_cast %get3A_671 : i32 to index
    %get3A_673 = arith.constant 64 : index
    %get3A_674 = tpu.vector_load %arg11[%get3A_672, %get3A_673] {strides = array<i32>} : memref<32x128xf32, #tpu.memory_space<vmem>>, vector<1x16xf32>,
    %get3A_675 = vector.shape_cast %get3A_674 : vector<1x16xf32> to vector<16xf32>
    %get3A_676 = arith.constant 9 : i32
    %get3A_677 = arith.index_cast %get3A_676 : i32 to index
    %get3A_678 = arith.constant 64 : index
    %get3A_679 = tpu.vector_load %arg11[%get3A_677, %get3A_678] {strides = array<i32>} : memref<32x128xf32, #tpu.memory_space<vmem>>, vector<1x16xf32>,
    %get3A_680 = vector.shape_cast %get3A_679 : vector<1x16xf32> to vector<16xf32>
    %add3A_681 = arith.addf %get3A_675, %get3A_680 : vector<16xf32>
    %get3A_682 = arith.constant 10 : i32
    %get3A_683 = arith.index_cast %get3A_682 : i32 to index
    %get3A_684 = arith.constant 64 : index
    %get3A_685 = tpu.vector_load %arg11[%get3A_683, %get3A_684] {strides = array<i32>} : memref<32x128xf32, #tpu.memory_space<vmem>>, vector<1x16xf32>,
    %get3A_686 = vector.shape_cast %get3A_685 : vector<1x16xf32> to vector<16xf32>
    %add3A_687 = arith.addf %add3A_681, %get3A_686 : vector<16xf32>
    %get3A_688 = arith.constant 11 : i32
    %get3A_689 = arith.index_cast %get3A_688 : i32 to index
    %get3A_690 = arith.constant 64 : index
    %get3A_691 = tpu.vector_load %arg11[%get3A_689, %get3A_690] {strides = array<i32>} : memref<32x128xf32, #tpu.memory_space<vmem>>, vector<1x16xf32>,
    %get3A_692 = vector.shape_cast %get3A_691 : vector<1x16xf32> to vector<16xf32>
    %add3A_693 = arith.addf %add3A_687, %get3A_692 : vector<16xf32>
    %get3A_694 = arith.constant 12 : i32
    %get3A_695 = arith.index_cast %get3A_694 : i32 to index
    %get3A_696 = arith.constant 64 : index
    %get3A_697 = tpu.vector_load %arg11[%get3A_695, %get3A_696] {strides = array<i32>} : memref<32x128xf32, #tpu.memory_space<vmem>>, vector<1x16xf32>,
    %get3A_698 = vector.shape_cast %get3A_697 : vector<1x16xf32> to vector<16xf32>
    %add3A_699 = arith.addf %add3A_693, %get3A_698 : vector<16xf32>
    %get3A_700 = arith.constant 13 : i32
    %get3A_701 = arith.index_cast %get3A_700 : i32 to index
    %get3A_702 = arith.constant 64 : index
    %get3A_703 = tpu.vector_load %arg11[%get3A_701, %get3A_702] {strides = array<i32>} : memref<32x128xf32, #tpu.memory_space<vmem>>, vector<1x16xf32>,
    %get3A_704 = vector.shape_cast %get3A_703 : vector<1x16xf32> to vector<16xf32>
    %add3A_705 = arith.addf %add3A_699, %get3A_704 : vector<16xf32>
    %get3A_706 = arith.constant 14 : i32
    %get3A_707 = arith.index_cast %get3A_706 : i32 to index
    %get3A_708 = arith.constant 64 : index
    %get3A_709 = tpu.vector_load %arg11[%get3A_707, %get3A_708] {strides = array<i32>} : memref<32x128xf32, #tpu.memory_space<vmem>>, vector<1x16xf32>,
    %get3A_710 = vector.shape_cast %get3A_709 : vector<1x16xf32> to vector<16xf32>
    %add3A_711 = arith.addf %add3A_705, %get3A_710 : vector<16xf32>
    %get3A_712 = arith.constant 15 : i32
    %get3A_713 = arith.index_cast %get3A_712 : i32 to index
    %get3A_714 = arith.constant 64 : index
    %get3A_715 = tpu.vector_load %arg11[%get3A_713, %get3A_714] {strides = array<i32>} : memref<32x128xf32, #tpu.memory_space<vmem>>, vector<1x16xf32>,
    %get3A_716 = vector.shape_cast %get3A_715 : vector<1x16xf32> to vector<16xf32>
    %add3A_717 = arith.addf %add3A_711, %get3A_716 : vector<16xf32>
    %swap3A_718 = arith.constant 1 : i32
    %swap3A_719 = arith.index_cast %swap3A_718 : i32 to index
    %swap3A_720 = arith.constant 64 : index
    %swap3A_721 = tpu.vector_load %arg12[%swap3A_719, %swap3A_720] {strides = array<i32>} : memref<4x128xf32, #tpu.memory_space<vmem>>, vector<1x16xf32>,
    %swap3A_722 = vector.shape_cast %swap3A_721 : vector<1x16xf32> to vector<16xf32>
    %swap3A_723 = vector.shape_cast %add3A_717 : vector<16xf32> to vector<1x16xf32>
    tpu.vector_store %arg12[%swap3A_719, %swap3A_720], %swap3A_723 {strides = array<i32>} : memref<4x128xf32, #tpu.memory_space<vmem>>, vector<1x16xf32>,
    %get3A_724 = arith.constant 8 : i32
    %get3A_725 = arith.index_cast %get3A_724 : i32 to index
    %get3A_726 = arith.constant 80 : index
    %get3A_727 = tpu.vector_load %arg11[%get3A_725, %get3A_726] {strides = array<i32>} : memref<32x128xf32, #tpu.memory_space<vmem>>, vector<1x16xf32>,
    %get3A_728 = vector.shape_cast %get3A_727 : vector<1x16xf32> to vector<16xf32>
    %get3A_729 = arith.constant 9 : i32
    %get3A_730 = arith.index_cast %get3A_729 : i32 to index
    %get3A_731 = arith.constant 80 : index
    %get3A_732 = tpu.vector_load %arg11[%get3A_730, %get3A_731] {strides = array<i32>} : memref<32x128xf32, #tpu.memory_space<vmem>>, vector<1x16xf32>,
    %get3A_733 = vector.shape_cast %get3A_732 : vector<1x16xf32> to vector<16xf32>
    %add3A_734 = arith.addf %get3A_728, %get3A_733 : vector<16xf32>
    %get3A_735 = arith.constant 10 : i32
    %get3A_736 = arith.index_cast %get3A_735 : i32 to index
    %get3A_737 = arith.constant 80 : index
    %get3A_738 = tpu.vector_load %arg11[%get3A_736, %get3A_737] {strides = array<i32>} : memref<32x128xf32, #tpu.memory_space<vmem>>, vector<1x16xf32>,
    %get3A_739 = vector.shape_cast %get3A_738 : vector<1x16xf32> to vector<16xf32>
    %add3A_740 = arith.addf %add3A_734, %get3A_739 : vector<16xf32>
    %get3A_741 = arith.constant 11 : i32
    %get3A_742 = arith.index_cast %get3A_741 : i32 to index
    %get3A_743 = arith.constant 80 : index
    %get3A_744 = tpu.vector_load %arg11[%get3A_742, %get3A_743] {strides = array<i32>} : memref<32x128xf32, #tpu.memory_space<vmem>>, vector<1x16xf32>,
    %get3A_745 = vector.shape_cast %get3A_744 : vector<1x16xf32> to vector<16xf32>
    %add3A_746 = arith.addf %add3A_740, %get3A_745 : vector<16xf32>
    %get3A_747 = arith.constant 12 : i32
    %get3A_748 = arith.index_cast %get3A_747 : i32 to index
    %get3A_749 = arith.constant 80 : index
    %get3A_750 = tpu.vector_load %arg11[%get3A_748, %get3A_749] {strides = array<i32>} : memref<32x128xf32, #tpu.memory_space<vmem>>, vector<1x16xf32>,
    %get3A_751 = vector.shape_cast %get3A_750 : vector<1x16xf32> to vector<16xf32>
    %add3A_752 = arith.addf %add3A_746, %get3A_751 : vector<16xf32>
    %get3A_753 = arith.constant 13 : i32
    %get3A_754 = arith.index_cast %get3A_753 : i32 to index
    %get3A_755 = arith.constant 80 : index
    %get3A_756 = tpu.vector_load %arg11[%get3A_754, %get3A_755] {strides = array<i32>} : memref<32x128xf32, #tpu.memory_space<vmem>>, vector<1x16xf32>,
    %get3A_757 = vector.shape_cast %get3A_756 : vector<1x16xf32> to vector<16xf32>
    %add3A_758 = arith.addf %add3A_752, %get3A_757 : vector<16xf32>
    %get3A_759 = arith.constant 14 : i32
    %get3A_760 = arith.index_cast %get3A_759 : i32 to index
    %get3A_761 = arith.constant 80 : index
    %get3A_762 = tpu.vector_load %arg11[%get3A_760, %get3A_761] {strides = array<i32>} : memref<32x128xf32, #tpu.memory_space<vmem>>, vector<1x16xf32>,
    %get3A_763 = vector.shape_cast %get3A_762 : vector<1x16xf32> to vector<16xf32>
    %add3A_764 = arith.addf %add3A_758, %get3A_763 : vector<16xf32>
    %get3A_765 = arith.constant 15 : i32
    %get3A_766 = arith.index_cast %get3A_765 : i32 to index
    %get3A_767 = arith.constant 80 : index
    %get3A_768 = tpu.vector_load %arg11[%get3A_766, %get3A_767] {strides = array<i32>} : memref<32x128xf32, #tpu.memory_space<vmem>>, vector<1x16xf32>,
    %get3A_769 = vector.shape_cast %get3A_768 : vector<1x16xf32> to vector<16xf32>
    %add3A_770 = arith.addf %add3A_764, %get3A_769 : vector<16xf32>
    %swap3A_771 = arith.constant 1 : i32
    %swap3A_772 = arith.index_cast %swap3A_771 : i32 to index
    %swap3A_773 = arith.constant 80 : index
    %swap3A_774 = tpu.vector_load %arg12[%swap3A_772, %swap3A_773] {strides = array<i32>} : memref<4x128xf32, #tpu.memory_space<vmem>>, vector<1x16xf32>,
    %swap3A_775 = vector.shape_cast %swap3A_774 : vector<1x16xf32> to vector<16xf32>
    %swap3A_776 = vector.shape_cast %add3A_770 : vector<16xf32> to vector<1x16xf32>
    tpu.vector_store %arg12[%swap3A_772, %swap3A_773], %swap3A_776 {strides = array<i32>} : memref<4x128xf32, #tpu.memory_space<vmem>>, vector<1x16xf32>,
    %get3A_777 = arith.constant 8 : i32
    %get3A_778 = arith.index_cast %get3A_777 : i32 to index
    %get3A_779 = arith.constant 96 : index
    %get3A_780 = tpu.vector_load %arg11[%get3A_778, %get3A_779] {strides = array<i32>} : memref<32x128xf32, #tpu.memory_space<vmem>>, vector<1x16xf32>,
    %get3A_781 = vector.shape_cast %get3A_780 : vector<1x16xf32> to vector<16xf32>
    %get3A_782 = arith.constant 9 : i32
    %get3A_783 = arith.index_cast %get3A_782 : i32 to index
    %get3A_784 = arith.constant 96 : index
    %get3A_785 = tpu.vector_load %arg11[%get3A_783, %get3A_784] {strides = array<i32>} : memref<32x128xf32, #tpu.memory_space<vmem>>, vector<1x16xf32>,
    %get3A_786 = vector.shape_cast %get3A_785 : vector<1x16xf32> to vector<16xf32>
    %add3A_787 = arith.addf %get3A_781, %get3A_786 : vector<16xf32>
    %get3A_788 = arith.constant 10 : i32
    %get3A_789 = arith.index_cast %get3A_788 : i32 to index
    %get3A_790 = arith.constant 96 : index
    %get3A_791 = tpu.vector_load %arg11[%get3A_789, %get3A_790] {strides = array<i32>} : memref<32x128xf32, #tpu.memory_space<vmem>>, vector<1x16xf32>,
    %get3A_792 = vector.shape_cast %get3A_791 : vector<1x16xf32> to vector<16xf32>
    %add3A_793 = arith.addf %add3A_787, %get3A_792 : vector<16xf32>
    %get3A_794 = arith.constant 11 : i32
    %get3A_795 = arith.index_cast %get3A_794 : i32 to index
    %get3A_796 = arith.constant 96 : index
    %get3A_797 = tpu.vector_load %arg11[%get3A_795, %get3A_796] {strides = array<i32>} : memref<32x128xf32, #tpu.memory_space<vmem>>, vector<1x16xf32>,
    %get3A_798 = vector.shape_cast %get3A_797 : vector<1x16xf32> to vector<16xf32>
    %add3A_799 = arith.addf %add3A_793, %get3A_798 : vector<16xf32>
    %get3A_800 = arith.constant 12 : i32
    %get3A_801 = arith.index_cast %get3A_800 : i32 to index
    %get3A_802 = arith.constant 96 : index
    %get3A_803 = tpu.vector_load %arg11[%get3A_801, %get3A_802] {strides = array<i32>} : memref<32x128xf32, #tpu.memory_space<vmem>>, vector<1x16xf32>,
    %get3A_804 = vector.shape_cast %get3A_803 : vector<1x16xf32> to vector<16xf32>
    %add3A_805 = arith.addf %add3A_799, %get3A_804 : vector<16xf32>
    %get3A_806 = arith.constant 13 : i32
    %get3A_807 = arith.index_cast %get3A_806 : i32 to index
    %get3A_808 = arith.constant 96 : index
    %get3A_809 = tpu.vector_load %arg11[%get3A_807, %get3A_808] {strides = array<i32>} : memref<32x128xf32, #tpu.memory_space<vmem>>, vector<1x16xf32>,
    %get3A_810 = vector.shape_cast %get3A_809 : vector<1x16xf32> to vector<16xf32>
    %add3A_811 = arith.addf %add3A_805, %get3A_810 : vector<16xf32>
    %get3A_812 = arith.constant 14 : i32
    %get3A_813 = arith.index_cast %get3A_812 : i32 to index
    %get3A_814 = arith.constant 96 : index
    %get3A_815 = tpu.vector_load %arg11[%get3A_813, %get3A_814] {strides = array<i32>} : memref<32x128xf32, #tpu.memory_space<vmem>>, vector<1x16xf32>,
    %get3A_816 = vector.shape_cast %get3A_815 : vector<1x16xf32> to vector<16xf32>
    %add3A_817 = arith.addf %add3A_811, %get3A_816 : vector<16xf32>
    %get3A_818 = arith.constant 15 : i32
    %get3A_819 = arith.index_cast %get3A_818 : i32 to index
    %get3A_820 = arith.constant 96 : index
    %get3A_821 = tpu.vector_load %arg11[%get3A_819, %get3A_820] {strides = array<i32>} : memref<32x128xf32, #tpu.memory_space<vmem>>, vector<1x16xf32>,
    %get3A_822 = vector.shape_cast %get3A_821 : vector<1x16xf32> to vector<16xf32>
    %add3A_823 = arith.addf %add3A_817, %get3A_822 : vector<16xf32>
    %swap3A_824 = arith.constant 1 : i32
    %swap3A_825 = arith.index_cast %swap3A_824 : i32 to index
    %swap3A_826 = arith.constant 96 : index
    %swap3A_827 = tpu.vector_load %arg12[%swap3A_825, %swap3A_826] {strides = array<i32>} : memref<4x128xf32, #tpu.memory_space<vmem>>, vector<1x16xf32>,
    %swap3A_828 = vector.shape_cast %swap3A_827 : vector<1x16xf32> to vector<16xf32>
    %swap3A_829 = vector.shape_cast %add3A_823 : vector<16xf32> to vector<1x16xf32>
    tpu.vector_store %arg12[%swap3A_825, %swap3A_826], %swap3A_829 {strides = array<i32>} : memref<4x128xf32, #tpu.memory_space<vmem>>, vector<1x16xf32>,
    %get3A_830 = arith.constant 8 : i32
    %get3A_831 = arith.index_cast %get3A_830 : i32 to index
    %get3A_832 = arith.constant 112 : index
    %get3A_833 = tpu.vector_load %arg11[%get3A_831, %get3A_832] {strides = array<i32>} : memref<32x128xf32, #tpu.memory_space<vmem>>, vector<1x16xf32>,
    %get3A_834 = vector.shape_cast %get3A_833 : vector<1x16xf32> to vector<16xf32>
    %get3A_835 = arith.constant 9 : i32
    %get3A_836 = arith.index_cast %get3A_835 : i32 to index
    %get3A_837 = arith.constant 112 : index
    %get3A_838 = tpu.vector_load %arg11[%get3A_836, %get3A_837] {strides = array<i32>} : memref<32x128xf32, #tpu.memory_space<vmem>>, vector<1x16xf32>,
    %get3A_839 = vector.shape_cast %get3A_838 : vector<1x16xf32> to vector<16xf32>
    %add3A_840 = arith.addf %get3A_834, %get3A_839 : vector<16xf32>
    %get3A_841 = arith.constant 10 : i32
    %get3A_842 = arith.index_cast %get3A_841 : i32 to index
    %get3A_843 = arith.constant 112 : index
    %get3A_844 = tpu.vector_load %arg11[%get3A_842, %get3A_843] {strides = array<i32>} : memref<32x128xf32, #tpu.memory_space<vmem>>, vector<1x16xf32>,
    %get3A_845 = vector.shape_cast %get3A_844 : vector<1x16xf32> to vector<16xf32>
    %add3A_846 = arith.addf %add3A_840, %get3A_845 : vector<16xf32>
    %get3A_847 = arith.constant 11 : i32
    %get3A_848 = arith.index_cast %get3A_847 : i32 to index
    %get3A_849 = arith.constant 112 : index
    %get3A_850 = tpu.vector_load %arg11[%get3A_848, %get3A_849] {strides = array<i32>} : memref<32x128xf32, #tpu.memory_space<vmem>>, vector<1x16xf32>,
    %get3A_851 = vector.shape_cast %get3A_850 : vector<1x16xf32> to vector<16xf32>
    %add3A_852 = arith.addf %add3A_846, %get3A_851 : vector<16xf32>
    %get3A_853 = arith.constant 12 : i32
    %get3A_854 = arith.index_cast %get3A_853 : i32 to index
    %get3A_855 = arith.constant 112 : index
    %get3A_856 = tpu.vector_load %arg11[%get3A_854, %get3A_855] {strides = array<i32>} : memref<32x128xf32, #tpu.memory_space<vmem>>, vector<1x16xf32>,
    %get3A_857 = vector.shape_cast %get3A_856 : vector<1x16xf32> to vector<16xf32>
    %add3A_858 = arith.addf %add3A_852, %get3A_857 : vector<16xf32>
    %get3A_859 = arith.constant 13 : i32
    %get3A_860 = arith.index_cast %get3A_859 : i32 to index
    %get3A_861 = arith.constant 112 : index
    %get3A_862 = tpu.vector_load %arg11[%get3A_860, %get3A_861] {strides = array<i32>} : memref<32x128xf32, #tpu.memory_space<vmem>>, vector<1x16xf32>,
    %get3A_863 = vector.shape_cast %get3A_862 : vector<1x16xf32> to vector<16xf32>
    %add3A_864 = arith.addf %add3A_858, %get3A_863 : vector<16xf32>
    %get3A_865 = arith.constant 14 : i32
    %get3A_866 = arith.index_cast %get3A_865 : i32 to index
    %get3A_867 = arith.constant 112 : index
    %get3A_868 = tpu.vector_load %arg11[%get3A_866, %get3A_867] {strides = array<i32>} : memref<32x128xf32, #tpu.memory_space<vmem>>, vector<1x16xf32>,
    %get3A_869 = vector.shape_cast %get3A_868 : vector<1x16xf32> to vector<16xf32>
    %add3A_870 = arith.addf %add3A_864, %get3A_869 : vector<16xf32>
    %get3A_871 = arith.constant 15 : i32
    %get3A_872 = arith.index_cast %get3A_871 : i32 to index
    %get3A_873 = arith.constant 112 : index
    %get3A_874 = tpu.vector_load %arg11[%get3A_872, %get3A_873] {strides = array<i32>} : memref<32x128xf32, #tpu.memory_space<vmem>>, vector<1x16xf32>,
    %get3A_875 = vector.shape_cast %get3A_874 : vector<1x16xf32> to vector<16xf32>
    %add3A_876 = arith.addf %add3A_870, %get3A_875 : vector<16xf32>
    %swap3A_877 = arith.constant 1 : i32
    %swap3A_878 = arith.index_cast %swap3A_877 : i32 to index
    %swap3A_879 = arith.constant 112 : index
    %swap3A_880 = tpu.vector_load %arg12[%swap3A_878, %swap3A_879] {strides = array<i32>} : memref<4x128xf32, #tpu.memory_space<vmem>>, vector<1x16xf32>,
    %swap3A_881 = vector.shape_cast %swap3A_880 : vector<1x16xf32> to vector<16xf32>
    %swap3A_882 = vector.shape_cast %add3A_876 : vector<16xf32> to vector<1x16xf32>
    tpu.vector_store %arg12[%swap3A_878, %swap3A_879], %swap3A_882 {strides = array<i32>} : memref<4x128xf32, #tpu.memory_space<vmem>>, vector<1x16xf32>,
    %get3A_883 = arith.constant 16 : i32
    %get3A_884 = arith.index_cast %get3A_883 : i32 to index
    %get3A_885 = arith.constant 0 : index
    %get3A_886 = tpu.vector_load %arg11[%get3A_884, %get3A_885] {strides = array<i32>} : memref<32x128xf32, #tpu.memory_space<vmem>>, vector<1x16xf32>,
    %get3A_887 = vector.shape_cast %get3A_886 : vector<1x16xf32> to vector<16xf32>
    %get3A_888 = arith.constant 17 : i32
    %get3A_889 = arith.index_cast %get3A_888 : i32 to index
    %get3A_890 = arith.constant 0 : index
    %get3A_891 = tpu.vector_load %arg11[%get3A_889, %get3A_890] {strides = array<i32>} : memref<32x128xf32, #tpu.memory_space<vmem>>, vector<1x16xf32>,
    %get3A_892 = vector.shape_cast %get3A_891 : vector<1x16xf32> to vector<16xf32>
    %add3A_893 = arith.addf %get3A_887, %get3A_892 : vector<16xf32>
    %get3A_894 = arith.constant 18 : i32
    %get3A_895 = arith.index_cast %get3A_894 : i32 to index
    %get3A_896 = arith.constant 0 : index
    %get3A_897 = tpu.vector_load %arg11[%get3A_895, %get3A_896] {strides = array<i32>} : memref<32x128xf32, #tpu.memory_space<vmem>>, vector<1x16xf32>,
    %get3A_898 = vector.shape_cast %get3A_897 : vector<1x16xf32> to vector<16xf32>
    %add3A_899 = arith.addf %add3A_893, %get3A_898 : vector<16xf32>
    %get3A_900 = arith.constant 19 : i32
    %get3A_901 = arith.index_cast %get3A_900 : i32 to index
    %get3A_902 = arith.constant 0 : index
    %get3A_903 = tpu.vector_load %arg11[%get3A_901, %get3A_902] {strides = array<i32>} : memref<32x128xf32, #tpu.memory_space<vmem>>, vector<1x16xf32>,
    %get3A_904 = vector.shape_cast %get3A_903 : vector<1x16xf32> to vector<16xf32>
    %add3A_905 = arith.addf %add3A_899, %get3A_904 : vector<16xf32>
    %get3A_906 = arith.constant 20 : i32
    %get3A_907 = arith.index_cast %get3A_906 : i32 to index
    %get3A_908 = arith.constant 0 : index
    %get3A_909 = tpu.vector_load %arg11[%get3A_907, %get3A_908] {strides = array<i32>} : memref<32x128xf32, #tpu.memory_space<vmem>>, vector<1x16xf32>,
    %get3A_910 = vector.shape_cast %get3A_909 : vector<1x16xf32> to vector<16xf32>
    %add3A_911 = arith.addf %add3A_905, %get3A_910 : vector<16xf32>
    %get3A_912 = arith.constant 21 : i32
    %get3A_913 = arith.index_cast %get3A_912 : i32 to index
    %get3A_914 = arith.constant 0 : index
    %get3A_915 = tpu.vector_load %arg11[%get3A_913, %get3A_914] {strides = array<i32>} : memref<32x128xf32, #tpu.memory_space<vmem>>, vector<1x16xf32>,
    %get3A_916 = vector.shape_cast %get3A_915 : vector<1x16xf32> to vector<16xf32>
    %add3A_917 = arith.addf %add3A_911, %get3A_916 : vector<16xf32>
    %get3A_918 = arith.constant 22 : i32
    %get3A_919 = arith.index_cast %get3A_918 : i32 to index
    %get3A_920 = arith.constant 0 : index
    %get3A_921 = tpu.vector_load %arg11[%get3A_919, %get3A_920] {strides = array<i32>} : memref<32x128xf32, #tpu.memory_space<vmem>>, vector<1x16xf32>,
    %get3A_922 = vector.shape_cast %get3A_921 : vector<1x16xf32> to vector<16xf32>
    %add3A_923 = arith.addf %add3A_917, %get3A_922 : vector<16xf32>
    %get3A_924 = arith.constant 23 : i32
    %get3A_925 = arith.index_cast %get3A_924 : i32 to index
    %get3A_926 = arith.constant 0 : index
    %get3A_927 = tpu.vector_load %arg11[%get3A_925, %get3A_926] {strides = array<i32>} : memref<32x128xf32, #tpu.memory_space<vmem>>, vector<1x16xf32>,
    %get3A_928 = vector.shape_cast %get3A_927 : vector<1x16xf32> to vector<16xf32>
    %add3A_929 = arith.addf %add3A_923, %get3A_928 : vector<16xf32>
    %swap3A_930 = arith.constant 2 : i32
    %swap3A_931 = arith.index_cast %swap3A_930 : i32 to index
    %swap3A_932 = arith.constant 0 : index
    %swap3A_933 = tpu.vector_load %arg12[%swap3A_931, %swap3A_932] {strides = array<i32>} : memref<4x128xf32, #tpu.memory_space<vmem>>, vector<1x16xf32>,
    %swap3A_934 = vector.shape_cast %swap3A_933 : vector<1x16xf32> to vector<16xf32>
    %swap3A_935 = vector.shape_cast %add3A_929 : vector<16xf32> to vector<1x16xf32>
    tpu.vector_store %arg12[%swap3A_931, %swap3A_932], %swap3A_935 {strides = array<i32>} : memref<4x128xf32, #tpu.memory_space<vmem>>, vector<1x16xf32>,
    %get3A_936 = arith.constant 16 : i32
    %get3A_937 = arith.index_cast %get3A_936 : i32 to index
    %get3A_938 = arith.constant 16 : index
    %get3A_939 = tpu.vector_load %arg11[%get3A_937, %get3A_938] {strides = array<i32>} : memref<32x128xf32, #tpu.memory_space<vmem>>, vector<1x16xf32>,
    %get3A_940 = vector.shape_cast %get3A_939 : vector<1x16xf32> to vector<16xf32>
    %get3A_941 = arith.constant 17 : i32
    %get3A_942 = arith.index_cast %get3A_941 : i32 to index
    %get3A_943 = arith.constant 16 : index
    %get3A_944 = tpu.vector_load %arg11[%get3A_942, %get3A_943] {strides = array<i32>} : memref<32x128xf32, #tpu.memory_space<vmem>>, vector<1x16xf32>,
    %get3A_945 = vector.shape_cast %get3A_944 : vector<1x16xf32> to vector<16xf32>
    %add3A_946 = arith.addf %get3A_940, %get3A_945 : vector<16xf32>
    %get3A_947 = arith.constant 18 : i32
    %get3A_948 = arith.index_cast %get3A_947 : i32 to index
    %get3A_949 = arith.constant 16 : index
    %get3A_950 = tpu.vector_load %arg11[%get3A_948, %get3A_949] {strides = array<i32>} : memref<32x128xf32, #tpu.memory_space<vmem>>, vector<1x16xf32>,
    %get3A_951 = vector.shape_cast %get3A_950 : vector<1x16xf32> to vector<16xf32>
    %add3A_952 = arith.addf %add3A_946, %get3A_951 : vector<16xf32>
    %get3A_953 = arith.constant 19 : i32
    %get3A_954 = arith.index_cast %get3A_953 : i32 to index
    %get3A_955 = arith.constant 16 : index
    %get3A_956 = tpu.vector_load %arg11[%get3A_954, %get3A_955] {strides = array<i32>} : memref<32x128xf32, #tpu.memory_space<vmem>>, vector<1x16xf32>,
    %get3A_957 = vector.shape_cast %get3A_956 : vector<1x16xf32> to vector<16xf32>
    %add3A_958 = arith.addf %add3A_952, %get3A_957 : vector<16xf32>
    %get3A_959 = arith.constant 20 : i32
    %get3A_960 = arith.index_cast %get3A_959 : i32 to index
    %get3A_961 = arith.constant 16 : index
    %get3A_962 = tpu.vector_load %arg11[%get3A_960, %get3A_961] {strides = array<i32>} : memref<32x128xf32, #tpu.memory_space<vmem>>, vector<1x16xf32>,
    %get3A_963 = vector.shape_cast %get3A_962 : vector<1x16xf32> to vector<16xf32>
    %add3A_964 = arith.addf %add3A_958, %get3A_963 : vector<16xf32>
    %get3A_965 = arith.constant 21 : i32
    %get3A_966 = arith.index_cast %get3A_965 : i32 to index
    %get3A_967 = arith.constant 16 : index
    %get3A_968 = tpu.vector_load %arg11[%get3A_966, %get3A_967] {strides = array<i32>} : memref<32x128xf32, #tpu.memory_space<vmem>>, vector<1x16xf32>,
    %get3A_969 = vector.shape_cast %get3A_968 : vector<1x16xf32> to vector<16xf32>
    %add3A_970 = arith.addf %add3A_964, %get3A_969 : vector<16xf32>
    %get3A_971 = arith.constant 22 : i32
    %get3A_972 = arith.index_cast %get3A_971 : i32 to index
    %get3A_973 = arith.constant 16 : index
    %get3A_974 = tpu.vector_load %arg11[%get3A_972, %get3A_973] {strides = array<i32>} : memref<32x128xf32, #tpu.memory_space<vmem>>, vector<1x16xf32>,
    %get3A_975 = vector.shape_cast %get3A_974 : vector<1x16xf32> to vector<16xf32>
    %add3A_976 = arith.addf %add3A_970, %get3A_975 : vector<16xf32>
    %get3A_977 = arith.constant 23 : i32
    %get3A_978 = arith.index_cast %get3A_977 : i32 to index
    %get3A_979 = arith.constant 16 : index
    %get3A_980 = tpu.vector_load %arg11[%get3A_978, %get3A_979] {strides = array<i32>} : memref<32x128xf32, #tpu.memory_space<vmem>>, vector<1x16xf32>,
    %get3A_981 = vector.shape_cast %get3A_980 : vector<1x16xf32> to vector<16xf32>
    %add3A_982 = arith.addf %add3A_976, %get3A_981 : vector<16xf32>
    %swap3A_983 = arith.constant 2 : i32
    %swap3A_984 = arith.index_cast %swap3A_983 : i32 to index
    %swap3A_985 = arith.constant 16 : index
    %swap3A_986 = tpu.vector_load %arg12[%swap3A_984, %swap3A_985] {strides = array<i32>} : memref<4x128xf32, #tpu.memory_space<vmem>>, vector<1x16xf32>,
    %swap3A_987 = vector.shape_cast %swap3A_986 : vector<1x16xf32> to vector<16xf32>
    %swap3A_988 = vector.shape_cast %add3A_982 : vector<16xf32> to vector<1x16xf32>
    tpu.vector_store %arg12[%swap3A_984, %swap3A_985], %swap3A_988 {strides = array<i32>} : memref<4x128xf32, #tpu.memory_space<vmem>>, vector<1x16xf32>,
    %get3A_989 = arith.constant 16 : i32
    %get3A_990 = arith.index_cast %get3A_989 : i32 to index
    %get3A_991 = arith.constant 32 : index
    %get3A_992 = tpu.vector_load %arg11[%get3A_990, %get3A_991] {strides = array<i32>} : memref<32x128xf32, #tpu.memory_space<vmem>>, vector<1x16xf32>,
    %get3A_993 = vector.shape_cast %get3A_992 : vector<1x16xf32> to vector<16xf32>
    %get3A_994 = arith.constant 17 : i32
    %get3A_995 = arith.index_cast %get3A_994 : i32 to index
    %get3A_996 = arith.constant 32 : index
    %get3A_997 = tpu.vector_load %arg11[%get3A_995, %get3A_996] {strides = array<i32>} : memref<32x128xf32, #tpu.memory_space<vmem>>, vector<1x16xf32>,
    %get3A_998 = vector.shape_cast %get3A_997 : vector<1x16xf32> to vector<16xf32>
    %add3A_999 = arith.addf %get3A_993, %get3A_998 : vector<16xf32>
    %get3A_1000 = arith.constant 18 : i32
    %get3A_1001 = arith.index_cast %get3A_1000 : i32 to index
    %get3A_1002 = arith.constant 32 : index
    %get3A_1003 = tpu.vector_load %arg11[%get3A_1001, %get3A_1002] {strides = array<i32>} : memref<32x128xf32, #tpu.memory_space<vmem>>, vector<1x16xf32>,
    %get3A_1004 = vector.shape_cast %get3A_1003 : vector<1x16xf32> to vector<16xf32>
    %add3A_1005 = arith.addf %add3A_999, %get3A_1004 : vector<16xf32>
    %get3A_1006 = arith.constant 19 : i32
    %get3A_1007 = arith.index_cast %get3A_1006 : i32 to index
    %get3A_1008 = arith.constant 32 : index
    %get3A_1009 = tpu.vector_load %arg11[%get3A_1007, %get3A_1008] {strides = array<i32>} : memref<32x128xf32, #tpu.memory_space<vmem>>, vector<1x16xf32>,
    %get3A_1010 = vector.shape_cast %get3A_1009 : vector<1x16xf32> to vector<16xf32>
    %add3A_1011 = arith.addf %add3A_1005, %get3A_1010 : vector<16xf32>
    %get3A_1012 = arith.constant 20 : i32
    %get3A_1013 = arith.index_cast %get3A_1012 : i32 to index
    %get3A_1014 = arith.constant 32 : index
    %get3A_1015 = tpu.vector_load %arg11[%get3A_1013, %get3A_1014] {strides = array<i32>} : memref<32x128xf32, #tpu.memory_space<vmem>>, vector<1x16xf32>,
    %get3A_1016 = vector.shape_cast %get3A_1015 : vector<1x16xf32> to vector<16xf32>
    %add3A_1017 = arith.addf %add3A_1011, %get3A_1016 : vector<16xf32>
    %get3A_1018 = arith.constant 21 : i32
    %get3A_1019 = arith.index_cast %get3A_1018 : i32 to index
    %get3A_1020 = arith.constant 32 : index
    %get3A_1021 = tpu.vector_load %arg11[%get3A_1019, %get3A_1020] {strides = array<i32>} : memref<32x128xf32, #tpu.memory_space<vmem>>, vector<1x16xf32>,
    %get3A_1022 = vector.shape_cast %get3A_1021 : vector<1x16xf32> to vector<16xf32>
    %add3A_1023 = arith.addf %add3A_1017, %get3A_1022 : vector<16xf32>
    %get3A_1024 = arith.constant 22 : i32
    %get3A_1025 = arith.index_cast %get3A_1024 : i32 to index
    %get3A_1026 = arith.constant 32 : index
    %get3A_1027 = tpu.vector_load %arg11[%get3A_1025, %get3A_1026] {strides = array<i32>} : memref<32x128xf32, #tpu.memory_space<vmem>>, vector<1x16xf32>,
    %get3A_1028 = vector.shape_cast %get3A_1027 : vector<1x16xf32> to vector<16xf32>
    %add3A_1029 = arith.addf %add3A_1023, %get3A_1028 : vector<16xf32>
    %get3A_1030 = arith.constant 23 : i32
    %get3A_1031 = arith.index_cast %get3A_1030 : i32 to index
    %get3A_1032 = arith.constant 32 : index
    %get3A_1033 = tpu.vector_load %arg11[%get3A_1031, %get3A_1032] {strides = array<i32>} : memref<32x128xf32, #tpu.memory_space<vmem>>, vector<1x16xf32>,
    %get3A_1034 = vector.shape_cast %get3A_1033 : vector<1x16xf32> to vector<16xf32>
    %add3A_1035 = arith.addf %add3A_1029, %get3A_1034 : vector<16xf32>
    %swap3A_1036 = arith.constant 2 : i32
    %swap3A_1037 = arith.index_cast %swap3A_1036 : i32 to index
    %swap3A_1038 = arith.constant 32 : index
    %swap3A_1039 = tpu.vector_load %arg12[%swap3A_1037, %swap3A_1038] {strides = array<i32>} : memref<4x128xf32, #tpu.memory_space<vmem>>, vector<1x16xf32>,
    %swap3A_1040 = vector.shape_cast %swap3A_1039 : vector<1x16xf32> to vector<16xf32>
    %swap3A_1041 = vector.shape_cast %add3A_1035 : vector<16xf32> to vector<1x16xf32>
    tpu.vector_store %arg12[%swap3A_1037, %swap3A_1038], %swap3A_1041 {strides = array<i32>} : memref<4x128xf32, #tpu.memory_space<vmem>>, vector<1x16xf32>,
    %get3A_1042 = arith.constant 16 : i32
    %get3A_1043 = arith.index_cast %get3A_1042 : i32 to index
    %get3A_1044 = arith.constant 48 : index
    %get3A_1045 = tpu.vector_load %arg11[%get3A_1043, %get3A_1044] {strides = array<i32>} : memref<32x128xf32, #tpu.memory_space<vmem>>, vector<1x16xf32>,
    %get3A_1046 = vector.shape_cast %get3A_1045 : vector<1x16xf32> to vector<16xf32>
    %get3A_1047 = arith.constant 17 : i32
    %get3A_1048 = arith.index_cast %get3A_1047 : i32 to index
    %get3A_1049 = arith.constant 48 : index
    %get3A_1050 = tpu.vector_load %arg11[%get3A_1048, %get3A_1049] {strides = array<i32>} : memref<32x128xf32, #tpu.memory_space<vmem>>, vector<1x16xf32>,
    %get3A_1051 = vector.shape_cast %get3A_1050 : vector<1x16xf32> to vector<16xf32>
    %add3A_1052 = arith.addf %get3A_1046, %get3A_1051 : vector<16xf32>
    %get3A_1053 = arith.constant 18 : i32
    %get3A_1054 = arith.index_cast %get3A_1053 : i32 to index
    %get3A_1055 = arith.constant 48 : index
    %get3A_1056 = tpu.vector_load %arg11[%get3A_1054, %get3A_1055] {strides = array<i32>} : memref<32x128xf32, #tpu.memory_space<vmem>>, vector<1x16xf32>,
    %get3A_1057 = vector.shape_cast %get3A_1056 : vector<1x16xf32> to vector<16xf32>
    %add3A_1058 = arith.addf %add3A_1052, %get3A_1057 : vector<16xf32>
    %get3A_1059 = arith.constant 19 : i32
    %get3A_1060 = arith.index_cast %get3A_1059 : i32 to index
    %get3A_1061 = arith.constant 48 : index
    %get3A_1062 = tpu.vector_load %arg11[%get3A_1060, %get3A_1061] {strides = array<i32>} : memref<32x128xf32, #tpu.memory_space<vmem>>, vector<1x16xf32>,
    %get3A_1063 = vector.shape_cast %get3A_1062 : vector<1x16xf32> to vector<16xf32>
    %add3A_1064 = arith.addf %add3A_1058, %get3A_1063 : vector<16xf32>
    %get3A_1065 = arith.constant 20 : i32
    %get3A_1066 = arith.index_cast %get3A_1065 : i32 to index
    %get3A_1067 = arith.constant 48 : index
    %get3A_1068 = tpu.vector_load %arg11[%get3A_1066, %get3A_1067] {strides = array<i32>} : memref<32x128xf32, #tpu.memory_space<vmem>>, vector<1x16xf32>,
    %get3A_1069 = vector.shape_cast %get3A_1068 : vector<1x16xf32> to vector<16xf32>
    %add3A_1070 = arith.addf %add3A_1064, %get3A_1069 : vector<16xf32>
    %get3A_1071 = arith.constant 21 : i32
    %get3A_1072 = arith.index_cast %get3A_1071 : i32 to index
    %get3A_1073 = arith.constant 48 : index
    %get3A_1074 = tpu.vector_load %arg11[%get3A_1072, %get3A_1073] {strides = array<i32>} : memref<32x128xf32, #tpu.memory_space<vmem>>, vector<1x16xf32>,
    %get3A_1075 = vector.shape_cast %get3A_1074 : vector<1x16xf32> to vector<16xf32>
    %add3A_1076 = arith.addf %add3A_1070, %get3A_1075 : vector<16xf32>
    %get3A_1077 = arith.constant 22 : i32
    %get3A_1078 = arith.index_cast %get3A_1077 : i32 to index
    %get3A_1079 = arith.constant 48 : index
    %get3A_1080 = tpu.vector_load %arg11[%get3A_1078, %get3A_1079] {strides = array<i32>} : memref<32x128xf32, #tpu.memory_space<vmem>>, vector<1x16xf32>,
    %get3A_1081 = vector.shape_cast %get3A_1080 : vector<1x16xf32> to vector<16xf32>
    %add3A_1082 = arith.addf %add3A_1076, %get3A_1081 : vector<16xf32>
    %get3A_1083 = arith.constant 23 : i32
    %get3A_1084 = arith.index_cast %get3A_1083 : i32 to index
    %get3A_1085 = arith.constant 48 : index
    %get3A_1086 = tpu.vector_load %arg11[%get3A_1084, %get3A_1085] {strides = array<i32>} : memref<32x128xf32, #tpu.memory_space<vmem>>, vector<1x16xf32>,
    %get3A_1087 = vector.shape_cast %get3A_1086 : vector<1x16xf32> to vector<16xf32>
    %add3A_1088 = arith.addf %add3A_1082, %get3A_1087 : vector<16xf32>
    %swap3A_1089 = arith.constant 2 : i32
    %swap3A_1090 = arith.index_cast %swap3A_1089 : i32 to index
    %swap3A_1091 = arith.constant 48 : index
    %swap3A_1092 = tpu.vector_load %arg12[%swap3A_1090, %swap3A_1091] {strides = array<i32>} : memref<4x128xf32, #tpu.memory_space<vmem>>, vector<1x16xf32>,
    %swap3A_1093 = vector.shape_cast %swap3A_1092 : vector<1x16xf32> to vector<16xf32>
    %swap3A_1094 = vector.shape_cast %add3A_1088 : vector<16xf32> to vector<1x16xf32>
    tpu.vector_store %arg12[%swap3A_1090, %swap3A_1091], %swap3A_1094 {strides = array<i32>} : memref<4x128xf32, #tpu.memory_space<vmem>>, vector<1x16xf32>,
    %get3A_1095 = arith.constant 16 : i32
    %get3A_1096 = arith.index_cast %get3A_1095 : i32 to index
    %get3A_1097 = arith.constant 64 : index
    %get3A_1098 = tpu.vector_load %arg11[%get3A_1096, %get3A_1097] {strides = array<i32>} : memref<32x128xf32, #tpu.memory_space<vmem>>, vector<1x16xf32>,
    %get3A_1099 = vector.shape_cast %get3A_1098 : vector<1x16xf32> to vector<16xf32>
    %get3A_1100 = arith.constant 17 : i32
    %get3A_1101 = arith.index_cast %get3A_1100 : i32 to index
    %get3A_1102 = arith.constant 64 : index
    %get3A_1103 = tpu.vector_load %arg11[%get3A_1101, %get3A_1102] {strides = array<i32>} : memref<32x128xf32, #tpu.memory_space<vmem>>, vector<1x16xf32>,
    %get3A_1104 = vector.shape_cast %get3A_1103 : vector<1x16xf32> to vector<16xf32>
    %add3A_1105 = arith.addf %get3A_1099, %get3A_1104 : vector<16xf32>
    %get3A_1106 = arith.constant 18 : i32
    %get3A_1107 = arith.index_cast %get3A_1106 : i32 to index
    %get3A_1108 = arith.constant 64 : index
    %get3A_1109 = tpu.vector_load %arg11[%get3A_1107, %get3A_1108] {strides = array<i32>} : memref<32x128xf32, #tpu.memory_space<vmem>>, vector<1x16xf32>,
    %get3A_1110 = vector.shape_cast %get3A_1109 : vector<1x16xf32> to vector<16xf32>
    %add3A_1111 = arith.addf %add3A_1105, %get3A_1110 : vector<16xf32>
    %get3A_1112 = arith.constant 19 : i32
    %get3A_1113 = arith.index_cast %get3A_1112 : i32 to index
    %get3A_1114 = arith.constant 64 : index
    %get3A_1115 = tpu.vector_load %arg11[%get3A_1113, %get3A_1114] {strides = array<i32>} : memref<32x128xf32, #tpu.memory_space<vmem>>, vector<1x16xf32>,
    %get3A_1116 = vector.shape_cast %get3A_1115 : vector<1x16xf32> to vector<16xf32>
    %add3A_1117 = arith.addf %add3A_1111, %get3A_1116 : vector<16xf32>
    %get3A_1118 = arith.constant 20 : i32
    %get3A_1119 = arith.index_cast %get3A_1118 : i32 to index
    %get3A_1120 = arith.constant 64 : index
    %get3A_1121 = tpu.vector_load %arg11[%get3A_1119, %get3A_1120] {strides = array<i32>} : memref<32x128xf32, #tpu.memory_space<vmem>>, vector<1x16xf32>,
    %get3A_1122 = vector.shape_cast %get3A_1121 : vector<1x16xf32> to vector<16xf32>
    %add3A_1123 = arith.addf %add3A_1117, %get3A_1122 : vector<16xf32>
    %get3A_1124 = arith.constant 21 : i32
    %get3A_1125 = arith.index_cast %get3A_1124 : i32 to index
    %get3A_1126 = arith.constant 64 : index
    %get3A_1127 = tpu.vector_load %arg11[%get3A_1125, %get3A_1126] {strides = array<i32>} : memref<32x128xf32, #tpu.memory_space<vmem>>, vector<1x16xf32>,
    %get3A_1128 = vector.shape_cast %get3A_1127 : vector<1x16xf32> to vector<16xf32>
    %add3A_1129 = arith.addf %add3A_1123, %get3A_1128 : vector<16xf32>
    %get3A_1130 = arith.constant 22 : i32
    %get3A_1131 = arith.index_cast %get3A_1130 : i32 to index
    %get3A_1132 = arith.constant 64 : index
    %get3A_1133 = tpu.vector_load %arg11[%get3A_1131, %get3A_1132] {strides = array<i32>} : memref<32x128xf32, #tpu.memory_space<vmem>>, vector<1x16xf32>,
    %get3A_1134 = vector.shape_cast %get3A_1133 : vector<1x16xf32> to vector<16xf32>
    %add3A_1135 = arith.addf %add3A_1129, %get3A_1134 : vector<16xf32>
    %get3A_1136 = arith.constant 23 : i32
    %get3A_1137 = arith.index_cast %get3A_1136 : i32 to index
    %get3A_1138 = arith.constant 64 : index
    %get3A_1139 = tpu.vector_load %arg11[%get3A_1137, %get3A_1138] {strides = array<i32>} : memref<32x128xf32, #tpu.memory_space<vmem>>, vector<1x16xf32>,
    %get3A_1140 = vector.shape_cast %get3A_1139 : vector<1x16xf32> to vector<16xf32>
    %add3A_1141 = arith.addf %add3A_1135, %get3A_1140 : vector<16xf32>
    %swap3A_1142 = arith.constant 2 : i32
    %swap3A_1143 = arith.index_cast %swap3A_1142 : i32 to index
    %swap3A_1144 = arith.constant 64 : index
    %swap3A_1145 = tpu.vector_load %arg12[%swap3A_1143, %swap3A_1144] {strides = array<i32>} : memref<4x128xf32, #tpu.memory_space<vmem>>, vector<1x16xf32>,
    %swap3A_1146 = vector.shape_cast %swap3A_1145 : vector<1x16xf32> to vector<16xf32>
    %swap3A_1147 = vector.shape_cast %add3A_1141 : vector<16xf32> to vector<1x16xf32>
    tpu.vector_store %arg12[%swap3A_1143, %swap3A_1144], %swap3A_1147 {strides = array<i32>} : memref<4x128xf32, #tpu.memory_space<vmem>>, vector<1x16xf32>,
    %get3A_1148 = arith.constant 16 : i32
    %get3A_1149 = arith.index_cast %get3A_1148 : i32 to index
    %get3A_1150 = arith.constant 80 : index
    %get3A_1151 = tpu.vector_load %arg11[%get3A_1149, %get3A_1150] {strides = array<i32>} : memref<32x128xf32, #tpu.memory_space<vmem>>, vector<1x16xf32>,
    %get3A_1152 = vector.shape_cast %get3A_1151 : vector<1x16xf32> to vector<16xf32>
    %get3A_1153 = arith.constant 17 : i32
    %get3A_1154 = arith.index_cast %get3A_1153 : i32 to index
    %get3A_1155 = arith.constant 80 : index
    %get3A_1156 = tpu.vector_load %arg11[%get3A_1154, %get3A_1155] {strides = array<i32>} : memref<32x128xf32, #tpu.memory_space<vmem>>, vector<1x16xf32>,
    %get3A_1157 = vector.shape_cast %get3A_1156 : vector<1x16xf32> to vector<16xf32>
    %add3A_1158 = arith.addf %get3A_1152, %get3A_1157 : vector<16xf32>
    %get3A_1159 = arith.constant 18 : i32
    %get3A_1160 = arith.index_cast %get3A_1159 : i32 to index
    %get3A_1161 = arith.constant 80 : index
    %get3A_1162 = tpu.vector_load %arg11[%get3A_1160, %get3A_1161] {strides = array<i32>} : memref<32x128xf32, #tpu.memory_space<vmem>>, vector<1x16xf32>,
    %get3A_1163 = vector.shape_cast %get3A_1162 : vector<1x16xf32> to vector<16xf32>
    %add3A_1164 = arith.addf %add3A_1158, %get3A_1163 : vector<16xf32>
    %get3A_1165 = arith.constant 19 : i32
    %get3A_1166 = arith.index_cast %get3A_1165 : i32 to index
    %get3A_1167 = arith.constant 80 : index
    %get3A_1168 = tpu.vector_load %arg11[%get3A_1166, %get3A_1167] {strides = array<i32>} : memref<32x128xf32, #tpu.memory_space<vmem>>, vector<1x16xf32>,
    %get3A_1169 = vector.shape_cast %get3A_1168 : vector<1x16xf32> to vector<16xf32>
    %add3A_1170 = arith.addf %add3A_1164, %get3A_1169 : vector<16xf32>
    %get3A_1171 = arith.constant 20 : i32
    %get3A_1172 = arith.index_cast %get3A_1171 : i32 to index
    %get3A_1173 = arith.constant 80 : index
    %get3A_1174 = tpu.vector_load %arg11[%get3A_1172, %get3A_1173] {strides = array<i32>} : memref<32x128xf32, #tpu.memory_space<vmem>>, vector<1x16xf32>,
    %get3A_1175 = vector.shape_cast %get3A_1174 : vector<1x16xf32> to vector<16xf32>
    %add3A_1176 = arith.addf %add3A_1170, %get3A_1175 : vector<16xf32>
    %get3A_1177 = arith.constant 21 : i32
    %get3A_1178 = arith.index_cast %get3A_1177 : i32 to index
    %get3A_1179 = arith.constant 80 : index
    %get3A_1180 = tpu.vector_load %arg11[%get3A_1178, %get3A_1179] {strides = array<i32>} : memref<32x128xf32, #tpu.memory_space<vmem>>, vector<1x16xf32>,
    %get3A_1181 = vector.shape_cast %get3A_1180 : vector<1x16xf32> to vector<16xf32>
    %add3A_1182 = arith.addf %add3A_1176, %get3A_1181 : vector<16xf32>
    %get3A_1183 = arith.constant 22 : i32
    %get3A_1184 = arith.index_cast %get3A_1183 : i32 to index
    %get3A_1185 = arith.constant 80 : index
    %get3A_1186 = tpu.vector_load %arg11[%get3A_1184, %get3A_1185] {strides = array<i32>} : memref<32x128xf32, #tpu.memory_space<vmem>>, vector<1x16xf32>,
    %get3A_1187 = vector.shape_cast %get3A_1186 : vector<1x16xf32> to vector<16xf32>
    %add3A_1188 = arith.addf %add3A_1182, %get3A_1187 : vector<16xf32>
    %get3A_1189 = arith.constant 23 : i32
    %get3A_1190 = arith.index_cast %get3A_1189 : i32 to index
    %get3A_1191 = arith.constant 80 : index
    %get3A_1192 = tpu.vector_load %arg11[%get3A_1190, %get3A_1191] {strides = array<i32>} : memref<32x128xf32, #tpu.memory_space<vmem>>, vector<1x16xf32>,
    %get3A_1193 = vector.shape_cast %get3A_1192 : vector<1x16xf32> to vector<16xf32>
    %add3A_1194 = arith.addf %add3A_1188, %get3A_1193 : vector<16xf32>
    %swap3A_1195 = arith.constant 2 : i32
    %swap3A_1196 = arith.index_cast %swap3A_1195 : i32 to index
    %swap3A_1197 = arith.constant 80 : index
    %swap3A_1198 = tpu.vector_load %arg12[%swap3A_1196, %swap3A_1197] {strides = array<i32>} : memref<4x128xf32, #tpu.memory_space<vmem>>, vector<1x16xf32>,
    %swap3A_1199 = vector.shape_cast %swap3A_1198 : vector<1x16xf32> to vector<16xf32>
    %swap3A_1200 = vector.shape_cast %add3A_1194 : vector<16xf32> to vector<1x16xf32>
    tpu.vector_store %arg12[%swap3A_1196, %swap3A_1197], %swap3A_1200 {strides = array<i32>} : memref<4x128xf32, #tpu.memory_space<vmem>>, vector<1x16xf32>,
    %get3A_1201 = arith.constant 16 : i32
    %get3A_1202 = arith.index_cast %get3A_1201 : i32 to index
    %get3A_1203 = arith.constant 96 : index
    %get3A_1204 = tpu.vector_load %arg11[%get3A_1202, %get3A_1203] {strides = array<i32>} : memref<32x128xf32, #tpu.memory_space<vmem>>, vector<1x16xf32>,
    %get3A_1205 = vector.shape_cast %get3A_1204 : vector<1x16xf32> to vector<16xf32>
    %get3A_1206 = arith.constant 17 : i32
    %get3A_1207 = arith.index_cast %get3A_1206 : i32 to index
    %get3A_1208 = arith.constant 96 : index
    %get3A_1209 = tpu.vector_load %arg11[%get3A_1207, %get3A_1208] {strides = array<i32>} : memref<32x128xf32, #tpu.memory_space<vmem>>, vector<1x16xf32>,
    %get3A_1210 = vector.shape_cast %get3A_1209 : vector<1x16xf32> to vector<16xf32>
    %add3A_1211 = arith.addf %get3A_1205, %get3A_1210 : vector<16xf32>
    %get3A_1212 = arith.constant 18 : i32
    %get3A_1213 = arith.index_cast %get3A_1212 : i32 to index
    %get3A_1214 = arith.constant 96 : index
    %get3A_1215 = tpu.vector_load %arg11[%get3A_1213, %get3A_1214] {strides = array<i32>} : memref<32x128xf32, #tpu.memory_space<vmem>>, vector<1x16xf32>,
    %get3A_1216 = vector.shape_cast %get3A_1215 : vector<1x16xf32> to vector<16xf32>
    %add3A_1217 = arith.addf %add3A_1211, %get3A_1216 : vector<16xf32>
    %get3A_1218 = arith.constant 19 : i32
    %get3A_1219 = arith.index_cast %get3A_1218 : i32 to index
    %get3A_1220 = arith.constant 96 : index
    %get3A_1221 = tpu.vector_load %arg11[%get3A_1219, %get3A_1220] {strides = array<i32>} : memref<32x128xf32, #tpu.memory_space<vmem>>, vector<1x16xf32>,
    %get3A_1222 = vector.shape_cast %get3A_1221 : vector<1x16xf32> to vector<16xf32>
    %add3A_1223 = arith.addf %add3A_1217, %get3A_1222 : vector<16xf32>
    %get3A_1224 = arith.constant 20 : i32
    %get3A_1225 = arith.index_cast %get3A_1224 : i32 to index
    %get3A_1226 = arith.constant 96 : index
    %get3A_1227 = tpu.vector_load %arg11[%get3A_1225, %get3A_1226] {strides = array<i32>} : memref<32x128xf32, #tpu.memory_space<vmem>>, vector<1x16xf32>,
    %get3A_1228 = vector.shape_cast %get3A_1227 : vector<1x16xf32> to vector<16xf32>
    %add3A_1229 = arith.addf %add3A_1223, %get3A_1228 : vector<16xf32>
    %get3A_1230 = arith.constant 21 : i32
    %get3A_1231 = arith.index_cast %get3A_1230 : i32 to index
    %get3A_1232 = arith.constant 96 : index
    %get3A_1233 = tpu.vector_load %arg11[%get3A_1231, %get3A_1232] {strides = array<i32>} : memref<32x128xf32, #tpu.memory_space<vmem>>, vector<1x16xf32>,
    %get3A_1234 = vector.shape_cast %get3A_1233 : vector<1x16xf32> to vector<16xf32>
    %add3A_1235 = arith.addf %add3A_1229, %get3A_1234 : vector<16xf32>
    %get3A_1236 = arith.constant 22 : i32
    %get3A_1237 = arith.index_cast %get3A_1236 : i32 to index
    %get3A_1238 = arith.constant 96 : index
    %get3A_1239 = tpu.vector_load %arg11[%get3A_1237, %get3A_1238] {strides = array<i32>} : memref<32x128xf32, #tpu.memory_space<vmem>>, vector<1x16xf32>,
    %get3A_1240 = vector.shape_cast %get3A_1239 : vector<1x16xf32> to vector<16xf32>
    %add3A_1241 = arith.addf %add3A_1235, %get3A_1240 : vector<16xf32>
    %get3A_1242 = arith.constant 23 : i32
    %get3A_1243 = arith.index_cast %get3A_1242 : i32 to index
    %get3A_1244 = arith.constant 96 : index
    %get3A_1245 = tpu.vector_load %arg11[%get3A_1243, %get3A_1244] {strides = array<i32>} : memref<32x128xf32, #tpu.memory_space<vmem>>, vector<1x16xf32>,
    %get3A_1246 = vector.shape_cast %get3A_1245 : vector<1x16xf32> to vector<16xf32>
    %add3A_1247 = arith.addf %add3A_1241, %get3A_1246 : vector<16xf32>
    %swap3A_1248 = arith.constant 2 : i32
    %swap3A_1249 = arith.index_cast %swap3A_1248 : i32 to index
    %swap3A_1250 = arith.constant 96 : index
    %swap3A_1251 = tpu.vector_load %arg12[%swap3A_1249, %swap3A_1250] {strides = array<i32>} : memref<4x128xf32, #tpu.memory_space<vmem>>, vector<1x16xf32>,
    %swap3A_1252 = vector.shape_cast %swap3A_1251 : vector<1x16xf32> to vector<16xf32>
    %swap3A_1253 = vector.shape_cast %add3A_1247 : vector<16xf32> to vector<1x16xf32>
    tpu.vector_store %arg12[%swap3A_1249, %swap3A_1250], %swap3A_1253 {strides = array<i32>} : memref<4x128xf32, #tpu.memory_space<vmem>>, vector<1x16xf32>,
    %get3A_1254 = arith.constant 16 : i32
    %get3A_1255 = arith.index_cast %get3A_1254 : i32 to index
    %get3A_1256 = arith.constant 112 : index
    %get3A_1257 = tpu.vector_load %arg11[%get3A_1255, %get3A_1256] {strides = array<i32>} : memref<32x128xf32, #tpu.memory_space<vmem>>, vector<1x16xf32>,
    %get3A_1258 = vector.shape_cast %get3A_1257 : vector<1x16xf32> to vector<16xf32>
    %get3A_1259 = arith.constant 17 : i32
    %get3A_1260 = arith.index_cast %get3A_1259 : i32 to index
    %get3A_1261 = arith.constant 112 : index
    %get3A_1262 = tpu.vector_load %arg11[%get3A_1260, %get3A_1261] {strides = array<i32>} : memref<32x128xf32, #tpu.memory_space<vmem>>, vector<1x16xf32>,
    %get3A_1263 = vector.shape_cast %get3A_1262 : vector<1x16xf32> to vector<16xf32>
    %add3A_1264 = arith.addf %get3A_1258, %get3A_1263 : vector<16xf32>
    %get3A_1265 = arith.constant 18 : i32
    %get3A_1266 = arith.index_cast %get3A_1265 : i32 to index
    %get3A_1267 = arith.constant 112 : index
    %get3A_1268 = tpu.vector_load %arg11[%get3A_1266, %get3A_1267] {strides = array<i32>} : memref<32x128xf32, #tpu.memory_space<vmem>>, vector<1x16xf32>,
    %get3A_1269 = vector.shape_cast %get3A_1268 : vector<1x16xf32> to vector<16xf32>
    %add3A_1270 = arith.addf %add3A_1264, %get3A_1269 : vector<16xf32>
    %get3A_1271 = arith.constant 19 : i32
    %get3A_1272 = arith.index_cast %get3A_1271 : i32 to index
    %get3A_1273 = arith.constant 112 : index
    %get3A_1274 = tpu.vector_load %arg11[%get3A_1272, %get3A_1273] {strides = array<i32>} : memref<32x128xf32, #tpu.memory_space<vmem>>, vector<1x16xf32>,
    %get3A_1275 = vector.shape_cast %get3A_1274 : vector<1x16xf32> to vector<16xf32>
    %add3A_1276 = arith.addf %add3A_1270, %get3A_1275 : vector<16xf32>
    %get3A_1277 = arith.constant 20 : i32
    %get3A_1278 = arith.index_cast %get3A_1277 : i32 to index
    %get3A_1279 = arith.constant 112 : index
    %get3A_1280 = tpu.vector_load %arg11[%get3A_1278, %get3A_1279] {strides = array<i32>} : memref<32x128xf32, #tpu.memory_space<vmem>>, vector<1x16xf32>,
    %get3A_1281 = vector.shape_cast %get3A_1280 : vector<1x16xf32> to vector<16xf32>
    %add3A_1282 = arith.addf %add3A_1276, %get3A_1281 : vector<16xf32>
    %get3A_1283 = arith.constant 21 : i32
    %get3A_1284 = arith.index_cast %get3A_1283 : i32 to index
    %get3A_1285 = arith.constant 112 : index
    %get3A_1286 = tpu.vector_load %arg11[%get3A_1284, %get3A_1285] {strides = array<i32>} : memref<32x128xf32, #tpu.memory_space<vmem>>, vector<1x16xf32>,
    %get3A_1287 = vector.shape_cast %get3A_1286 : vector<1x16xf32> to vector<16xf32>
    %add3A_1288 = arith.addf %add3A_1282, %get3A_1287 : vector<16xf32>
    %get3A_1289 = arith.constant 22 : i32
    %get3A_1290 = arith.index_cast %get3A_1289 : i32 to index
    %get3A_1291 = arith.constant 112 : index
    %get3A_1292 = tpu.vector_load %arg11[%get3A_1290, %get3A_1291] {strides = array<i32>} : memref<32x128xf32, #tpu.memory_space<vmem>>, vector<1x16xf32>,
    %get3A_1293 = vector.shape_cast %get3A_1292 : vector<1x16xf32> to vector<16xf32>
    %add3A_1294 = arith.addf %add3A_1288, %get3A_1293 : vector<16xf32>
    %get3A_1295 = arith.constant 23 : i32
    %get3A_1296 = arith.index_cast %get3A_1295 : i32 to index
    %get3A_1297 = arith.constant 112 : index
    %get3A_1298 = tpu.vector_load %arg11[%get3A_1296, %get3A_1297] {strides = array<i32>} : memref<32x128xf32, #tpu.memory_space<vmem>>, vector<1x16xf32>,
    %get3A_1299 = vector.shape_cast %get3A_1298 : vector<1x16xf32> to vector<16xf32>
    %add3A_1300 = arith.addf %add3A_1294, %get3A_1299 : vector<16xf32>
    %swap3A_1301 = arith.constant 2 : i32
    %swap3A_1302 = arith.index_cast %swap3A_1301 : i32 to index
    %swap3A_1303 = arith.constant 112 : index
    %swap3A_1304 = tpu.vector_load %arg12[%swap3A_1302, %swap3A_1303] {strides = array<i32>} : memref<4x128xf32, #tpu.memory_space<vmem>>, vector<1x16xf32>,
    %swap3A_1305 = vector.shape_cast %swap3A_1304 : vector<1x16xf32> to vector<16xf32>
    %swap3A_1306 = vector.shape_cast %add3A_1300 : vector<16xf32> to vector<1x16xf32>
    tpu.vector_store %arg12[%swap3A_1302, %swap3A_1303], %swap3A_1306 {strides = array<i32>} : memref<4x128xf32, #tpu.memory_space<vmem>>, vector<1x16xf32>,
    %get3A_1307 = arith.constant 24 : i32
    %get3A_1308 = arith.index_cast %get3A_1307 : i32 to index
    %get3A_1309 = arith.constant 0 : index
    %get3A_1310 = tpu.vector_load %arg11[%get3A_1308, %get3A_1309] {strides = array<i32>} : memref<32x128xf32, #tpu.memory_space<vmem>>, vector<1x16xf32>,
    %get3A_1311 = vector.shape_cast %get3A_1310 : vector<1x16xf32> to vector<16xf32>
    %get3A_1312 = arith.constant 25 : i32
    %get3A_1313 = arith.index_cast %get3A_1312 : i32 to index
    %get3A_1314 = arith.constant 0 : index
    %get3A_1315 = tpu.vector_load %arg11[%get3A_1313, %get3A_1314] {strides = array<i32>} : memref<32x128xf32, #tpu.memory_space<vmem>>, vector<1x16xf32>,
    %get3A_1316 = vector.shape_cast %get3A_1315 : vector<1x16xf32> to vector<16xf32>
    %add3A_1317 = arith.addf %get3A_1311, %get3A_1316 : vector<16xf32>
    %get3A_1318 = arith.constant 26 : i32
    %get3A_1319 = arith.index_cast %get3A_1318 : i32 to index
    %get3A_1320 = arith.constant 0 : index
    %get3A_1321 = tpu.vector_load %arg11[%get3A_1319, %get3A_1320] {strides = array<i32>} : memref<32x128xf32, #tpu.memory_space<vmem>>, vector<1x16xf32>,
    %get3A_1322 = vector.shape_cast %get3A_1321 : vector<1x16xf32> to vector<16xf32>
    %add3A_1323 = arith.addf %add3A_1317, %get3A_1322 : vector<16xf32>
    %get3A_1324 = arith.constant 27 : i32
    %get3A_1325 = arith.index_cast %get3A_1324 : i32 to index
    %get3A_1326 = arith.constant 0 : index
    %get3A_1327 = tpu.vector_load %arg11[%get3A_1325, %get3A_1326] {strides = array<i32>} : memref<32x128xf32, #tpu.memory_space<vmem>>, vector<1x16xf32>,
    %get3A_1328 = vector.shape_cast %get3A_1327 : vector<1x16xf32> to vector<16xf32>
    %add3A_1329 = arith.addf %add3A_1323, %get3A_1328 : vector<16xf32>
    %get3A_1330 = arith.constant 28 : i32
    %get3A_1331 = arith.index_cast %get3A_1330 : i32 to index
    %get3A_1332 = arith.constant 0 : index
    %get3A_1333 = tpu.vector_load %arg11[%get3A_1331, %get3A_1332] {strides = array<i32>} : memref<32x128xf32, #tpu.memory_space<vmem>>, vector<1x16xf32>,
    %get3A_1334 = vector.shape_cast %get3A_1333 : vector<1x16xf32> to vector<16xf32>
    %add3A_1335 = arith.addf %add3A_1329, %get3A_1334 : vector<16xf32>
    %get3A_1336 = arith.constant 29 : i32
    %get3A_1337 = arith.index_cast %get3A_1336 : i32 to index
    %get3A_1338 = arith.constant 0 : index
    %get3A_1339 = tpu.vector_load %arg11[%get3A_1337, %get3A_1338] {strides = array<i32>} : memref<32x128xf32, #tpu.memory_space<vmem>>, vector<1x16xf32>,
    %get3A_1340 = vector.shape_cast %get3A_1339 : vector<1x16xf32> to vector<16xf32>
    %add3A_1341 = arith.addf %add3A_1335, %get3A_1340 : vector<16xf32>
    %get3A_1342 = arith.constant 30 : i32
    %get3A_1343 = arith.index_cast %get3A_1342 : i32 to index
    %get3A_1344 = arith.constant 0 : index
    %get3A_1345 = tpu.vector_load %arg11[%get3A_1343, %get3A_1344] {strides = array<i32>} : memref<32x128xf32, #tpu.memory_space<vmem>>, vector<1x16xf32>,
    %get3A_1346 = vector.shape_cast %get3A_1345 : vector<1x16xf32> to vector<16xf32>
    %add3A_1347 = arith.addf %add3A_1341, %get3A_1346 : vector<16xf32>
    %get3A_1348 = arith.constant 31 : i32
    %get3A_1349 = arith.index_cast %get3A_1348 : i32 to index
    %get3A_1350 = arith.constant 0 : index
    %get3A_1351 = tpu.vector_load %arg11[%get3A_1349, %get3A_1350] {strides = array<i32>} : memref<32x128xf32, #tpu.memory_space<vmem>>, vector<1x16xf32>,
    %get3A_1352 = vector.shape_cast %get3A_1351 : vector<1x16xf32> to vector<16xf32>
    %add3A_1353 = arith.addf %add3A_1347, %get3A_1352 : vector<16xf32>
    %swap3A_1354 = arith.constant 3 : i32
    %swap3A_1355 = arith.index_cast %swap3A_1354 : i32 to index
    %swap3A_1356 = arith.constant 0 : index
    %swap3A_1357 = tpu.vector_load %arg12[%swap3A_1355, %swap3A_1356] {strides = array<i32>} : memref<4x128xf32, #tpu.memory_space<vmem>>, vector<1x16xf32>,
    %swap3A_1358 = vector.shape_cast %swap3A_1357 : vector<1x16xf32> to vector<16xf32>
    %swap3A_1359 = vector.shape_cast %add3A_1353 : vector<16xf32> to vector<1x16xf32>
    tpu.vector_store %arg12[%swap3A_1355, %swap3A_1356], %swap3A_1359 {strides = array<i32>} : memref<4x128xf32, #tpu.memory_space<vmem>>, vector<1x16xf32>,
    %get3A_1360 = arith.constant 24 : i32
    %get3A_1361 = arith.index_cast %get3A_1360 : i32 to index
    %get3A_1362 = arith.constant 16 : index
    %get3A_1363 = tpu.vector_load %arg11[%get3A_1361, %get3A_1362] {strides = array<i32>} : memref<32x128xf32, #tpu.memory_space<vmem>>, vector<1x16xf32>,
    %get3A_1364 = vector.shape_cast %get3A_1363 : vector<1x16xf32> to vector<16xf32>
    %get3A_1365 = arith.constant 25 : i32
    %get3A_1366 = arith.index_cast %get3A_1365 : i32 to index
    %get3A_1367 = arith.constant 16 : index
    %get3A_1368 = tpu.vector_load %arg11[%get3A_1366, %get3A_1367] {strides = array<i32>} : memref<32x128xf32, #tpu.memory_space<vmem>>, vector<1x16xf32>,
    %get3A_1369 = vector.shape_cast %get3A_1368 : vector<1x16xf32> to vector<16xf32>
    %add3A_1370 = arith.addf %get3A_1364, %get3A_1369 : vector<16xf32>
    %get3A_1371 = arith.constant 26 : i32
    %get3A_1372 = arith.index_cast %get3A_1371 : i32 to index
    %get3A_1373 = arith.constant 16 : index
    %get3A_1374 = tpu.vector_load %arg11[%get3A_1372, %get3A_1373] {strides = array<i32>} : memref<32x128xf32, #tpu.memory_space<vmem>>, vector<1x16xf32>,
    %get3A_1375 = vector.shape_cast %get3A_1374 : vector<1x16xf32> to vector<16xf32>
    %add3A_1376 = arith.addf %add3A_1370, %get3A_1375 : vector<16xf32>
    %get3A_1377 = arith.constant 27 : i32
    %get3A_1378 = arith.index_cast %get3A_1377 : i32 to index
    %get3A_1379 = arith.constant 16 : index
    %get3A_1380 = tpu.vector_load %arg11[%get3A_1378, %get3A_1379] {strides = array<i32>} : memref<32x128xf32, #tpu.memory_space<vmem>>, vector<1x16xf32>,
    %get3A_1381 = vector.shape_cast %get3A_1380 : vector<1x16xf32> to vector<16xf32>
    %add3A_1382 = arith.addf %add3A_1376, %get3A_1381 : vector<16xf32>
    %get3A_1383 = arith.constant 28 : i32
    %get3A_1384 = arith.index_cast %get3A_1383 : i32 to index
    %get3A_1385 = arith.constant 16 : index
    %get3A_1386 = tpu.vector_load %arg11[%get3A_1384, %get3A_1385] {strides = array<i32>} : memref<32x128xf32, #tpu.memory_space<vmem>>, vector<1x16xf32>,
    %get3A_1387 = vector.shape_cast %get3A_1386 : vector<1x16xf32> to vector<16xf32>
    %add3A_1388 = arith.addf %add3A_1382, %get3A_1387 : vector<16xf32>
    %get3A_1389 = arith.constant 29 : i32
    %get3A_1390 = arith.index_cast %get3A_1389 : i32 to index
    %get3A_1391 = arith.constant 16 : index
    %get3A_1392 = tpu.vector_load %arg11[%get3A_1390, %get3A_1391] {strides = array<i32>} : memref<32x128xf32, #tpu.memory_space<vmem>>, vector<1x16xf32>,
    %get3A_1393 = vector.shape_cast %get3A_1392 : vector<1x16xf32> to vector<16xf32>
    %add3A_1394 = arith.addf %add3A_1388, %get3A_1393 : vector<16xf32>
    %get3A_1395 = arith.constant 30 : i32
    %get3A_1396 = arith.index_cast %get3A_1395 : i32 to index
    %get3A_1397 = arith.constant 16 : index
    %get3A_1398 = tpu.vector_load %arg11[%get3A_1396, %get3A_1397] {strides = array<i32>} : memref<32x128xf32, #tpu.memory_space<vmem>>, vector<1x16xf32>,
    %get3A_1399 = vector.shape_cast %get3A_1398 : vector<1x16xf32> to vector<16xf32>
    %add3A_1400 = arith.addf %add3A_1394, %get3A_1399 : vector<16xf32>
    %get3A_1401 = arith.constant 31 : i32
    %get3A_1402 = arith.index_cast %get3A_1401 : i32 to index
    %get3A_1403 = arith.constant 16 : index
    %get3A_1404 = tpu.vector_load %arg11[%get3A_1402, %get3A_1403] {strides = array<i32>} : memref<32x128xf32, #tpu.memory_space<vmem>>, vector<1x16xf32>,
    %get3A_1405 = vector.shape_cast %get3A_1404 : vector<1x16xf32> to vector<16xf32>
    %add3A_1406 = arith.addf %add3A_1400, %get3A_1405 : vector<16xf32>
    %swap3A_1407 = arith.constant 3 : i32
    %swap3A_1408 = arith.index_cast %swap3A_1407 : i32 to index
    %swap3A_1409 = arith.constant 16 : index
    %swap3A_1410 = tpu.vector_load %arg12[%swap3A_1408, %swap3A_1409] {strides = array<i32>} : memref<4x128xf32, #tpu.memory_space<vmem>>, vector<1x16xf32>,
    %swap3A_1411 = vector.shape_cast %swap3A_1410 : vector<1x16xf32> to vector<16xf32>
    %swap3A_1412 = vector.shape_cast %add3A_1406 : vector<16xf32> to vector<1x16xf32>
    tpu.vector_store %arg12[%swap3A_1408, %swap3A_1409], %swap3A_1412 {strides = array<i32>} : memref<4x128xf32, #tpu.memory_space<vmem>>, vector<1x16xf32>,
    %get3A_1413 = arith.constant 24 : i32
    %get3A_1414 = arith.index_cast %get3A_1413 : i32 to index
    %get3A_1415 = arith.constant 32 : index
    %get3A_1416 = tpu.vector_load %arg11[%get3A_1414, %get3A_1415] {strides = array<i32>} : memref<32x128xf32, #tpu.memory_space<vmem>>, vector<1x16xf32>,
    %get3A_1417 = vector.shape_cast %get3A_1416 : vector<1x16xf32> to vector<16xf32>
    %get3A_1418 = arith.constant 25 : i32
    %get3A_1419 = arith.index_cast %get3A_1418 : i32 to index
    %get3A_1420 = arith.constant 32 : index
    %get3A_1421 = tpu.vector_load %arg11[%get3A_1419, %get3A_1420] {strides = array<i32>} : memref<32x128xf32, #tpu.memory_space<vmem>>, vector<1x16xf32>,
    %get3A_1422 = vector.shape_cast %get3A_1421 : vector<1x16xf32> to vector<16xf32>
    %add3A_1423 = arith.addf %get3A_1417, %get3A_1422 : vector<16xf32>
    %get3A_1424 = arith.constant 26 : i32
    %get3A_1425 = arith.index_cast %get3A_1424 : i32 to index
    %get3A_1426 = arith.constant 32 : index
    %get3A_1427 = tpu.vector_load %arg11[%get3A_1425, %get3A_1426] {strides = array<i32>} : memref<32x128xf32, #tpu.memory_space<vmem>>, vector<1x16xf32>,
    %get3A_1428 = vector.shape_cast %get3A_1427 : vector<1x16xf32> to vector<16xf32>
    %add3A_1429 = arith.addf %add3A_1423, %get3A_1428 : vector<16xf32>
    %get3A_1430 = arith.constant 27 : i32
    %get3A_1431 = arith.index_cast %get3A_1430 : i32 to index
    %get3A_1432 = arith.constant 32 : index
    %get3A_1433 = tpu.vector_load %arg11[%get3A_1431, %get3A_1432] {strides = array<i32>} : memref<32x128xf32, #tpu.memory_space<vmem>>, vector<1x16xf32>,
    %get3A_1434 = vector.shape_cast %get3A_1433 : vector<1x16xf32> to vector<16xf32>
    %add3A_1435 = arith.addf %add3A_1429, %get3A_1434 : vector<16xf32>
    %get3A_1436 = arith.constant 28 : i32
    %get3A_1437 = arith.index_cast %get3A_1436 : i32 to index
    %get3A_1438 = arith.constant 32 : index
    %get3A_1439 = tpu.vector_load %arg11[%get3A_1437, %get3A_1438] {strides = array<i32>} : memref<32x128xf32, #tpu.memory_space<vmem>>, vector<1x16xf32>,
    %get3A_1440 = vector.shape_cast %get3A_1439 : vector<1x16xf32> to vector<16xf32>
    %add3A_1441 = arith.addf %add3A_1435, %get3A_1440 : vector<16xf32>
    %get3A_1442 = arith.constant 29 : i32
    %get3A_1443 = arith.index_cast %get3A_1442 : i32 to index
    %get3A_1444 = arith.constant 32 : index
    %get3A_1445 = tpu.vector_load %arg11[%get3A_1443, %get3A_1444] {strides = array<i32>} : memref<32x128xf32, #tpu.memory_space<vmem>>, vector<1x16xf32>,
    %get3A_1446 = vector.shape_cast %get3A_1445 : vector<1x16xf32> to vector<16xf32>
    %add3A_1447 = arith.addf %add3A_1441, %get3A_1446 : vector<16xf32>
    %get3A_1448 = arith.constant 30 : i32
    %get3A_1449 = arith.index_cast %get3A_1448 : i32 to index
    %get3A_1450 = arith.constant 32 : index
    %get3A_1451 = tpu.vector_load %arg11[%get3A_1449, %get3A_1450] {strides = array<i32>} : memref<32x128xf32, #tpu.memory_space<vmem>>, vector<1x16xf32>,
    %get3A_1452 = vector.shape_cast %get3A_1451 : vector<1x16xf32> to vector<16xf32>
    %add3A_1453 = arith.addf %add3A_1447, %get3A_1452 : vector<16xf32>
    %get3A_1454 = arith.constant 31 : i32
    %get3A_1455 = arith.index_cast %get3A_1454 : i32 to index
    %get3A_1456 = arith.constant 32 : index
    %get3A_1457 = tpu.vector_load %arg11[%get3A_1455, %get3A_1456] {strides = array<i32>} : memref<32x128xf32, #tpu.memory_space<vmem>>, vector<1x16xf32>,
    %get3A_1458 = vector.shape_cast %get3A_1457 : vector<1x16xf32> to vector<16xf32>
    %add3A_1459 = arith.addf %add3A_1453, %get3A_1458 : vector<16xf32>
    %swap3A_1460 = arith.constant 3 : i32
    %swap3A_1461 = arith.index_cast %swap3A_1460 : i32 to index
    %swap3A_1462 = arith.constant 32 : index
    %swap3A_1463 = tpu.vector_load %arg12[%swap3A_1461, %swap3A_1462] {strides = array<i32>} : memref<4x128xf32, #tpu.memory_space<vmem>>, vector<1x16xf32>,
    %swap3A_1464 = vector.shape_cast %swap3A_1463 : vector<1x16xf32> to vector<16xf32>
    %swap3A_1465 = vector.shape_cast %add3A_1459 : vector<16xf32> to vector<1x16xf32>
    tpu.vector_store %arg12[%swap3A_1461, %swap3A_1462], %swap3A_1465 {strides = array<i32>} : memref<4x128xf32, #tpu.memory_space<vmem>>, vector<1x16xf32>,
    %get3A_1466 = arith.constant 24 : i32
    %get3A_1467 = arith.index_cast %get3A_1466 : i32 to index
    %get3A_1468 = arith.constant 48 : index
    %get3A_1469 = tpu.vector_load %arg11[%get3A_1467, %get3A_1468] {strides = array<i32>} : memref<32x128xf32, #tpu.memory_space<vmem>>, vector<1x16xf32>,
    %get3A_1470 = vector.shape_cast %get3A_1469 : vector<1x16xf32> to vector<16xf32>
    %get3A_1471 = arith.constant 25 : i32
    %get3A_1472 = arith.index_cast %get3A_1471 : i32 to index
    %get3A_1473 = arith.constant 48 : index
    %get3A_1474 = tpu.vector_load %arg11[%get3A_1472, %get3A_1473] {strides = array<i32>} : memref<32x128xf32, #tpu.memory_space<vmem>>, vector<1x16xf32>,
    %get3A_1475 = vector.shape_cast %get3A_1474 : vector<1x16xf32> to vector<16xf32>
    %add3A_1476 = arith.addf %get3A_1470, %get3A_1475 : vector<16xf32>
    %get3A_1477 = arith.constant 26 : i32
    %get3A_1478 = arith.index_cast %get3A_1477 : i32 to index
    %get3A_1479 = arith.constant 48 : index
    %get3A_1480 = tpu.vector_load %arg11[%get3A_1478, %get3A_1479] {strides = array<i32>} : memref<32x128xf32, #tpu.memory_space<vmem>>, vector<1x16xf32>,
    %get3A_1481 = vector.shape_cast %get3A_1480 : vector<1x16xf32> to vector<16xf32>
    %add3A_1482 = arith.addf %add3A_1476, %get3A_1481 : vector<16xf32>
    %get3A_1483 = arith.constant 27 : i32
    %get3A_1484 = arith.index_cast %get3A_1483 : i32 to index
    %get3A_1485 = arith.constant 48 : index
    %get3A_1486 = tpu.vector_load %arg11[%get3A_1484, %get3A_1485] {strides = array<i32>} : memref<32x128xf32, #tpu.memory_space<vmem>>, vector<1x16xf32>,
    %get3A_1487 = vector.shape_cast %get3A_1486 : vector<1x16xf32> to vector<16xf32>
    %add3A_1488 = arith.addf %add3A_1482, %get3A_1487 : vector<16xf32>
    %get3A_1489 = arith.constant 28 : i32
    %get3A_1490 = arith.index_cast %get3A_1489 : i32 to index
    %get3A_1491 = arith.constant 48 : index
    %get3A_1492 = tpu.vector_load %arg11[%get3A_1490, %get3A_1491] {strides = array<i32>} : memref<32x128xf32, #tpu.memory_space<vmem>>, vector<1x16xf32>,
    %get3A_1493 = vector.shape_cast %get3A_1492 : vector<1x16xf32> to vector<16xf32>
    %add3A_1494 = arith.addf %add3A_1488, %get3A_1493 : vector<16xf32>
    %get3A_1495 = arith.constant 29 : i32
    %get3A_1496 = arith.index_cast %get3A_1495 : i32 to index
    %get3A_1497 = arith.constant 48 : index
    %get3A_1498 = tpu.vector_load %arg11[%get3A_1496, %get3A_1497] {strides = array<i32>} : memref<32x128xf32, #tpu.memory_space<vmem>>, vector<1x16xf32>,
    %get3A_1499 = vector.shape_cast %get3A_1498 : vector<1x16xf32> to vector<16xf32>
    %add3A_1500 = arith.addf %add3A_1494, %get3A_1499 : vector<16xf32>
    %get3A_1501 = arith.constant 30 : i32
    %get3A_1502 = arith.index_cast %get3A_1501 : i32 to index
    %get3A_1503 = arith.constant 48 : index
    %get3A_1504 = tpu.vector_load %arg11[%get3A_1502, %get3A_1503] {strides = array<i32>} : memref<32x128xf32, #tpu.memory_space<vmem>>, vector<1x16xf32>,
    %get3A_1505 = vector.shape_cast %get3A_1504 : vector<1x16xf32> to vector<16xf32>
    %add3A_1506 = arith.addf %add3A_1500, %get3A_1505 : vector<16xf32>
    %get3A_1507 = arith.constant 31 : i32
    %get3A_1508 = arith.index_cast %get3A_1507 : i32 to index
    %get3A_1509 = arith.constant 48 : index
    %get3A_1510 = tpu.vector_load %arg11[%get3A_1508, %get3A_1509] {strides = array<i32>} : memref<32x128xf32, #tpu.memory_space<vmem>>, vector<1x16xf32>,
    %get3A_1511 = vector.shape_cast %get3A_1510 : vector<1x16xf32> to vector<16xf32>
    %add3A_1512 = arith.addf %add3A_1506, %get3A_1511 : vector<16xf32>
    %swap3A_1513 = arith.constant 3 : i32
    %swap3A_1514 = arith.index_cast %swap3A_1513 : i32 to index
    %swap3A_1515 = arith.constant 48 : index
    %swap3A_1516 = tpu.vector_load %arg12[%swap3A_1514, %swap3A_1515] {strides = array<i32>} : memref<4x128xf32, #tpu.memory_space<vmem>>, vector<1x16xf32>,
    %swap3A_1517 = vector.shape_cast %swap3A_1516 : vector<1x16xf32> to vector<16xf32>
    %swap3A_1518 = vector.shape_cast %add3A_1512 : vector<16xf32> to vector<1x16xf32>
    tpu.vector_store %arg12[%swap3A_1514, %swap3A_1515], %swap3A_1518 {strides = array<i32>} : memref<4x128xf32, #tpu.memory_space<vmem>>, vector<1x16xf32>,
    %get3A_1519 = arith.constant 24 : i32
    %get3A_1520 = arith.index_cast %get3A_1519 : i32 to index
    %get3A_1521 = arith.constant 64 : index
    %get3A_1522 = tpu.vector_load %arg11[%get3A_1520, %get3A_1521] {strides = array<i32>} : memref<32x128xf32, #tpu.memory_space<vmem>>, vector<1x16xf32>,
    %get3A_1523 = vector.shape_cast %get3A_1522 : vector<1x16xf32> to vector<16xf32>
    %get3A_1524 = arith.constant 25 : i32
    %get3A_1525 = arith.index_cast %get3A_1524 : i32 to index
    %get3A_1526 = arith.constant 64 : index
    %get3A_1527 = tpu.vector_load %arg11[%get3A_1525, %get3A_1526] {strides = array<i32>} : memref<32x128xf32, #tpu.memory_space<vmem>>, vector<1x16xf32>,
    %get3A_1528 = vector.shape_cast %get3A_1527 : vector<1x16xf32> to vector<16xf32>
    %add3A_1529 = arith.addf %get3A_1523, %get3A_1528 : vector<16xf32>
    %get3A_1530 = arith.constant 26 : i32
    %get3A_1531 = arith.index_cast %get3A_1530 : i32 to index
    %get3A_1532 = arith.constant 64 : index
    %get3A_1533 = tpu.vector_load %arg11[%get3A_1531, %get3A_1532] {strides = array<i32>} : memref<32x128xf32, #tpu.memory_space<vmem>>, vector<1x16xf32>,
    %get3A_1534 = vector.shape_cast %get3A_1533 : vector<1x16xf32> to vector<16xf32>
    %add3A_1535 = arith.addf %add3A_1529, %get3A_1534 : vector<16xf32>
    %get3A_1536 = arith.constant 27 : i32
    %get3A_1537 = arith.index_cast %get3A_1536 : i32 to index
    %get3A_1538 = arith.constant 64 : index
    %get3A_1539 = tpu.vector_load %arg11[%get3A_1537, %get3A_1538] {strides = array<i32>} : memref<32x128xf32, #tpu.memory_space<vmem>>, vector<1x16xf32>,
    %get3A_1540 = vector.shape_cast %get3A_1539 : vector<1x16xf32> to vector<16xf32>
    %add3A_1541 = arith.addf %add3A_1535, %get3A_1540 : vector<16xf32>
    %get3A_1542 = arith.constant 28 : i32
    %get3A_1543 = arith.index_cast %get3A_1542 : i32 to index
    %get3A_1544 = arith.constant 64 : index
    %get3A_1545 = tpu.vector_load %arg11[%get3A_1543, %get3A_1544] {strides = array<i32>} : memref<32x128xf32, #tpu.memory_space<vmem>>, vector<1x16xf32>,
    %get3A_1546 = vector.shape_cast %get3A_1545 : vector<1x16xf32> to vector<16xf32>
    %add3A_1547 = arith.addf %add3A_1541, %get3A_1546 : vector<16xf32>
    %get3A_1548 = arith.constant 29 : i32
    %get3A_1549 = arith.index_cast %get3A_1548 : i32 to index
    %get3A_1550 = arith.constant 64 : index
    %get3A_1551 = tpu.vector_load %arg11[%get3A_1549, %get3A_1550] {strides = array<i32>} : memref<32x128xf32, #tpu.memory_space<vmem>>, vector<1x16xf32>,
    %get3A_1552 = vector.shape_cast %get3A_1551 : vector<1x16xf32> to vector<16xf32>
    %add3A_1553 = arith.addf %add3A_1547, %get3A_1552 : vector<16xf32>
    %get3A_1554 = arith.constant 30 : i32
    %get3A_1555 = arith.index_cast %get3A_1554 : i32 to index
    %get3A_1556 = arith.constant 64 : index
    %get3A_1557 = tpu.vector_load %arg11[%get3A_1555, %get3A_1556] {strides = array<i32>} : memref<32x128xf32, #tpu.memory_space<vmem>>, vector<1x16xf32>,
    %get3A_1558 = vector.shape_cast %get3A_1557 : vector<1x16xf32> to vector<16xf32>
    %add3A_1559 = arith.addf %add3A_1553, %get3A_1558 : vector<16xf32>
    %get3A_1560 = arith.constant 31 : i32
    %get3A_1561 = arith.index_cast %get3A_1560 : i32 to index
    %get3A_1562 = arith.constant 64 : index
    %get3A_1563 = tpu.vector_load %arg11[%get3A_1561, %get3A_1562] {strides = array<i32>} : memref<32x128xf32, #tpu.memory_space<vmem>>, vector<1x16xf32>,
    %get3A_1564 = vector.shape_cast %get3A_1563 : vector<1x16xf32> to vector<16xf32>
    %add3A_1565 = arith.addf %add3A_1559, %get3A_1564 : vector<16xf32>
    %swap3A_1566 = arith.constant 3 : i32
    %swap3A_1567 = arith.index_cast %swap3A_1566 : i32 to index
    %swap3A_1568 = arith.constant 64 : index
    %swap3A_1569 = tpu.vector_load %arg12[%swap3A_1567, %swap3A_1568] {strides = array<i32>} : memref<4x128xf32, #tpu.memory_space<vmem>>, vector<1x16xf32>,
    %swap3A_1570 = vector.shape_cast %swap3A_1569 : vector<1x16xf32> to vector<16xf32>
    %swap3A_1571 = vector.shape_cast %add3A_1565 : vector<16xf32> to vector<1x16xf32>
    tpu.vector_store %arg12[%swap3A_1567, %swap3A_1568], %swap3A_1571 {strides = array<i32>} : memref<4x128xf32, #tpu.memory_space<vmem>>, vector<1x16xf32>,
    %get3A_1572 = arith.constant 24 : i32
    %get3A_1573 = arith.index_cast %get3A_1572 : i32 to index
    %get3A_1574 = arith.constant 80 : index
    %get3A_1575 = tpu.vector_load %arg11[%get3A_1573, %get3A_1574] {strides = array<i32>} : memref<32x128xf32, #tpu.memory_space<vmem>>, vector<1x16xf32>,
    %get3A_1576 = vector.shape_cast %get3A_1575 : vector<1x16xf32> to vector<16xf32>
    %get3A_1577 = arith.constant 25 : i32
    %get3A_1578 = arith.index_cast %get3A_1577 : i32 to index
    %get3A_1579 = arith.constant 80 : index
    %get3A_1580 = tpu.vector_load %arg11[%get3A_1578, %get3A_1579] {strides = array<i32>} : memref<32x128xf32, #tpu.memory_space<vmem>>, vector<1x16xf32>,
    %get3A_1581 = vector.shape_cast %get3A_1580 : vector<1x16xf32> to vector<16xf32>
    %add3A_1582 = arith.addf %get3A_1576, %get3A_1581 : vector<16xf32>
    %get3A_1583 = arith.constant 26 : i32
    %get3A_1584 = arith.index_cast %get3A_1583 : i32 to index
    %get3A_1585 = arith.constant 80 : index
    %get3A_1586 = tpu.vector_load %arg11[%get3A_1584, %get3A_1585] {strides = array<i32>} : memref<32x128xf32, #tpu.memory_space<vmem>>, vector<1x16xf32>,
    %get3A_1587 = vector.shape_cast %get3A_1586 : vector<1x16xf32> to vector<16xf32>
    %add3A_1588 = arith.addf %add3A_1582, %get3A_1587 : vector<16xf32>
    %get3A_1589 = arith.constant 27 : i32
    %get3A_1590 = arith.index_cast %get3A_1589 : i32 to index
    %get3A_1591 = arith.constant 80 : index
    %get3A_1592 = tpu.vector_load %arg11[%get3A_1590, %get3A_1591] {strides = array<i32>} : memref<32x128xf32, #tpu.memory_space<vmem>>, vector<1x16xf32>,
    %get3A_1593 = vector.shape_cast %get3A_1592 : vector<1x16xf32> to vector<16xf32>
    %add3A_1594 = arith.addf %add3A_1588, %get3A_1593 : vector<16xf32>
    %get3A_1595 = arith.constant 28 : i32
    %get3A_1596 = arith.index_cast %get3A_1595 : i32 to index
    %get3A_1597 = arith.constant 80 : index
    %get3A_1598 = tpu.vector_load %arg11[%get3A_1596, %get3A_1597] {strides = array<i32>} : memref<32x128xf32, #tpu.memory_space<vmem>>, vector<1x16xf32>,
    %get3A_1599 = vector.shape_cast %get3A_1598 : vector<1x16xf32> to vector<16xf32>
    %add3A_1600 = arith.addf %add3A_1594, %get3A_1599 : vector<16xf32>
    %get3A_1601 = arith.constant 29 : i32
    %get3A_1602 = arith.index_cast %get3A_1601 : i32 to index
    %get3A_1603 = arith.constant 80 : index
    %get3A_1604 = tpu.vector_load %arg11[%get3A_1602, %get3A_1603] {strides = array<i32>} : memref<32x128xf32, #tpu.memory_space<vmem>>, vector<1x16xf32>,
    %get3A_1605 = vector.shape_cast %get3A_1604 : vector<1x16xf32> to vector<16xf32>
    %add3A_1606 = arith.addf %add3A_1600, %get3A_1605 : vector<16xf32>
    %get3A_1607 = arith.constant 30 : i32
    %get3A_1608 = arith.index_cast %get3A_1607 : i32 to index
    %get3A_1609 = arith.constant 80 : index
    %get3A_1610 = tpu.vector_load %arg11[%get3A_1608, %get3A_1609] {strides = array<i32>} : memref<32x128xf32, #tpu.memory_space<vmem>>, vector<1x16xf32>,
    %get3A_1611 = vector.shape_cast %get3A_1610 : vector<1x16xf32> to vector<16xf32>
    %add3A_1612 = arith.addf %add3A_1606, %get3A_1611 : vector<16xf32>
    %get3A_1613 = arith.constant 31 : i32
    %get3A_1614 = arith.index_cast %get3A_1613 : i32 to index
    %get3A_1615 = arith.constant 80 : index
    %get3A_1616 = tpu.vector_load %arg11[%get3A_1614, %get3A_1615] {strides = array<i32>} : memref<32x128xf32, #tpu.memory_space<vmem>>, vector<1x16xf32>,
    %get3A_1617 = vector.shape_cast %get3A_1616 : vector<1x16xf32> to vector<16xf32>
    %add3A_1618 = arith.addf %add3A_1612, %get3A_1617 : vector<16xf32>
    %swap3A_1619 = arith.constant 3 : i32
    %swap3A_1620 = arith.index_cast %swap3A_1619 : i32 to index
    %swap3A_1621 = arith.constant 80 : index
    %swap3A_1622 = tpu.vector_load %arg12[%swap3A_1620, %swap3A_1621] {strides = array<i32>} : memref<4x128xf32, #tpu.memory_space<vmem>>, vector<1x16xf32>,
    %swap3A_1623 = vector.shape_cast %swap3A_1622 : vector<1x16xf32> to vector<16xf32>
    %swap3A_1624 = vector.shape_cast %add3A_1618 : vector<16xf32> to vector<1x16xf32>
    tpu.vector_store %arg12[%swap3A_1620, %swap3A_1621], %swap3A_1624 {strides = array<i32>} : memref<4x128xf32, #tpu.memory_space<vmem>>, vector<1x16xf32>,
    %get3A_1625 = arith.constant 24 : i32
    %get3A_1626 = arith.index_cast %get3A_1625 : i32 to index
    %get3A_1627 = arith.constant 96 : index
    %get3A_1628 = tpu.vector_load %arg11[%get3A_1626, %get3A_1627] {strides = array<i32>} : memref<32x128xf32, #tpu.memory_space<vmem>>, vector<1x16xf32>,
    %get3A_1629 = vector.shape_cast %get3A_1628 : vector<1x16xf32> to vector<16xf32>
    %get3A_1630 = arith.constant 25 : i32
    %get3A_1631 = arith.index_cast %get3A_1630 : i32 to index
    %get3A_1632 = arith.constant 96 : index
    %get3A_1633 = tpu.vector_load %arg11[%get3A_1631, %get3A_1632] {strides = array<i32>} : memref<32x128xf32, #tpu.memory_space<vmem>>, vector<1x16xf32>,
    %get3A_1634 = vector.shape_cast %get3A_1633 : vector<1x16xf32> to vector<16xf32>
    %add3A_1635 = arith.addf %get3A_1629, %get3A_1634 : vector<16xf32>
    %get3A_1636 = arith.constant 26 : i32
    %get3A_1637 = arith.index_cast %get3A_1636 : i32 to index
    %get3A_1638 = arith.constant 96 : index
    %get3A_1639 = tpu.vector_load %arg11[%get3A_1637, %get3A_1638] {strides = array<i32>} : memref<32x128xf32, #tpu.memory_space<vmem>>, vector<1x16xf32>,
    %get3A_1640 = vector.shape_cast %get3A_1639 : vector<1x16xf32> to vector<16xf32>
    %add3A_1641 = arith.addf %add3A_1635, %get3A_1640 : vector<16xf32>
    %get3A_1642 = arith.constant 27 : i32
    %get3A_1643 = arith.index_cast %get3A_1642 : i32 to index
    %get3A_1644 = arith.constant 96 : index
    %get3A_1645 = tpu.vector_load %arg11[%get3A_1643, %get3A_1644] {strides = array<i32>} : memref<32x128xf32, #tpu.memory_space<vmem>>, vector<1x16xf32>,
    %get3A_1646 = vector.shape_cast %get3A_1645 : vector<1x16xf32> to vector<16xf32>
    %add3A_1647 = arith.addf %add3A_1641, %get3A_1646 : vector<16xf32>
    %get3A_1648 = arith.constant 28 : i32
    %get3A_1649 = arith.index_cast %get3A_1648 : i32 to index
    %get3A_1650 = arith.constant 96 : index
    %get3A_1651 = tpu.vector_load %arg11[%get3A_1649, %get3A_1650] {strides = array<i32>} : memref<32x128xf32, #tpu.memory_space<vmem>>, vector<1x16xf32>,
    %get3A_1652 = vector.shape_cast %get3A_1651 : vector<1x16xf32> to vector<16xf32>
    %add3A_1653 = arith.addf %add3A_1647, %get3A_1652 : vector<16xf32>
    %get3A_1654 = arith.constant 29 : i32
    %get3A_1655 = arith.index_cast %get3A_1654 : i32 to index
    %get3A_1656 = arith.constant 96 : index
    %get3A_1657 = tpu.vector_load %arg11[%get3A_1655, %get3A_1656] {strides = array<i32>} : memref<32x128xf32, #tpu.memory_space<vmem>>, vector<1x16xf32>,
    %get3A_1658 = vector.shape_cast %get3A_1657 : vector<1x16xf32> to vector<16xf32>
    %add3A_1659 = arith.addf %add3A_1653, %get3A_1658 : vector<16xf32>
    %get3A_1660 = arith.constant 30 : i32
    %get3A_1661 = arith.index_cast %get3A_1660 : i32 to index
    %get3A_1662 = arith.constant 96 : index
    %get3A_1663 = tpu.vector_load %arg11[%get3A_1661, %get3A_1662] {strides = array<i32>} : memref<32x128xf32, #tpu.memory_space<vmem>>, vector<1x16xf32>,
    %get3A_1664 = vector.shape_cast %get3A_1663 : vector<1x16xf32> to vector<16xf32>
    %add3A_1665 = arith.addf %add3A_1659, %get3A_1664 : vector<16xf32>
    %get3A_1666 = arith.constant 31 : i32
    %get3A_1667 = arith.index_cast %get3A_1666 : i32 to index
    %get3A_1668 = arith.constant 96 : index
    %get3A_1669 = tpu.vector_load %arg11[%get3A_1667, %get3A_1668] {strides = array<i32>} : memref<32x128xf32, #tpu.memory_space<vmem>>, vector<1x16xf32>,
    %get3A_1670 = vector.shape_cast %get3A_1669 : vector<1x16xf32> to vector<16xf32>
    %add3A_1671 = arith.addf %add3A_1665, %get3A_1670 : vector<16xf32>
    %swap3A_1672 = arith.constant 3 : i32
    %swap3A_1673 = arith.index_cast %swap3A_1672 : i32 to index
    %swap3A_1674 = arith.constant 96 : index
    %swap3A_1675 = tpu.vector_load %arg12[%swap3A_1673, %swap3A_1674] {strides = array<i32>} : memref<4x128xf32, #tpu.memory_space<vmem>>, vector<1x16xf32>,
    %swap3A_1676 = vector.shape_cast %swap3A_1675 : vector<1x16xf32> to vector<16xf32>
    %swap3A_1677 = vector.shape_cast %add3A_1671 : vector<16xf32> to vector<1x16xf32>
    tpu.vector_store %arg12[%swap3A_1673, %swap3A_1674], %swap3A_1677 {strides = array<i32>} : memref<4x128xf32, #tpu.memory_space<vmem>>, vector<1x16xf32>,
    %get3A_1678 = arith.constant 24 : i32
    %get3A_1679 = arith.index_cast %get3A_1678 : i32 to index
    %get3A_1680 = arith.constant 112 : index
    %get3A_1681 = tpu.vector_load %arg11[%get3A_1679, %get3A_1680] {strides = array<i32>} : memref<32x128xf32, #tpu.memory_space<vmem>>, vector<1x16xf32>,
    %get3A_1682 = vector.shape_cast %get3A_1681 : vector<1x16xf32> to vector<16xf32>
    %get3A_1683 = arith.constant 25 : i32
    %get3A_1684 = arith.index_cast %get3A_1683 : i32 to index
    %get3A_1685 = arith.constant 112 : index
    %get3A_1686 = tpu.vector_load %arg11[%get3A_1684, %get3A_1685] {strides = array<i32>} : memref<32x128xf32, #tpu.memory_space<vmem>>, vector<1x16xf32>,
    %get3A_1687 = vector.shape_cast %get3A_1686 : vector<1x16xf32> to vector<16xf32>
    %add3A_1688 = arith.addf %get3A_1682, %get3A_1687 : vector<16xf32>
    %get3A_1689 = arith.constant 26 : i32
    %get3A_1690 = arith.index_cast %get3A_1689 : i32 to index
    %get3A_1691 = arith.constant 112 : index
    %get3A_1692 = tpu.vector_load %arg11[%get3A_1690, %get3A_1691] {strides = array<i32>} : memref<32x128xf32, #tpu.memory_space<vmem>>, vector<1x16xf32>,
    %get3A_1693 = vector.shape_cast %get3A_1692 : vector<1x16xf32> to vector<16xf32>
    %add3A_1694 = arith.addf %add3A_1688, %get3A_1693 : vector<16xf32>
    %get3A_1695 = arith.constant 27 : i32
    %get3A_1696 = arith.index_cast %get3A_1695 : i32 to index
    %get3A_1697 = arith.constant 112 : index
    %get3A_1698 = tpu.vector_load %arg11[%get3A_1696, %get3A_1697] {strides = array<i32>} : memref<32x128xf32, #tpu.memory_space<vmem>>, vector<1x16xf32>,
    %get3A_1699 = vector.shape_cast %get3A_1698 : vector<1x16xf32> to vector<16xf32>
    %add3A_1700 = arith.addf %add3A_1694, %get3A_1699 : vector<16xf32>
    %get3A_1701 = arith.constant 28 : i32
    %get3A_1702 = arith.index_cast %get3A_1701 : i32 to index
    %get3A_1703 = arith.constant 112 : index
    %get3A_1704 = tpu.vector_load %arg11[%get3A_1702, %get3A_1703] {strides = array<i32>} : memref<32x128xf32, #tpu.memory_space<vmem>>, vector<1x16xf32>,
    %get3A_1705 = vector.shape_cast %get3A_1704 : vector<1x16xf32> to vector<16xf32>
    %add3A_1706 = arith.addf %add3A_1700, %get3A_1705 : vector<16xf32>
    %get3A_1707 = arith.constant 29 : i32
    %get3A_1708 = arith.index_cast %get3A_1707 : i32 to index
    %get3A_1709 = arith.constant 112 : index
    %get3A_1710 = tpu.vector_load %arg11[%get3A_1708, %get3A_1709] {strides = array<i32>} : memref<32x128xf32, #tpu.memory_space<vmem>>, vector<1x16xf32>,
    %get3A_1711 = vector.shape_cast %get3A_1710 : vector<1x16xf32> to vector<16xf32>
    %add3A_1712 = arith.addf %add3A_1706, %get3A_1711 : vector<16xf32>
    %get3A_1713 = arith.constant 30 : i32
    %get3A_1714 = arith.index_cast %get3A_1713 : i32 to index
    %get3A_1715 = arith.constant 112 : index
    %get3A_1716 = tpu.vector_load %arg11[%get3A_1714, %get3A_1715] {strides = array<i32>} : memref<32x128xf32, #tpu.memory_space<vmem>>, vector<1x16xf32>,
    %get3A_1717 = vector.shape_cast %get3A_1716 : vector<1x16xf32> to vector<16xf32>
    %add3A_1718 = arith.addf %add3A_1712, %get3A_1717 : vector<16xf32>
    %get3A_1719 = arith.constant 31 : i32
    %get3A_1720 = arith.index_cast %get3A_1719 : i32 to index
    %get3A_1721 = arith.constant 112 : index
    %get3A_1722 = tpu.vector_load %arg11[%get3A_1720, %get3A_1721] {strides = array<i32>} : memref<32x128xf32, #tpu.memory_space<vmem>>, vector<1x16xf32>,
    %get3A_1723 = vector.shape_cast %get3A_1722 : vector<1x16xf32> to vector<16xf32>
    %add3A_1724 = arith.addf %add3A_1718, %get3A_1723 : vector<16xf32>
    %swap3A_1725 = arith.constant 3 : i32
    %swap3A_1726 = arith.index_cast %swap3A_1725 : i32 to index
    %swap3A_1727 = arith.constant 112 : index
    %swap3A_1728 = tpu.vector_load %arg12[%swap3A_1726, %swap3A_1727] {strides = array<i32>} : memref<4x128xf32, #tpu.memory_space<vmem>>, vector<1x16xf32>,
    %swap3A_1729 = vector.shape_cast %swap3A_1728 : vector<1x16xf32> to vector<16xf32>
    %swap3A_1730 = vector.shape_cast %add3A_1724 : vector<16xf32> to vector<1x16xf32>
    tpu.vector_store %arg12[%swap3A_1726, %swap3A_1727], %swap3A_1730 {strides = array<i32>} : memref<4x128xf32, #tpu.memory_space<vmem>>, vector<1x16xf32>,
    %mul3A_1731 = arith.constant 4 : i32
    %mul3A_1732 = arith.muli %arg1, %mul3A_1731 : i32
    "tpu.region"() ({
      %run_scoped3A = tpu.sem_alloc : memref<!tpu.dma_semaphore, #tpu.memory_space<semaphore_mem>>
      %dma_start3A_1733 = arith.constant 0 : i32
      %dma_start3A_1734 = tpu.memref_slice %arg4[%arg0, %mul3A_1732, %dma_start3A_1733] : memref<2x64x128xf32, #tpu.memory_space<hbm>> -> memref<1x4x128xf32, #tpu.memory_space<hbm>>
      %dma_start3A_1735 = tpu.memref_squeeze %dma_start3A_1734 : memref<1x4x128xf32, #tpu.memory_space<hbm>> -> memref<4x128xf32, #tpu.memory_space<hbm>>
      %dma_start3A_1736 = arith.constant 0 : i32
      %dma_start3A_1737 = tpu.memref_slice %arg4[%arg0, %mul3A_1732, %dma_start3A_1736] : memref<2x64x128xf32, #tpu.memory_space<hbm>> -> memref<1x4x128xf32, #tpu.memory_space<hbm>>
      %dma_start3A_1738 = tpu.memref_squeeze %dma_start3A_1737 : memref<1x4x128xf32, #tpu.memory_space<hbm>> -> memref<4x128xf32, #tpu.memory_space<hbm>>
      tpu.enqueue_dma source(%arg12 : memref<4x128xf32, #tpu.memory_space<vmem>>) target(%dma_start3A_1738 : memref<4x128xf32, #tpu.memory_space<hbm>>) target_semaphore(%run_scoped3A : memref<!tpu.dma_semaphore, #tpu.memory_space<semaphore_mem>>)
      %dma_wait3A = arith.constant 0 : i32
      %dma_wait3A_1739 = tpu.memref_slice %arg4[%arg0, %mul3A_1732, %dma_wait3A] : memref<2x64x128xf32, #tpu.memory_space<hbm>> -> memref<1x4x128xf32, #tpu.memory_space<hbm>>
      %dma_wait3A_1740 = tpu.memref_squeeze %dma_wait3A_1739 : memref<1x4x128xf32, #tpu.memory_space<hbm>> -> memref<4x128xf32, #tpu.memory_space<hbm>>
      %dma_wait3A_1741 = arith.constant 0 : i32
      %dma_wait3A_1742 = tpu.memref_slice %arg4[%arg0, %mul3A_1732, %dma_wait3A_1741] : memref<2x64x128xf32, #tpu.memory_space<hbm>> -> memref<1x4x128xf32, #tpu.memory_space<hbm>>
      %dma_wait3A_1743 = tpu.memref_squeeze %dma_wait3A_1742 : memref<1x4x128xf32, #tpu.memory_space<hbm>> -> memref<4x128xf32, #tpu.memory_space<hbm>>
      tpu.wait_dma2 semaphore(%run_scoped3A : memref<!tpu.dma_semaphore, #tpu.memory_space<semaphore_mem>>) src(%arg12 : memref<4x128xf32, #tpu.memory_space<vmem>>) dst(%dma_wait3A_1743 : memref<4x128xf32, #tpu.memory_space<hbm>>)
      tpu.yield
    }) : () -> ()
    return
  }
}

module attributes {stable_mosaic.version = 14 : i64} {
  func.func @_tc_body(%arg0: i32, %arg1: memref<3072x128xf32, #tpu.memory_space<vmem>>, %arg2: memref<3072xi32, #tpu.memory_space<vmem>>, %arg3: memref<64x128xf32, #tpu.memory_space<vmem>>) attributes {dimension_semantics = [#tpu.dimension_semantics<arbitrary>], iteration_bounds = array<i64: 15>, scalar_prefetch = 0 : i64, scratch_operands = 0 : i64, tpu.core_type = #tpu.core_type<tc>, window_params = [{transform_indices = @transform_0, window_bounds = array<i64: 3072, 128>}, {transform_indices = @transform_1, window_bounds = array<i64: 3072>}, {pipeline_mode = #tpu.pipeline_mode<synchronous>, transform_indices = @transform_2, window_bounds = array<i64: 64, 128>}]} {
    %eq3A = arith.constant 0 : i32
    %eq3A_0 = arith.cmpi eq, %arg0, %eq3A : i32
    %convert_element_type3A = arith.extui %eq3A_0 : i1 to i32
    %cond3A = arith.constant 0 : i32
    %cond3A_1 = arith.cmpi ne, %convert_element_type3A, %cond3A : i32
    scf.if %cond3A_1 {
      %broadcast_in_dim3A_16 = arith.constant 0.000000e+00 : f32
      %broadcast_in_dim3A_17 = vector.broadcast %broadcast_in_dim3A_16 : f32 to vector<64x128xf32>
      %swap3A_18 = arith.constant 0 : index
      %swap3A_19 = arith.constant 0 : index
      %swap3A_20 = vector.load %arg3[%swap3A_18, %swap3A_19] : memref<64x128xf32, #tpu.memory_space<vmem>>, vector<64x128xf32>
      tpu.vector_store %arg3[%swap3A_18, %swap3A_19], %broadcast_in_dim3A_17 {strides = array<i32>} : memref<64x128xf32, #tpu.memory_space<vmem>>, vector<64x128xf32>,
    } else {
    }
    %get3A = arith.constant 0 : index
    %get3A_2 = vector.load %arg2[%get3A] : memref<3072xi32, #tpu.memory_space<vmem>>, vector<3072xi32>
    %broadcast_in_dim3A = vector.shape_cast %get3A_2 : vector<3072xi32> to vector<1x3072xi32>
    %iota3A = tpu.iota {dimensions = array<i32: 0>} : vector<64x3072xi32>
    %eq3A_3 = vector.broadcast %broadcast_in_dim3A : vector<1x3072xi32> to vector<64x3072xi32>
    %eq3A_4 = arith.cmpi eq, %eq3A_3, %iota3A : vector<64x3072xi32>
    %convert_element_type3A_5 = arith.extui %eq3A_4 : vector<64x3072xi1> to vector<64x3072xi32>
    %convert_element_type3A_6 = arith.sitofp %convert_element_type3A_5 : vector<64x3072xi32> to vector<64x3072xf32>
    %get3A_7 = arith.constant 0 : index
    %get3A_8 = arith.constant 0 : index
    %get3A_9 = vector.load %arg3[%get3A_7, %get3A_8] : memref<64x128xf32, #tpu.memory_space<vmem>>, vector<64x128xf32>
    %get3A_10 = arith.constant 0 : index
    %get3A_11 = arith.constant 0 : index
    %get3A_12 = vector.load %arg1[%get3A_10, %get3A_11] : memref<3072x128xf32, #tpu.memory_space<vmem>>, vector<3072x128xf32>
    %dot_general3A = arith.constant dense<0.000000e+00> : vector<64x128xf32>
    %dot_general3A_13 = tpu.matmul %convert_element_type3A_6, %get3A_12, %dot_general3A {dimension_numbers = #tpu.dot_dimension_numbers<[1], [0], [0], [1], [0, 0, 1, 1], [], []>, transpose_lhs_hint = false} : vector<64x3072xf32>, vector<3072x128xf32>, vector<64x128xf32> -> vector<64x128xf32>
    %add3A = arith.addf %get3A_9, %dot_general3A_13 : vector<64x128xf32>
    %swap3A = arith.constant 0 : index
    %swap3A_14 = arith.constant 0 : index
    %swap3A_15 = vector.load %arg3[%swap3A, %swap3A_14] : memref<64x128xf32, #tpu.memory_space<vmem>>, vector<64x128xf32>
    tpu.vector_store %arg3[%swap3A, %swap3A_14], %add3A {strides = array<i32>} : memref<64x128xf32, #tpu.memory_space<vmem>>, vector<64x128xf32>,
    return
  }
  func.func @transform_0(%arg0: i32) -> (i32, i32) {
    %c0_i32 = arith.constant 0 : i32
    %c0_i32_0 = arith.constant 0 : i32
    return %arg0, %c0_i32 : i32, i32
  }
  func.func @transform_1(%arg0: i32) -> i32 {
    %c0_i32 = arith.constant 0 : i32
    return %arg0 : i32
  }
  func.func @transform_2(%arg0: i32) -> (i32, i32) {
    %c0_i32 = arith.constant 0 : i32
    %c0_i32_0 = arith.constant 0 : i32
    %c0_i32_1 = arith.constant 0 : i32
    return %c0_i32, %c0_i32_0 : i32, i32
  }
}

module attributes {stable_mosaic.version = 14 : i64} {
  func.func @_readout_body(%arg0: memref<2x64x128xf32, #tpu.memory_space<vmem>>, %arg1: memref<64x128xf32, #tpu.memory_space<vmem>>, %arg2: memref<128xf32, #tpu.memory_space<vmem>>, %arg3: memref<64xf32, #tpu.memory_space<vmem>>) attributes {dimension_semantics = [], scalar_prefetch = 0 : i64, scratch_operands = 0 : i64, tpu.core_type = #tpu.core_type<tc>} {
    %get3A = arith.constant 0 : index
    %get3A_0 = vector.load %arg2[%get3A] : memref<128xf32, #tpu.memory_space<vmem>>, vector<128xf32>
    %reshape3A = vector.shape_cast %get3A_0 : vector<128xf32> to vector<1x128xf32>
    %get3A_1 = arith.constant 0 : index
    %get3A_2 = arith.constant 0 : index
    %get3A_3 = arith.constant 0 : index
    %get3A_4 = vector.load %arg0[%get3A_1, %get3A_2, %get3A_3] : memref<2x64x128xf32, #tpu.memory_space<vmem>>, vector<1x64x128xf32>
    %get3A_5 = vector.shape_cast %get3A_4 : vector<1x64x128xf32> to vector<64x128xf32>
    %get3A_6 = arith.constant 1 : index
    %get3A_7 = arith.constant 0 : index
    %get3A_8 = arith.constant 0 : index
    %get3A_9 = vector.load %arg0[%get3A_6, %get3A_7, %get3A_8] : memref<2x64x128xf32, #tpu.memory_space<vmem>>, vector<1x64x128xf32>
    %get3A_10 = vector.shape_cast %get3A_9 : vector<1x64x128xf32> to vector<64x128xf32>
    %add3A = arith.addf %get3A_5, %get3A_10 : vector<64x128xf32>
    %get3A_11 = arith.constant 0 : index
    %get3A_12 = arith.constant 0 : index
    %get3A_13 = vector.load %arg1[%get3A_11, %get3A_12] : memref<64x128xf32, #tpu.memory_space<vmem>>, vector<64x128xf32>
    %add3A_14 = arith.addf %add3A, %get3A_13 : vector<64x128xf32>
    %mul3A = vector.broadcast %reshape3A : vector<1x128xf32> to vector<64x128xf32>
    %mul3A_15 = arith.mulf %add3A_14, %mul3A : vector<64x128xf32>
    %reduce_sum3A = arith.constant dense<0.000000e+00> : vector<64xf32>
    %reduce_sum3A_16 = vector.multi_reduction <add>, %mul3A_15, %reduce_sum3A [1] : vector<64x128xf32> to vector<64xf32>
    %swap3A = arith.constant 0 : index
    %swap3A_17 = vector.load %arg3[%swap3A] : memref<64xf32, #tpu.memory_space<vmem>>, vector<64xf32>
    tpu.vector_store %arg3[%swap3A], %reduce_sum3A_16 {strides = array<i32>} : memref<64xf32, #tpu.memory_space<vmem>>, vector<64xf32>,
    return
  }
}

</mosaic_0001>

<sc_bundles>
// kernel: kernel.5.cloned.1.call-start
scs
__scs_entry_jumppad:
0x0: {  	(pc) =	sbr.rel $0x88, $3  }
0x1: {  	(tag) =	ssettag $0x0;
	lr =	simm.s32 $0x1  }
0x2: {  	[smem:$0x3F9E] =	sst lr;
	_ =	strace $0xD0000000  }
0x3: {  	_ = 	snop  }
0x4: {  	_ = 	snop  }
0x5: {  	_ = 	snop  }
0x6: {  	_ = 	snop  }
0x7: {  	_ = 	snop  }
__scs_overlays_trampoline_lowered:
0x8: {  	[smem:$0x3FAD] =	sst s0  }
0x9: {  	[smem:$0x3FAE] =	sst s1  }
0xa: {  	[smem:$0x3FAF] =	sst s2  }
0xb: {  	[smem:$0x3FB0] =	sst s3  }
0xc: {  	[smem:$0x3FB1] =	sst s4  }
0xd: {  	[smem:$0x3FB2] =	sst s5  }
0xe: {  	[smem:$0x3FB3] =	sst s6  }
0xf: {  	[smem:$0x3FB4] =	sst s7  }
0x10: {  	[smem:$0x3FB5] =	sst s8  }
0x11: {  	[smem:$0x3FB6] =	sst s9;
	s0 =	simm.s32 @!p0 $0x0  }
0x12: {  	s1 =	sld [smem:$0x3F9C];
	s0 =	simm.s32 @p0 $0x1  }
0x13: {  	[smem:$0x3FB7] =	sst s0;
	s0 =	simm.s32 @!p1 $0x0  }
0x14: {  	s2 =	sld [smem:$0x3F9B];
	s0 =	simm.s32 @p1 $0x1  }
0x15: {  	[smem:$0x3FB8] =	sst s0;
	s0 =	simm.s32 @!p2 $0x0  }
0x16: {  	s3 =	sld [smem:$0x3FDB];
	s0 =	simm.s32 @p2 $0x1  }
0x17: {  	s4 =	simm.s32 $0x1BF5;
	[smem:$0x3FBA] =	sst s0  }
0x18: {  	s0 =	sld [smem:$0x3F9D];
	_ =	swait.ge [sflag:s4], $0x0  }
0x19: {  	s7 =	sld [smem:$0x3F9E]  }
0x1a: {  	s8 =	sadd.s32 $0xFFFFE003, lr  }
0x1b: {  	s9 =	sadd.s32 $0xFFFFFEF7, lr;
	s5 =	simm.s32 $0xFFFFFFFF;
	p2 =	slt.u32 s8, $0xFFFFF086  }
0x1c: {  	p1 =	slt.u32 s9, $0xF7A;
	s5 =	simm.s32 @!p2 $0x0  }
0x1d: {  	s5 =	simm.s32 @p1 $0x1;
	p0 =	seq.s32 s7, s2  }
0x1e: {  	s7 =	smul.u32 @!p0 $0xF7A, s2;
	p2 =	seq.s32 @!p0 s5, $0x0  }
0x1f: {  	s9 =	smul.u32 $0xF7A, s1;
	s8 =	simm.s32 @!p0 $0x1BF5;
	p2 =	por !p2, p0  }
0x20: {  	[sflag:s8] =	ssyncset.s32 @!p0 $0xFFFFF086;
	s6 =	sadd.s32 @!p0 s3, s7;
	s7 =	simm.s32 @!p0 $0x108  }
0x21: {  	s3 =	sadd.s32 s3, s9;
	s6 =	sadd.s32 @!p0 $0x88, s6;
	s7 =	simm.s32 @p2 $0x1082  }
0x22: {  	[simem:s7], [sflag:s8] =	dma.local @!p0 [hbm:s6], $0xF7A  }
0x23: {  	s9 =	sor.u32 $0xD0000000, s2;
	s6 =	simm.s32 $0x108;
	_ =	swait.ge @!p0 [sflag:s8], $0x0  }
0x24: {  	s3 =	sadd.s32 $0x88, s3;
	s6 =	simm.s32 @!p1 $0x1082;
	[sflag:s4] =	ssyncset.s32 $0xFFFFF086  }
0x25: {  	[simem:s6], [sflag:s4] =	dma.local [hbm:s3], $0xF7A  }
0x26: {  	[smem:$0x3F9E] =	sst s1;
	(tag) =	ssettag s2;
	_ =	strace s9  }
0x27: {  	s1 =	sld [smem:$0x3FAE]  }
0x28: {  	s2 =	sld [smem:$0x3FAF]  }
0x29: {  	s4 =	sld [smem:$0x3FB1]  }
0x2a: {  	p0 =	seq.s32 s5, $0x0;
	s5 =	sld [smem:$0x3FB2]  }
0x2b: {  	s6 =	sld [smem:$0x3FB3]  }
0x2c: {  	s7 =	sld [smem:$0x3FB4]  }
0x2d: {  	s3 =	simm.s32 $0x108;
	s8 =	sld [smem:$0x3FB5]  }
0x2e: {  	s3 =	simm.s32 @!p0 $0x1082;
	s9 =	sld [smem:$0x3FB6]  }
0x2f: {  	lr =	sadd.s32 s0, s3;
	s0 =	sld [smem:$0x3FAD]  }
0x30: {  	s3 =	sld [smem:$0x3FB0]  }
0x31: {  	[smem:$0x3FB9] =	sst s10  }
0x32: {  	s10 =	sld [smem:$0x3FB7];
	_ =	sdelay $0x3  }
0x33: {  	p0 =	seq.s32 s10, $0x1;
	s10 =	sld [smem:$0x3FB9];
	_ =	sdelay $0x3  }
0x34: {  	[smem:$0x3FB9] =	sst s10  }
0x35: {  	s10 =	sld [smem:$0x3FB8];
	_ =	sdelay $0x3  }
0x36: {  	p1 =	seq.s32 s10, $0x1;
	s10 =	sld [smem:$0x3FB9];
	_ =	sdelay $0x3  }
0x37: {  	[smem:$0x3FB9] =	sst s10  }
0x38: {  	s10 =	sld [smem:$0x3FBA]  }
0x39: {  	_ = 	snop;
	(pc) =	sbr.ind lr, $3  }
0x3a: {  	_ = 	snop  }
0x3b: {  	_ = 	snop  }
0x3c: {  	p2 =	seq.s32 s10, $0x1;
	s10 =	sld [smem:$0x3FB9]  }
0x3d: {  	_ =	shalt  }
0x3e: {  	_ =	shalt  }
0x3f: {  	_ =	shalt  }
0x40: {  	_ =	shalt  }
0x41: {  	_ =	shalt  }
0x42: {  	_ =	shalt  }
0x43: {  	_ =	shalt  }
0x44: {  	_ =	shalt  }
0x45: {  	_ =	shalt  }
0x46: {  	_ =	shalt  }
0x47: {  	_ =	shalt  }
0x48: {  	_ =	shalt  }
0x49: {  	_ =	shalt  }
0x4a: {  	_ =	shalt  }
0x4b: {  	_ =	shalt  }
0x4c: {  	_ =	shalt  }
0x4d: {  	_ =	shalt  }
0x4e: {  	_ =	shalt  }
0x4f: {  	_ =	shalt  }
0x50: {  	_ =	shalt  }
0x51: {  	_ =	shalt  }
0x52: {  	_ =	shalt  }
0x53: {  	_ =	shalt  }
0x54: {  	_ =	shalt  }
0x55: {  	_ =	shalt  }
0x56: {  	_ =	shalt  }
0x57: {  	_ =	shalt  }
0x58: {  	_ =	shalt  }
0x59: {  	_ =	shalt  }
0x5a: {  	_ =	shalt  }
0x5b: {  	_ =	shalt  }
0x5c: {  	_ =	shalt  }
0x5d: {  	_ =	shalt  }
0x5e: {  	_ =	shalt  }
0x5f: {  	_ =	shalt  }
0x60: {  	_ =	shalt  }
0x61: {  	_ =	shalt  }
0x62: {  	_ =	shalt  }
0x63: {  	_ =	shalt  }
0x64: {  	_ =	shalt  }
0x65: {  	_ =	shalt  }
0x66: {  	_ =	shalt  }
0x67: {  	_ =	shalt  }
0x68: {  	_ =	shalt  }
0x69: {  	_ =	shalt  }
0x6a: {  	_ =	shalt  }
0x6b: {  	_ =	shalt  }
0x6c: {  	_ =	shalt  }
0x6d: {  	_ =	shalt  }
0x6e: {  	_ =	shalt  }
0x6f: {  	_ =	shalt  }
0x70: {  	_ =	shalt  }
0x71: {  	_ =	shalt  }
0x72: {  	_ =	shalt  }
0x73: {  	_ =	shalt  }
0x74: {  	_ =	shalt  }
0x75: {  	_ =	shalt  }
0x76: {  	_ =	shalt  }
0x77: {  	_ =	shalt  }
0x78: {  	_ =	shalt  }
0x79: {  	_ =	shalt  }
0x7a: {  	_ =	shalt  }
0x7b: {  	_ =	shalt  }
0x7c: {  	_ =	shalt  }
0x7d: {  	_ =	shalt  }
0x7e: {  	_ =	shalt  }
0x7f: {  	_ =	shalt  }
0x80: {  	_ =	shalt  }
0x81: {  	_ =	shalt  }
0x82: {  	_ =	shalt  }
0x83: {  	_ =	shalt  }
0x84: {  	_ =	shalt  }
0x85: {  	_ =	shalt  }
0x86: {  	_ =	shalt  }
0x87: {  	_ =	shalt  }
.Lfunc_end0:
.L_simem_size_0:
called_computation_lowered:
.L_overlay_start_0:
0x88: {  	s2 =	sld [smem:$0x3FD9]  }
0x89: {  	s3 =	sld [smem:$0x3FFE];
	_ =	sdelay $0x1  }
0x8a: {  	s1 =	srdreg.scid  }
0x8b: {  	s0 =	sand.u32 $0x1, s1  }
0x8c: {  	s17 =	sshll.u32 s0, $0xA;
	s2 =	sadd.s32 s3, s2  }
0x8d: {  	s2 =	sadd.s32 s2, s17  }
0x8e: {  	[smem:$0x3FC5] =	sst s2  }
0x8f: {  	_ = 	snop  }
0x90: {  	s2 =	sld [smem:$0x3FC9];
	(tm) =	ssettm $0x1  }
0x91: {  	s18 =	sld [smem:$0x3FFB];
	_ =	sdelay $0x3  }
0x92: {  	_ =	strace s18  }
0x93: {  	s3 =	sld [smem:$0x3FFC];
	_ =	sdelay $0x3  }
0x94: {  	_ =	strace s3  }
0x95: {  	s3 =	sld [smem:$0x3FFD];
	_ =	sdelay $0x3  }
0x96: {  	_ =	strace s3  }
0x97: {  	_ =	strace $0x8FFFFFFF  }
0x98: {  	s19 =	sld [smem:$0x3FDB];
	_ =	sdelay $0x1  }
0x99: {  	s4 =	simm.s32 $_scs_section_size  }
0x9a: {  	s5 =	simm.s32 $_size__tile_overlayer_lowered;
	s6 =	simm.s32 $_tile_overlayer_lowered  }
0x9b: {  	s22 =	simm.s32 $0x1BFF;
	s21 =	sshll.u32 s6, $0x1;
	s3 =	sadd.s32 s4, s19  }
0x9c: {  	s7 =	simm.s32 $0x0;
	s20 =	sshll.u32 s5, $0x1;
	s5 =	sadd.s32 s21, s3  }
0x9d: {  	[timem:s7], [sflag:s22] =	dma.local [hbm:s5], s20  }
0x9e: {  	_ =	swait.ge [sflag:s22], s20  }
0x9f: {  	s4 =	ssub.s32 $0x0, s20;
	[sflag:s22] =	ssyncset.done $0x0  }
0xa0: {  	[sflag:s22] =	ssyncadd.s32 s4;
	_ =	sdelay $0x1  }
0xa1: {  	s23 =	simm.s32 $0x1B8B  }
0xa2: {  	_ =	swait.ge [sflag:s23], $0x1  }
0xa3: {  	[sflag:s23] =	ssyncset.done $0x0  }
0xa4: {  	s25 =	simm.s32 $0x1B8E;
	s24 =	sld [smem:$0x3FFE];
	[sflag:s23] =	ssyncadd.s32 $0xFFFFFFFF  }
0xa5: {  	s26 =	simm.s32 $execute0_lowered;
	[smem:$0x3FD2] =	sst s25  }
0xa6: {  	s5 =	sshll.u32 s26, $0x1;
	_ =	strace $0x80000046;
	[dreg:$0x1] =	wrdreg $0xFFFFFFFF  }
0xa7: {  	s28 =	simm.s32 $_size_execute0_lowered;
	s3 =	sadd.s32 s3, s5;
	[dreg:$0x0] =	wrdreg $0x0  }
0xa8: {  	s5 =	sshll.u32 s28, $0x1;
	[dreg:$0x2] =	wrdreg s3  }
0xa9: {  	[dreg:$0x3] =	wrdreg s5  }
0xaa: {  	[dreg:$0x4] =	wrdreg $0xC0  }
0xab: {  	_ =	task [dreg:s7], $0x5FFFF  }
0xac: {  	[dreg:$0x1] =	wrdreg $0xFFFFFFFF  }
0xad: {  	[dreg:$0x0] =	wrdreg $0x60  }
0xae: {  	[dreg:$0x2] =	wrdreg s2  }
0xaf: {  	[dreg:$0x3] =	wrdreg s24  }
0xb0: {  	[dreg:$0x4] =	wrdreg $0x64000  }
0xb1: {  	[dreg:$0x5] =	wrdreg $0x9  }
0xb2: {  	_ =	task.clear_ibuf [dreg:s7], $0x6FFFF;
	_ =	strace $0x90000046  }
0xb3: {  	s29 =	simm.s32 $0x9;
	_ =	strace $0x80000048  }
0xb4: {  	_ =	swait.ge [sflag:s29], $0x1  }
0xb5: {  	[sflag:s29] =	ssyncadd.s32 $0xFFFFFFFF  }
0xb6: {  	_ =	strace $0x90000048  }
0xb7: {  	_ =	sfence  }
0xb8: {  	s30 =	sld [smem:$0x0];
	_ =	sdelay $0x2  }
0xb9: {  	s31 =	sshll.u32 s1, $0xD;
	s1 =	sshrl.u32 s1, $0x2  }
0xba: {  	s3 =	sand.u32 $0x4000, s31;
	s1 =	sadd.s32 s1, s30  }
0xbb: {  	s0 =	sor.u32 s3, s0;
	s1 =	sshll.u32 s1, $0x11  }
0xbc: {  	s0 =	sor.u32 s1, s0  }
0xbd: {  	s0 =	sadd.s32 $0x8F2B, s0  }
0xbe: {  	[sflag:s0] =	ssyncadd.remote.s32 $0x1  }
0xbf: {  	_ =	sfence.sel $0xFFFF  }
0xc0: {  	[dreg:$0x0] =	wrdreg $0xFFFFFFFF;
	(pc) =	sbr.abs _section_cstart, $3  }
0xc1: {  	[dreg:$0x1] =	wrdreg $0xFFFFFFFF  }
0xc2: {  	_ =	task.clear_ibuf [dreg:s7], $0x2FFFF;
	_ =	strace $0x9FFFFFFF  }
0xc3: {  	(tm) =	ssettm $0x7FFFFFFF  }
tec
execute0_lowered:
.L_overlay_start_1:
0x0: {  	(tag) =	ssettag $0x1  }
0x1: {  	s13 =	rddreg [dreg:$0x0]  }
0x2: {  	s4 =	rddreg [dreg:$0x1]  }
0x3: {  	s1 =	rddreg [dreg:$0x2];
	s2 =	srdreg.scid;
	s3 =	simm.s32 $0x0  }
0x4: {  	s0 =	stileid.u32;
	s16 =	simm.s32 $0x5;
	s19 =	simm.s32 $0x0  }
0x5: {  	s8 =	sand.u32 $0x1, s2;
	[smem:$0x7FF] =	sst s3;
	s7 =	sshll.u32 s0, $0x6  }
0x6: {  	s26 =	sshll.u32 s0, $0xC;
	s12 =	smul.u32 $0x2800, s0;
	s5 =	sshll.u32 s8, $0x4  }
0x7: {  	_ =	strace $0x80000047;
	s9 =	sadd.s32 s7, s4;
	s24 =	ssub.s32 $0x2, s8  }
0x8: {  	s29 =	smul.u32 $0x28000, s8;
	s15 =	sshll.u32 s8, $0xA;
	s5 =	sor.u32 s0, s5  }
0x9: {  	s25 =	sshrl.u32 s24, $0x1;
	s9 =	sadd.s32 s15, s9;
	s6 =	sshll.u32 s5, $0x4  }
0xa: {  	s10 =	smul.u32 $0x2800, s5;
	s11 =	ssub.s32 s24, s25;
	p0 =	slt.u32 s5, $0x2  }
0xb: {  	s5 =	simm.s32 $0x16;
	s9 =	sadd.s32 $0x3400, s9;
	s14 =	sadd.s32 s6, s4  }
0xc: {  	s4 =	sadd.s32 s26, s1;
	s5 =	simm.s32 @!p0 $0x15;
	s28 =	sshrl.u32 s10, $0x3  }
0xd: {  	s7 =	sadd.s32 $0x800, s14;
	s8 =	sadd.s32 $0xFFFFFFFF, s5;
	s10 =	sadd.s32 s12, s29  }
0xe: {  	s6 =	sadd.s32 s13, s28;
	s12 =	sadd.s32 $0x640000, s10;
	s30 =	sadd.s32 $0x5F0000, s10  }
0xf: {  	s10 =	smax.u32 s11, $0x1;
	s6 =	sadd.s32 $0xB4000, s6;
	s31 =	sshrl.u32 s12, $0x3  }
0x10: {  	s15 =	sshrl.u32 s30, $0x3;
	s12 =	sadd.s32 $0xC00, s14;
	s14 =	sadd.s32 $0xA00, s14  }
0x11: {  	v0 =	vimm.f32 $0.0e+00;
	s11 =	sadd.s32 s31, s13;
	s13 =	sadd.s32 s15, s13;
	s15 =	simm.s32 $0x5200  }
.LBB2_1:
0x12: {  	s20 =	simm.s32 $0x0;
	s21 =	simm.s32 $0x200  }
.LBB2_2:
0x13: {  	p0 =	sne.s32 s21, $0x3E00;
	[tilespmem:s20+$0x5270] =	vst v0  }
0x14: {  	[tilespmem:s20+$0x5200] =	vst v0  }
0x15: {  	[tilespmem:s20+$0x5210] =	vst v0  }
.Ltmp0:
0x16: {  	[tilespmem:s20+$0x5220] =	vst v0;
	(pc) =	sbr.rel @p0 .LBB2_2-.Ltmp0, $4  }
0x17: {  	[tilespmem:s20+$0x5230] =	vst v0  }
0x18: {  	[tilespmem:s20+$0x5240] =	vst v0  }
0x19: {  	[tilespmem:s20+$0x5250] =	vst v0  }
0x1a: {  	[tilespmem:s20+$0x5260] =	vst v0;
	s20 =	sshra.s32 s21, $0x2;
	s21 =	sadd.s32 $0x200, s21  }
0x1b: {  	[tilespmem:s20+$0x5270] =	vst v0  }
0x1c: {  	[tilespmem:s20+$0x5200] =	vst v0  }
0x1d: {  	[tilespmem:s20+$0x5210] =	vst v0  }
0x1e: {  	[tilespmem:s20+$0x5220] =	vst v0  }
0x1f: {  	[tilespmem:s20+$0x5230] =	vst v0  }
0x20: {  	[tilespmem:s20+$0x5240] =	vst v0  }
0x21: {  	[tilespmem:s20+$0x5250] =	vst v0  }
0x22: {  	[tilespmem:s20+$0x5260] =	vst v0  }
0x23: {  	[spmem:s4] =	stream.linear.scatter [tilespmem:s15], [sflag:$0x5], $0x1000, $0x38;
	[tilespmem:$0x7400] =	vst v63  }
0x24: {  	_ =	swait.ge [sflag:s16], $0x1000  }
0x25: {  	[sflag:s16] =	ssyncset.done $0x0  }
0x26: {  	p1 =	sle.u32 s5, $0x0;
	[sflag:s16] =	ssyncadd.s32 $0xFFFFF000  }
0x27: {  	p0 =	sle.u32 @!p1 s5, $0x1;
	[bflag:$0x0] =	sbarrier.arrive $0xFFFF  }
0x28: {  	[tilespmem:s3], [sflag:$0x1] =	stream.linear.gather [hbm4b:s6+s3], $0x2800, $0x38;
	[tilespmem:$0x7400] =	vst v63  }
0x29: {  	s0 =	simm.s32 $0x5000;
	p0 =	por p0, p1  }
0x2a: {  	[tilespmem:s0], [sflag:$0x2] =	stream.linear.gather [hbm4b:s7+s3], $0x80, $0x38;
	[tilespmem:$0x7400] =	vst v63  }
0x2b: {  	s20 =	simm.s32 @!p0 $0x0;
	s21 =	simm.s32 @!p0 $0x2800  }
0x2c: {  	[tilespmem:s21], [sflag:$0x3] =	stream.linear.gather @!p0 [hbm4b:s13+s20], $0x2800, $0x38;
	[tilespmem:$0x7400] =	vst v63  }
0x2d: {  	s24 =	simm.s32 $0x4;
	s22 =	simm.s32 $0x0;
	s21 =	simm.s32 @!p0 $0x5080  }
0x2e: {  	[tilespmem:s21], [sflag:$0x4] =	stream.linear.gather @!p0 [hbm4b:s14+s20], $0x80, $0x38;
	[tilespmem:$0x7400] =	vst v63  }
0x2f: {  	s26 =	sadd.s32 $0x400, s14;
	s28 =	sadd.s32 $0x400, s12;
	p0 =	por p1, p1  }
0x30: {  	s29 =	sadd.s32 $0x14000, s13;
	s30 =	smov.u32 s11;
	s31 =	simm.s32 @!p0 $0x1  }
0x31: {  	s23 =	smov.u32 s11;
	s25 =	simm.s32 @!p1 $0x2;
	_ =	swait.ge @!p0 [sflag:s31], $0x2800  }
0x32: {  	v1 =	vlaneseq.u32 @!p1;
	s20 =	simm.s32 $0x2;
	s21 =	smov.u32 s12;
	[sflag:s31] =	ssyncset.done @!p0 $0x0  }
.LBB2_4:
0x33: {  	[sflag:s31] =	ssyncadd.s32 @!p0 $0xFFFFD800  }
0x34: {  	s30 =	sadd.s32 $0x14000, s30;
	s31 =	smov.u32 s24;
	s24 =	sadd.s32 $0x2, s24  }
0x35: {  	p1 =	sne.s32 s24, $0x18;
	_ =	swait.ge @!p0 [sflag:s25], $0x80  }
0x36: {  	s0 =	sadd.s32 $0xFFFFFFFE, s31;
	[sflag:s25] =	ssyncset.done @!p0 $0x0  }
0x37: {  	p4 =	sge.u32 s0, s5;
	[sflag:s25] =	ssyncadd.s32 @!p0 $0xFFFFFF80  }
0x38: {  	s2 =	sadd.s32 @!p4 $0xFFFFFFFF, s31;
	s25 =	simm.s32 @!p4 $0x2;
	v2 =	vlaneseq.u32 @!p4;
	v3 =	vld @!p0 [tilespmem:$0x5020]  }
0x39: {  	v4 =	vld @!p0 [tilespmem:$0x5040]  }
0x3a: {  	p2 =	sge.u32 @!p4 s2, s5;
	v5 =	vld @!p0 [tilespmem:$0x5000]  }
0x3b: {  	p2 =	por p2, p4;
	v6 =	vld @!p0 [tilespmem:$0x5010]  }
0x3c: {  	v7 =	vld @!p0 [tilespmem:$0x5030]  }
0x3d: {  	v8 =	vand.u32 @!p0 $0x7, v1;
	v1 =	vmov v2;
	v3 =	vshll.u32 @!p0 v3, $0x3  }
0x3e: {  	v2 =	vor.u32 @!p0 v8, v3;
	v3 =	vshll.u32 @!p0 v4, $0x3  }
0x3f: {  	v4 =	vshll.u32 @!p0 v5, $0x3;
	[tilespmem:$0x5120] =	vst @!p0 v2;
	v2 =	vor.u32 @!p0 v8, v3  }
0x40: {  	v3 =	vor.u32 @!p0 v8, v4;
	v4 =	vshll.u32 @!p0 v6, $0x3;
	[tilespmem:$0x5140] =	vst @!p0 v2  }
0x41: {  	[tilespmem:$0x5100] =	vst @!p0 v3;
	v2 =	vor.u32 @!p0 v8, v4;
	v3 =	vshll.u32 @!p0 v7, $0x3  }
0x42: {  	p3 =	sge.u32 s22, s8;
	s22 =	smov.u32 s0;
	s2 =	simm.s32 @!p0 $0x6;
	[tilespmem:$0x5110] =	vst @!p0 v2;
	v2 =	vor.u32 @!p0 v8, v3  }
0x43: {  	s17 =	simm.s32 @!p0 $0x5100;
	s18 =	simm.s32 @!p0 $0x0;
	s0 =	simm.s32 @!p0 $0x50;
	[tilespmem:$0x5130] =	vst @!p0 v2;
	v2 =	vlaneseq.u32 @!p3  }
0x44: {  	[spmem:s1] =	stream.indirect.scatter.add.f32 @!p0 [tilespmem:s18], [sflag:$0x6], $0x80, s17, s0, $0xb8;
	[tilespmem:$0x7400] =	vst v63  }
0x45: {  	p5 =	sge.u32 @!p3 s20, s5;
	s20 =	smov.u32 s31;
	_ =	swait.ge @!p0 [sflag:s2], $0x2800  }
0x46: {  	p5 =	por p5, p3;
	[sflag:s2] =	ssyncset.done @!p0 $0x0  }
0x47: {  	s0 =	simm.s32 @!p5 $0x0;
	[sflag:s2] =	ssyncadd.s32 @!p0 $0xFFFFD800;
	p0 =	por p4, p4  }
0x48: {  	[tilespmem:s0], [sflag:$0x1] =	stream.linear.gather @!p5 [hbm4b:s23+s0], $0x2800, $0x38;
	[tilespmem:$0x7400] =	vst v63  }
0x49: {  	s17 =	simm.s32 @!p3 $0x3;
	s2 =	simm.s32 @!p5 $0x5000;
	s23 =	smov.u32 s30  }
0x4a: {  	[tilespmem:s2], [sflag:$0x2] =	stream.linear.gather @!p5 [hbm4b:s21+s0], $0x80, $0x38;
	[tilespmem:$0x7400] =	vst v63  }
0x4b: {  	s21 =	smov.u32 s28;
	_ =	swait.ge @!p3 [sflag:s17], $0x2800  }
0x4c: {  	[sflag:s17] =	ssyncset.done @!p3 $0x0  }
0x4d: {  	s0 =	simm.s32 @!p3 $0x4;
	[sflag:s17] =	ssyncadd.s32 @!p3 $0xFFFFD800  }
0x4e: {  	_ =	swait.ge @!p3 [sflag:s0], $0x80  }
0x4f: {  	[sflag:s0] =	ssyncset.done @!p3 $0x0  }
0x50: {  	[sflag:s0] =	ssyncadd.s32 @!p3 $0xFFFFFF80  }
0x51: {  	v3 =	vld @!p3 [tilespmem:$0x5080]  }
0x52: {  	v4 =	vld @!p3 [tilespmem:$0x5090]  }
0x53: {  	v5 =	vld @!p3 [tilespmem:$0x50A0]  }
0x54: {  	v6 =	vld @!p3 [tilespmem:$0x50B0]  }
0x55: {  	v7 =	vld @!p3 [tilespmem:$0x50C0]  }
0x56: {  	v2 =	vand.u32 @!p3 $0x7, v2;
	v3 =	vshll.u32 @!p3 v3, $0x3  }
0x57: {  	v3 =	vor.u32 @!p3 v2, v3;
	v4 =	vshll.u32 @!p3 v4, $0x3  }
0x58: {  	[tilespmem:$0x5180] =	vst @!p3 v3;
	v3 =	vor.u32 @!p3 v2, v4;
	v4 =	vshll.u32 @!p3 v5, $0x3  }
0x59: {  	[tilespmem:$0x5190] =	vst @!p3 v3;
	v3 =	vor.u32 @!p3 v2, v4;
	v4 =	vshll.u32 @!p3 v6, $0x3  }
0x5a: {  	[tilespmem:$0x51A0] =	vst @!p3 v3;
	v3 =	vor.u32 @!p3 v2, v4;
	v4 =	vshll.u32 @!p3 v7, $0x3  }
0x5b: {  	s0 =	simm.s32 @!p3 $0x5;
	[tilespmem:$0x51B0] =	vst @!p3 v3;
	v2 =	vor.u32 @!p3 v2, v4  }
0x5c: {  	s18 =	simm.s32 @!p3 $0x2800;
	s2 =	simm.s32 @!p3 $0x50;
	s17 =	simm.s32 @!p3 $0x5180;
	[tilespmem:$0x51C0] =	vst @!p3 v2  }
0x5d: {  	[spmem:s1] =	stream.indirect.scatter.add.f32 @!p3 [tilespmem:s18], [sflag:$0x5], $0x80, s17, s2, $0xb8;
	[tilespmem:$0x7400] =	vst v63  }
0x5e: {  	_ =	swait.ge @!p3 [sflag:s0], $0x2800  }
0x5f: {  	[sflag:s0] =	ssyncset.done @!p3 $0x0  }
0x60: {  	s2 =	simm.s32 @!p2 $0x0;
	s17 =	simm.s32 @!p2 $0x2800;
	[sflag:s0] =	ssyncadd.s32 @!p3 $0xFFFFD800  }
0x61: {  	[tilespmem:s17], [sflag:$0x3] =	stream.linear.gather @!p2 [hbm4b:s29+s2], $0x2800, $0x38;
	[tilespmem:$0x7400] =	vst v63  }
.Ltmp1:
0x62: {  	_ = 	snop;
	(pc) =	sbr.rel @p1 .LBB2_4-.Ltmp1, $4  }
0x63: {  	s31 =	simm.s32 @!p0 $0x1;
	s0 =	simm.s32 @!p2 $0x5080  }
0x64: {  	[tilespmem:s0], [sflag:$0x4] =	stream.linear.gather @!p2 [hbm4b:s26+s2], $0x80, $0x38;
	[tilespmem:$0x7400] =	vst v63  }
0x65: {  	s26 =	sadd.s32 $0x400, s26;
	_ =	swait.ge @!p0 [sflag:s31], $0x2800  }
0x66: {  	s28 =	sadd.s32 $0x400, s28;
	s29 =	sadd.s32 $0x14000, s29;
	[sflag:s31] =	ssyncset.done @!p0 $0x0  }
0x67: {  	[sflag:s31] =	ssyncadd.s32 @!p0 $0xFFFFD800  }
0x68: {  	_ =	swait.ge @!p0 [sflag:s25], $0x80  }
0x69: {  	[sflag:s25] =	ssyncset.done @!p0 $0x0  }
0x6a: {  	[sflag:s25] =	ssyncadd.s32 @!p0 $0xFFFFFF80  }
0x6b: {  	v2 =	vld @!p0 [tilespmem:$0x5020]  }
0x6c: {  	v3 =	vld @!p0 [tilespmem:$0x5040]  }
0x6d: {  	v4 =	vld @!p0 [tilespmem:$0x5000]  }
0x6e: {  	v5 =	vld @!p0 [tilespmem:$0x5010]  }
0x6f: {  	v6 =	vld @!p0 [tilespmem:$0x5030]  }
0x70: {  	v1 =	vand.u32 @!p0 $0x7, v1;
	v2 =	vshll.u32 @!p0 v2, $0x3  }
0x71: {  	v3 =	vshll.u32 @!p0 v3, $0x3;
	v2 =	vor.u32 @!p0 v1, v2  }
0x72: {  	v4 =	vshll.u32 @!p0 v4, $0x3;
	[tilespmem:$0x5120] =	vst @!p0 v2;
	v2 =	vor.u32 @!p0 v1, v3  }
0x73: {  	v3 =	vor.u32 @!p0 v1, v4;
	v4 =	vshll.u32 @!p0 v5, $0x3;
	[tilespmem:$0x5140] =	vst @!p0 v2  }
0x74: {  	[tilespmem:$0x5100] =	vst @!p0 v3;
	v2 =	vor.u32 @!p0 v1, v4;
	v3 =	vshll.u32 @!p0 v6, $0x3  }
0x75: {  	s0 =	simm.s32 @!p0 $0x6;
	p1 =	sge.u32 s22, s8;
	[tilespmem:$0x5110] =	vst @!p0 v2;
	v1 =	vor.u32 @!p0 v1, v3  }
0x76: {  	s2 =	simm.s32 @!p0 $0x50;
	s17 =	simm.s32 @!p0 $0x5100;
	s18 =	simm.s32 @!p0 $0x0;
	[tilespmem:$0x5130] =	vst @!p0 v1  }
0x77: {  	[spmem:s1] =	stream.indirect.scatter.add.f32 @!p0 [tilespmem:s18], [sflag:$0x6], $0x80, s17, s2, $0xb8;
	[tilespmem:$0x7400] =	vst v63  }
0x78: {  	p2 =	sge.u32 @!p1 s20, s5;
	_ =	swait.ge @!p0 [sflag:s0], $0x2800  }
0x79: {  	p2 =	por p2, p1;
	[sflag:s0] =	ssyncset.done @!p0 $0x0  }
0x7a: {  	[sflag:s0] =	ssyncadd.s32 @!p0 $0xFFFFD800;
	s0 =	simm.s32 @!p2 $0x0  }
0x7b: {  	[tilespmem:s0], [sflag:$0x1] =	stream.linear.gather @!p2 [hbm4b:s23+s0], $0x2800, $0x38;
	[tilespmem:$0x7400] =	vst v63  }
0x7c: {  	s2 =	simm.s32 @!p2 $0x5000;
	s17 =	simm.s32 @!p1 $0x3  }
0x7d: {  	[tilespmem:s2], [sflag:$0x2] =	stream.linear.gather @!p2 [hbm4b:s21+s0], $0x80, $0x38;
	[tilespmem:$0x7400] =	vst v63  }
0x7e: {  	_ =	swait.ge @!p1 [sflag:s17], $0x2800  }
0x7f: {  	[sflag:s17] =	ssyncset.done @!p1 $0x0  }
0x80: {  	s0 =	simm.s32 @!p1 $0x4;
	[sflag:s17] =	ssyncadd.s32 @!p1 $0xFFFFD800  }
0x81: {  	_ =	swait.ge @!p1 [sflag:s0], $0x80  }
0x82: {  	[sflag:s0] =	ssyncset.done @!p1 $0x0  }
0x83: {  	[sflag:s0] =	ssyncadd.s32 @!p1 $0xFFFFFF80  }
0x84: {  	v1 =	vld @!p1 [tilespmem:$0x5080]  }
0x85: {  	v2 =	vld @!p1 [tilespmem:$0x5090]  }
0x86: {  	v3 =	vld @!p1 [tilespmem:$0x50A0]  }
0x87: {  	v4 =	vld @!p1 [tilespmem:$0x50B0]  }
0x88: {  	v5 =	vlaneseq.u32 @!p1;
	v6 =	vld @!p1 [tilespmem:$0x50C0]  }
0x89: {  	v5 =	vand.u32 @!p1 $0x7, v5;
	v1 =	vshll.u32 @!p1 v1, $0x3  }
0x8a: {  	v2 =	vshll.u32 @!p1 v2, $0x3;
	v1 =	vor.u32 @!p1 v5, v1  }
0x8b: {  	[tilespmem:$0x5180] =	vst @!p1 v1;
	v1 =	vor.u32 @!p1 v5, v2;
	v2 =	vshll.u32 @!p1 v3, $0x3  }
0x8c: {  	[tilespmem:$0x5190] =	vst @!p1 v1;
	v1 =	vor.u32 @!p1 v5, v2;
	v2 =	vshll.u32 @!p1 v4, $0x3  }
0x8d: {  	[tilespmem:$0x51A0] =	vst @!p1 v1;
	v1 =	vor.u32 @!p1 v5, v2;
	v2 =	vshll.u32 @!p1 v6, $0x3  }
0x8e: {  	s18 =	simm.s32 @!p1 $0x2800;
	[tilespmem:$0x51B0] =	vst @!p1 v1;
	v1 =	vor.u32 @!p1 v5, v2  }
0x8f: {  	s2 =	simm.s32 @!p1 $0x50;
	s17 =	simm.s32 @!p1 $0x5180;
	s0 =	simm.s32 @!p1 $0x5;
	[tilespmem:$0x51C0] =	vst @!p1 v1  }
0x90: {  	[spmem:s1] =	stream.indirect.scatter.add.f32 @!p1 [tilespmem:s18], [sflag:$0x5], $0x80, s17, s2, $0xb8;
	[tilespmem:$0x7400] =	vst v63  }
0x91: {  	_ =	swait.ge @!p1 [sflag:s0], $0x2800  }
0x92: {  	[sflag:s0] =	ssyncset.done @!p1 $0x0  }
0x93: {  	[sflag:s0] =	ssyncadd.s32 @!p1 $0xFFFFD800  }
0x94: {  	[bflag:$0x0] =	sbarrier.arrive $0xFFFF  }
0x95: {  	[tilespmem:s15], [sflag:$0x5] =	stream.linear.gather [spmem:s4], $0x1000, $0x38;
	[tilespmem:$0x7400] =	vst v63  }
0x96: {  	_ =	swait.ge [sflag:s16], $0x1000  }
0x97: {  	[sflag:s16] =	ssyncset.done $0x0  }
0x98: {  	[sflag:s16] =	ssyncadd.s32 $0xFFFFF000  }
0x99: {  	v19 =	vld [tilespmem:$0x5200]  }
0x9a: {  	v17 =	vld [tilespmem:$0x5280]  }
0x9b: {  	v30 =	vld [tilespmem:$0x5300]  }
0x9c: {  	v31 =	vld [tilespmem:$0x5380]  }
0x9d: {  	v46 =	vld [tilespmem:$0x5400]  }
0x9e: {  	v59 =	vld [tilespmem:$0x5480]  }
0x9f: {  	v62 =	vld [tilespmem:$0x5880];
	_ =	sdelay $0x4  }
0xa0: {  	[tilespmem:$0x1FAB0] =	vst v62;
	v62 =	vld [tilespmem:$0x57A0];
	_ =	sdelay $0x4  }
0xa1: {  	[tilespmem:$0x1FA90] =	vst v62;
	v62 =	vld [tilespmem:$0x58B0];
	_ =	sdelay $0x4  }
0xa2: {  	[tilespmem:$0x1FB20] =	vst v62;
	v62 =	vld [tilespmem:$0x5930];
	_ =	sdelay $0x4  }
0xa3: {  	[tilespmem:$0x1FB60] =	vst v62;
	v62 =	vld [tilespmem:$0x59B0];
	_ =	sdelay $0x4  }
0xa4: {  	[tilespmem:$0x1FBA0] =	vst v62;
	v62 =	vld [tilespmem:$0x5640];
	_ =	sdelay $0x4  }
0xa5: {  	[tilespmem:$0x1FB80] =	vst v62;
	v62 =	vld [tilespmem:$0x56C0];
	_ =	sdelay $0x4  }
0xa6: {  	[tilespmem:$0x1FB90] =	vst v62;
	v62 =	vld [tilespmem:$0x5740];
	_ =	sdelay $0x4  }
0xa7: {  	[tilespmem:$0x1FBD0] =	vst v62;
	v62 =	vld [tilespmem:$0x57C0];
	_ =	sdelay $0x4  }
0xa8: {  	[tilespmem:$0x1FC10] =	vst v62;
	v62 =	vld [tilespmem:$0x5840];
	_ =	sdelay $0x4  }
0xa9: {  	[tilespmem:$0x1FC50] =	vst v62;
	v62 =	vld [tilespmem:$0x58C0];
	_ =	sdelay $0x4  }
0xaa: {  	[tilespmem:$0x1FC90] =	vst v62;
	v62 =	vld [tilespmem:$0x5940];
	_ =	sdelay $0x4  }
0xab: {  	[tilespmem:$0x1FCD0] =	vst v62;
	v62 =	vld [tilespmem:$0x59C0];
	_ =	sdelay $0x4  }
0xac: {  	[tilespmem:$0x1FD10] =	vst v62;
	v62 =	vld [tilespmem:$0x5650];
	_ =	sdelay $0x4  }
0xad: {  	[tilespmem:$0x1FBB0] =	vst v62;
	v62 =	vld [tilespmem:$0x56D0];
	_ =	sdelay $0x4  }
0xae: {  	[tilespmem:$0x1FBC0] =	vst v62;
	v62 =	vld [tilespmem:$0x5750];
	_ =	sdelay $0x4  }
0xaf: {  	[tilespmem:$0x1FC00] =	vst v62;
	v62 =	vld [tilespmem:$0x57D0];
	_ =	sdelay $0x4  }
0xb0: {  	[tilespmem:$0x1FC30] =	vst v62;
	v62 =	vld [tilespmem:$0x5850];
	_ =	sdelay $0x4  }
0xb1: {  	[tilespmem:$0x1FC70] =	vst v62;
	v62 =	vld [tilespmem:$0x58D0];
	_ =	sdelay $0x4  }
0xb2: {  	[tilespmem:$0x1FCB0] =	vst v62;
	v62 =	vld [tilespmem:$0x5950];
	_ =	sdelay $0x2  }
0xb3: {  	v1 =	vld [tilespmem:$0x5500];
	_ =	sdelay $0x1  }
0xb4: {  	[tilespmem:$0x1FCF0] =	vst v62;
	v62 =	vld [tilespmem:$0x59D0];
	_ =	sdelay $0x2  }
0xb5: {  	[tilespmem:$0x1F950] =	vst v1;
	v1 =	vld [tilespmem:$0x5580];
	_ =	sdelay $0x1  }
0xb6: {  	[tilespmem:$0x1FD30] =	vst v62;
	v62 =	vld [tilespmem:$0x5660];
	_ =	sdelay $0x2  }
0xb7: {  	[tilespmem:$0x1F960] =	vst v1;
	v1 =	vld [tilespmem:$0x5590];
	_ =	sdelay $0x1  }
0xb8: {  	[tilespmem:$0x1FBE0] =	vst v62;
	v62 =	vld [tilespmem:$0x56E0];
	_ =	sdelay $0x1  }
0xb9: {  	v2 =	vld [tilespmem:$0x5230]  }
0xba: {  	[tilespmem:$0x1F970] =	vst v1;
	v1 =	vld [tilespmem:$0x52B0];
	_ =	sdelay $0x1  }
0xbb: {  	[tilespmem:$0x1FBF0] =	vst v62;
	v62 =	vld [tilespmem:$0x5760];
	_ =	sdelay $0x2  }
0xbc: {  	v1 =	vadd.f32 v1, v2;
	v2 =	vld [tilespmem:$0x5D20]  }
0xbd: {  	v4 =	vld [tilespmem:$0x5330];
	v17 =	vadd.f32 v17, v19  }
0xbe: {  	[tilespmem:$0x1FC20] =	vst v62;
	v62 =	vld [tilespmem:$0x57E0]  }
0xbf: {  	v11 =	vld [tilespmem:$0x5210];
	v17 =	vadd.f32 v30, v17  }
0xc0: {  	v9 =	vld [tilespmem:$0x5290]  }
0xc1: {  	v12 =	vld [tilespmem:$0x5310];
	[tilespmem:$0x1FEC0] =	vst v2;
	v2 =	vadd.f32 v31, v17  }
0xc2: {  	v4 =	vadd.f32 v4, v1;
	v1 =	vld [tilespmem:$0x1F950]  }
0xc3: {  	v2 =	vadd.f32 v46, v2;
	[tilespmem:$0x1FC60] =	vst v62;
	v62 =	vld [tilespmem:$0x5860]  }
0xc4: {  	v20 =	vld [tilespmem:$0x5390]  }
0xc5: {  	v40 =	vld [tilespmem:$0x5410];
	v2 =	vadd.f32 v59, v2  }
0xc6: {  	v44 =	vld [tilespmem:$0x5490]  }
0xc7: {  	v2 =	vadd.f32 v1, v2;
	v1 =	vld [tilespmem:$0x1F960]  }
0xc8: {  	[tilespmem:$0x1FCA0] =	vst v62;
	v62 =	vld [tilespmem:$0x58E0]  }
0xc9: {  	v61 =	vld [tilespmem:$0x5510]  }
0xca: {  	v5 =	vld [tilespmem:$0x5220]  }
0xcb: {  	v3 =	vld [tilespmem:$0x52A0]  }
0xcc: {  	v6 =	vld [tilespmem:$0x5320]  }
0xcd: {  	v9 =	vadd.f32 v9, v11;
	v1 =	vadd.f32 v1, v2;
	[tilespmem:$0x1FCE0] =	vst v62;
	v62 =	vld [tilespmem:$0x5960]  }
0xce: {  	v13 =	vld [tilespmem:$0x53A0]  }
0xcf: {  	v30 =	vadd.f32 v12, v9;
	[tilespmem:$0x1FF70] =	vst v1;
	v1 =	vld [tilespmem:$0x5DB0]  }
0xd0: {  	v25 =	vld [tilespmem:$0x5420]  }
0xd1: {  	v37 =	vld [tilespmem:$0x54A0];
	v3 =	vadd.f32 v3, v5;
	v5 =	vadd.f32 v20, v30  }
0xd2: {  	[tilespmem:$0x1FD20] =	vst v62;
	v62 =	vld [tilespmem:$0x59E0]  }
0xd3: {  	v48 =	vld [tilespmem:$0x5520];
	v40 =	vadd.f32 v40, v5  }
0xd4: {  	[tilespmem:$0x1FF00] =	vst v1;
	v1 =	vld [tilespmem:$0x1F970]  }
0xd5: {  	v60 =	vld [tilespmem:$0x55A0];
	v3 =	vadd.f32 v6, v3;
	v6 =	vadd.f32 v44, v40  }
0xd6: {  	v7 =	vld [tilespmem:$0x53B0]  }
0xd7: {  	v6 =	vadd.f32 v61, v6;
	[tilespmem:$0x1FD50] =	vst v62;
	v62 =	vld [tilespmem:$0x5770]  }
0xd8: {  	v14 =	vld [tilespmem:$0x5430]  }
0xd9: {  	v26 =	vld [tilespmem:$0x54B0];
	v3 =	vadd.f32 v13, v3;
	v1 =	vadd.f32 v1, v6  }
0xda: {  	v32 =	vld [tilespmem:$0x5530]  }
0xdb: {  	v3 =	vadd.f32 v25, v3;
	v4 =	vadd.f32 v7, v4;
	[tilespmem:$0x1FF80] =	vst v1;
	v1 =	vld [tilespmem:$0x5A40]  }
0xdc: {  	[tilespmem:$0x1FC40] =	vst v62;
	v62 =	vld [tilespmem:$0x57F0]  }
0xdd: {  	v3 =	vadd.f32 v37, v3;
	v4 =	vadd.f32 v14, v4  }
0xde: {  	v43 =	vld [tilespmem:$0x55B0]  }
0xdf: {  	v4 =	vadd.f32 v26, v4;
	v2 =	vadd.f32 v48, v3  }
0xe0: {  	[tilespmem:$0x1FEF0] =	vst v1  }
0xe1: {  	v4 =	vadd.f32 v32, v4;
	v1 =	vadd.f32 v60, v2;
	[tilespmem:$0x1FC80] =	vst v62;
	v62 =	vld [tilespmem:$0x5870];
	_ =	sdelay $0x1  }
0xe2: {  	[tilespmem:$0x1FF90] =	vst v1;
	v1 =	vadd.f32 v43, v4;
	_ =	sdelay $0x1  }
0xe3: {  	[tilespmem:$0x1FFA0] =	vst v1;
	v1 =	vld [tilespmem:$0x5B40]  }
0xe4: {  	[tilespmem:$0x1FCC0] =	vst v62;
	v62 =	vld [tilespmem:$0x58F0];
	_ =	sdelay $0x3  }
0xe5: {  	[tilespmem:$0x1FF10] =	vst v1;
	v1 =	vld [tilespmem:$0x5BC0]  }
0xe6: {  	[tilespmem:$0x1FD00] =	vst v62;
	v62 =	vld [tilespmem:$0x5970];
	_ =	sdelay $0x3  }
0xe7: {  	[tilespmem:$0x1FF20] =	vst v1;
	v1 =	vld [tilespmem:$0x5C40]  }
0xe8: {  	[tilespmem:$0x1FD40] =	vst v62;
	v62 =	vld [tilespmem:$0x59F0];
	_ =	sdelay $0x2  }
0xe9: {  	v41 =	vld [tilespmem:$0x5240]  }
0xea: {  	[tilespmem:$0x1FF30] =	vst v1;
	v1 =	vld [tilespmem:$0x5CC0]  }
0xeb: {  	[tilespmem:$0x1FD80] =	vst v62;
	v62 =	vld [tilespmem:$0x5A00]  }
0xec: {  	v33 =	vld [tilespmem:$0x52C0]  }
0xed: {  	v42 =	vld [tilespmem:$0x5340]  }
0xee: {  	v8 =	vld [tilespmem:$0x5440]  }
0xef: {  	[tilespmem:$0x1FF40] =	vst v1;
	v1 =	vld [tilespmem:$0x5D40]  }
0xf0: {  	[tilespmem:$0x1FD60] =	vst v62;
	v62 =	vld [tilespmem:$0x5A80];
	_ =	sdelay $0x1  }
0xf1: {  	v56 =	vld [tilespmem:$0x53C0]  }
0xf2: {  	v29 =	vld [tilespmem:$0x54C0];
	[tilespmem:$0x1F980] =	vst v8;
	v2 =	vadd.f32 v33, v41  }
0xf3: {  	[tilespmem:$0x1FF50] =	vst v1;
	v1 =	vld [tilespmem:$0x1F980]  }
0xf4: {  	v2 =	vadd.f32 v42, v2;
	[tilespmem:$0x1FD70] =	vst v62;
	v62 =	vld [tilespmem:$0x5B00]  }
0xf5: {  	v28 =	vld [tilespmem:$0x5250]  }
0xf6: {  	v21 =	vld [tilespmem:$0x52D0];
	v2 =	vadd.f32 v56, v2  }
0xf7: {  	v45 =	vld [tilespmem:$0x53D0]  }
0xf8: {  	v2 =	vadd.f32 v1, v2;
	v1 =	vld [tilespmem:$0x5DC0]  }
0xf9: {  	[tilespmem:$0x1FDB0] =	vst v62;
	v62 =	vld [tilespmem:$0x5B80]  }
0xfa: {  	v57 =	vld [tilespmem:$0x5450]  }
0xfb: {  	v36 =	vld [tilespmem:$0x54D0]  }
0xfc: {  	[tilespmem:$0x1F990] =	vst v29;
	v29 =	vld [tilespmem:$0x5350]  }
0xfd: {  	[tilespmem:$0x1FF60] =	vst v1;
	v1 =	vld [tilespmem:$0x1F990]  }
0xfe: {  	[tilespmem:$0x1FDF0] =	vst v62;
	v62 =	vld [tilespmem:$0x5C00]  }
0xff: {  	v10 =	vld [tilespmem:$0x5270];
	v41 =	vadd.f32 v21, v28  }
0x100: {  	v8 =	vld [tilespmem:$0x52F0]  }
0x101: {  	v34 =	vld [tilespmem:$0x5540];
	[tilespmem:$0x1F9A0] =	vst v36;
	v4 =	vadd.f32 v29, v41  }
0x102: {  	v2 =	vadd.f32 v1, v2;
	v1 =	vld [tilespmem:$0x1F9A0]  }
0x103: {  	v56 =	vadd.f32 v45, v4;
	[tilespmem:$0x1FE20] =	vst v62;
	v62 =	vld [tilespmem:$0x5C80];
	_ =	sdelay $0x1  }
0x104: {  	v43 =	vadd.f32 v8, v10;
	v8 =	vadd.f32 v57, v56  }
0x105: {  	v38 =	vld [tilespmem:$0x5550];
	[tilespmem:$0x1F9B0] =	vst v34  }
0x106: {  	v8 =	vadd.f32 v1, v8;
	v1 =	vld [tilespmem:$0x1F9B0]  }
0x107: {  	[tilespmem:$0x1FE50] =	vst v62;
	v62 =	vld [tilespmem:$0x5D00];
	_ =	sdelay $0x1  }
0x108: {  	v35 =	vld [tilespmem:$0x55C0]  }
0x109: {  	v18 =	vld [tilespmem:$0x5260];
	[tilespmem:$0x1F9C0] =	vst v38  }
0x10a: {  	v2 =	vadd.f32 v1, v2;
	v1 =	vld [tilespmem:$0x1F9C0]  }
0x10b: {  	[tilespmem:$0x1FE80] =	vst v62;
	v62 =	vld [tilespmem:$0x5D80]  }
0x10c: {  	v15 =	vld [tilespmem:$0x52E0]  }
0x10d: {  	v22 =	vld [tilespmem:$0x5360]  }
0x10e: {  	v47 =	vld [tilespmem:$0x5560];
	[tilespmem:$0x1F9D0] =	vst v35  }
0x10f: {  	v8 =	vadd.f32 v1, v8;
	v1 =	vld [tilespmem:$0x1F9D0]  }
0x110: {  	[tilespmem:$0x1FEB0] =	vst v62;
	v62 =	vld [tilespmem:$0x5A10]  }
0x111: {  	v34 =	vld [tilespmem:$0x53E0]  }
0x112: {  	v42 =	vadd.f32 v15, v18  }
0x113: {  	v51 =	vld [tilespmem:$0x5460]  }
0x114: {  	v63 =	vld [tilespmem:$0x54E0];
	v6 =	vadd.f32 v22, v42  }
0x115: {  	v1 =	vadd.f32 v1, v2;
	[tilespmem:$0x1FD90] =	vst v62;
	v62 =	vld [tilespmem:$0x5A90]  }
0x116: {  	v39 =	vld [tilespmem:$0x55D0];
	[tilespmem:$0x1F9E0] =	vst v47;
	v6 =	vadd.f32 v34, v6  }
0x117: {  	[tilespmem:$0x1FFB0] =	vst v1;
	v1 =	vld [tilespmem:$0x1F9E0]  }
0x118: {  	v6 =	vadd.f32 v51, v6  }
0x119: {  	v16 =	vld [tilespmem:$0x5370]  }
0x11a: {  	v6 =	vadd.f32 v63, v6;
	[tilespmem:$0x1FDA0] =	vst v62;
	v62 =	vld [tilespmem:$0x5B10]  }
0x11b: {  	v23 =	vld [tilespmem:$0x53F0];
	[tilespmem:$0x1F9F0] =	vst v39  }
0x11c: {  	v2 =	vadd.f32 v1, v6;
	v1 =	vld [tilespmem:$0x1F9F0]  }
0x11d: {  	v24 =	vld [tilespmem:$0x5570]  }
0x11e: {  	v35 =	vld [tilespmem:$0x5470]  }
0x11f: {  	[tilespmem:$0x1FDE0] =	vst v62;
	v62 =	vld [tilespmem:$0x5B90]  }
0x120: {  	v7 =	vadd.f32 v16, v43  }
0x121: {  	v47 =	vld [tilespmem:$0x54F0];
	v1 =	vadd.f32 v1, v8  }
0x122: {  	v49 =	vld [tilespmem:$0x55E0];
	[tilespmem:$0x1FA00] =	vst v24;
	v7 =	vadd.f32 v23, v7  }
0x123: {  	[tilespmem:$0x1FFC0] =	vst v1;
	v1 =	vld [tilespmem:$0x1FA00]  }
0x124: {  	v7 =	vadd.f32 v35, v7;
	[tilespmem:$0x1FE10] =	vst v62;
	v62 =	vld [tilespmem:$0x5C10];
	_ =	sdelay $0x1  }
0x125: {  	v57 =	vadd.f32 v47, v7  }
0x126: {  	v53 =	vld [tilespmem:$0x5680];
	[tilespmem:$0x1FA10] =	vst v49  }
0x127: {  	v60 =	vadd.f32 v1, v57;
	v1 =	vld [tilespmem:$0x1FA10]  }
0x128: {  	[tilespmem:$0x1FE40] =	vst v62;
	v62 =	vld [tilespmem:$0x5C90]  }
0x129: {  	v52 =	vld [tilespmem:$0x5600];
	_ =	sdelay $0x2  }
0x12a: {  	v50 =	vld [tilespmem:$0x55F0];
	[tilespmem:$0x1FA30] =	vst v53  }
0x12b: {  	v1 =	vadd.f32 v1, v2;
	[tilespmem:$0x1FE70] =	vst v62;
	v62 =	vld [tilespmem:$0x5D10]  }
0x12c: {  	[tilespmem:$0x1FA20] =	vst v52;
	v2 =	vld [tilespmem:$0x1FA30]  }
0x12d: {  	[tilespmem:$0x1FFD0] =	vst v1;
	v1 =	vld [tilespmem:$0x1FA20];
	_ =	sdelay $0x2  }
0x12e: {  	[tilespmem:$0x1FEA0] =	vst v62;
	v62 =	vld [tilespmem:$0x5D90]  }
0x12f: {  	[tilespmem:$0x1FA40] =	vst v50  }
0x130: {  	v2 =	vadd.f32 v2, v1;
	v1 =	vld [tilespmem:$0x1FA40]  }
0x131: {  	v54 =	vld [tilespmem:$0x5700];
	_ =	sdelay $0x1  }
0x132: {  	[tilespmem:$0x1FED0] =	vst v62;
	v62 =	vld [tilespmem:$0x5A20]  }
0x133: {  	v55 =	vld [tilespmem:$0x5780]  }
0x134: {  	v1 =	vadd.f32 v1, v60  }
0x135: {  	v58 =	vld [tilespmem:$0x5800];
	[tilespmem:$0x1FA50] =	vst v54  }
0x136: {  	[tilespmem:$0x1FFE0] =	vst v1;
	v1 =	vld [tilespmem:$0x1FA50]  }
0x137: {  	[tilespmem:$0x1FDC0] =	vst v62;
	v62 =	vld [tilespmem:$0x5AA0]  }
0x138: {  	[tilespmem:$0x1FA60] =	vst v55;
	v55 =	vld [tilespmem:$0x5610]  }
0x139: {  	v49 =	vld [tilespmem:$0x5690]  }
0x13a: {  	v39 =	vld [tilespmem:$0x5790]  }
0x13b: {  	v2 =	vadd.f32 v1, v2;
	v1 =	vld [tilespmem:$0x1FA60]  }
0x13c: {  	[tilespmem:$0x1FDD0] =	vst v62;
	v62 =	vld [tilespmem:$0x5B20];
	_ =	sdelay $0x1  }
0x13d: {  	[tilespmem:$0x1FA80] =	vst v58;
	v58 =	vld [tilespmem:$0x5710]  }
0x13e: {  	v36 =	vld [tilespmem:$0x5900];
	[tilespmem:$0x1FA70] =	vst v39  }
0x13f: {  	v2 =	vadd.f32 v1, v2;
	v1 =	vld [tilespmem:$0x1FA70]  }
0x140: {  	v61 =	vadd.f32 v49, v55;
	[tilespmem:$0x1FE00] =	vst v62;
	v62 =	vld [tilespmem:$0x5BA0]  }
0x141: {  	v50 =	vld [tilespmem:$0x5810]  }
0x142: {  	v39 =	vld [tilespmem:$0x5620];
	v6 =	vadd.f32 v58, v61  }
0x143: {  	[tilespmem:$0x1FAF0] =	vst v36;
	v36 =	vld [tilespmem:$0x56A0]  }
0x144: {  	v6 =	vadd.f32 v1, v6;
	v1 =	vld [tilespmem:$0x1FA80]  }
0x145: {  	[tilespmem:$0x1FE30] =	vst v62;
	v62 =	vld [tilespmem:$0x5C20];
	_ =	sdelay $0x1  }
0x146: {  	[tilespmem:$0x1FAA0] =	vst v50;
	v50 =	vld [tilespmem:$0x5720];
	_ =	sdelay $0x1  }
0x147: {  	v2 =	vadd.f32 v1, v2;
	v1 =	vld [tilespmem:$0x1FA90]  }
0x148: {  	[tilespmem:$0x1FE60] =	vst v62;
	v62 =	vadd.f32 v36, v39;
	_ =	sdelay $0x1  }
0x149: {  	v10 =	vadd.f32 v50, v62  }
0x14a: {  	v38 =	vld [tilespmem:$0x5980]  }
0x14b: {  	v10 =	vadd.f32 v1, v10;
	v1 =	vld [tilespmem:$0x1FAA0];
	_ =	sdelay $0x2  }
0x14c: {  	v53 =	vld [tilespmem:$0x5910]  }
0x14d: {  	[tilespmem:$0x1FB30] =	vst v38;
	v38 =	vld [tilespmem:$0x5820]  }
0x14e: {  	v6 =	vadd.f32 v1, v6;
	v1 =	vld [tilespmem:$0x1FAB0];
	_ =	sdelay $0x2  }
0x14f: {  	v52 =	vld [tilespmem:$0x5890];
	[tilespmem:$0x1FB10] =	vst v53  }
0x150: {  	v53 =	vld [tilespmem:$0x5920];
	[tilespmem:$0x1FAC0] =	vst v38  }
0x151: {  	v2 =	vadd.f32 v1, v2;
	v1 =	vld [tilespmem:$0x1FAC0]  }
0x152: {  	v27 =	vld [tilespmem:$0x5630]  }
0x153: {  	v24 =	vld [tilespmem:$0x56B0]  }
0x154: {  	[tilespmem:$0x1FAD0] =	vst v52;
	v52 =	vld [tilespmem:$0x58A0]  }
0x155: {  	[tilespmem:$0x1FB40] =	vst v53;
	v53 =	vld [tilespmem:$0x5830]  }
0x156: {  	v10 =	vadd.f32 v1, v10;
	v1 =	vld [tilespmem:$0x1FAD0]  }
0x157: {  	v38 =	vld [tilespmem:$0x5730];
	_ =	sdelay $0x1  }
0x158: {  	[tilespmem:$0x1FB00] =	vst v52;
	v52 =	vld [tilespmem:$0x57B0]  }
0x159: {  	[tilespmem:$0x1FAE0] =	vst v53;
	v63 =	vadd.f32 v24, v27  }
0x15a: {  	v6 =	vadd.f32 v1, v6;
	v1 =	vld [tilespmem:$0x1FAE0]  }
0x15b: {  	v12 =	vadd.f32 v38, v63;
	_ =	sdelay $0x1  }
0x15c: {  	v12 =	vadd.f32 v52, v12;
	_ =	sdelay $0x1  }
0x15d: {  	v12 =	vadd.f32 v1, v12;
	v1 =	vld [tilespmem:$0x1FAF0];
	_ =	sdelay $0x4  }
0x15e: {  	v2 =	vadd.f32 v1, v2;
	v1 =	vld [tilespmem:$0x1FB00];
	_ =	sdelay $0x4  }
0x15f: {  	v10 =	vadd.f32 v1, v10;
	v1 =	vld [tilespmem:$0x1FB10];
	_ =	sdelay $0x4  }
0x160: {  	v6 =	vadd.f32 v1, v6;
	v1 =	vld [tilespmem:$0x1FB20];
	_ =	sdelay $0x4  }
0x161: {  	v12 =	vadd.f32 v1, v12;
	v1 =	vld [tilespmem:$0x1FB30];
	_ =	sdelay $0x3  }
0x162: {  	v54 =	vld [tilespmem:$0x5990]  }
0x163: {  	v33 =	vadd.f32 v1, v2;
	v1 =	vld [tilespmem:$0x1FB40];
	_ =	sdelay $0x3  }
0x164: {  	[tilespmem:$0x1FB50] =	vst v54  }
0x165: {  	v4 =	vadd.f32 v1, v10;
	v1 =	vld [tilespmem:$0x1FB50];
	_ =	sdelay $0x3  }
0x166: {  	v54 =	vld [tilespmem:$0x59A0]  }
0x167: {  	v37 =	vadd.f32 v1, v6;
	v1 =	vld [tilespmem:$0x1FB60];
	_ =	sdelay $0x3  }
0x168: {  	[tilespmem:$0x1FB70] =	vst v54  }
0x169: {  	v12 =	vadd.f32 v1, v12;
	v1 =	vld [tilespmem:$0x1FB70];
	_ =	sdelay $0x3  }
0x16a: {  	v2 =	vld [tilespmem:$0x1FB90]  }
0x16b: {  	v41 =	vadd.f32 v1, v4;
	v1 =	vld [tilespmem:$0x1FB80];
	_ =	sdelay $0x4  }
0x16c: {  	v5 =	vadd.f32 v2, v1;
	v1 =	vld [tilespmem:$0x1FBA0];
	_ =	sdelay $0x4  }
0x16d: {  	v1 =	vadd.f32 v1, v12  }
0x16e: {  	v2 =	vld [tilespmem:$0x1FBC0]  }
0x16f: {  	[tilespmem:$0x1FFF0] =	vst v1;
	v1 =	vld [tilespmem:$0x1FBB0];
	_ =	sdelay $0x4  }
0x170: {  	v6 =	vadd.f32 v2, v1;
	v1 =	vld [tilespmem:$0x1FBD0];
	_ =	sdelay $0x3  }
0x171: {  	v2 =	vld [tilespmem:$0x1FBF0]  }
0x172: {  	v18 =	vadd.f32 v1, v5;
	v1 =	vld [tilespmem:$0x1FBE0];
	_ =	sdelay $0x4  }
0x173: {  	v7 =	vadd.f32 v2, v1;
	v1 =	vld [tilespmem:$0x1FC00];
	_ =	sdelay $0x4  }
0x174: {  	v20 =	vadd.f32 v1, v6;
	v1 =	vld [tilespmem:$0x1FC10];
	_ =	sdelay $0x4  }
0x175: {  	v18 =	vadd.f32 v1, v18;
	v1 =	vld [tilespmem:$0x1FC20];
	_ =	sdelay $0x4  }
0x176: {  	v22 =	vadd.f32 v1, v7;
	v1 =	vld [tilespmem:$0x1FC30];
	_ =	sdelay $0x1  }
0x177: {  	v54 =	vld [tilespmem:$0x5670]  }
0x178: {  	v53 =	vld [tilespmem:$0x56F0];
	_ =	sdelay $0x1  }
0x179: {  	v20 =	vadd.f32 v1, v20;
	v1 =	vld [tilespmem:$0x1FC40];
	_ =	sdelay $0x2  }
0x17a: {  	v8 =	vadd.f32 v53, v54;
	_ =	sdelay $0x1  }
0x17b: {  	v27 =	vadd.f32 v1, v8;
	v1 =	vld [tilespmem:$0x1FC50];
	_ =	sdelay $0x4  }
0x17c: {  	v18 =	vadd.f32 v1, v18;
	v1 =	vld [tilespmem:$0x1FC60];
	_ =	sdelay $0x4  }
0x17d: {  	v22 =	vadd.f32 v1, v22;
	v1 =	vld [tilespmem:$0x1FC70];
	_ =	sdelay $0x4  }
0x17e: {  	v20 =	vadd.f32 v1, v20;
	v1 =	vld [tilespmem:$0x1FC80];
	_ =	sdelay $0x4  }
0x17f: {  	v9 =	vadd.f32 v1, v27;
	v1 =	vld [tilespmem:$0x1FC90];
	_ =	sdelay $0x4  }
0x180: {  	v18 =	vadd.f32 v1, v18;
	v1 =	vld [tilespmem:$0x1FCA0];
	_ =	sdelay $0x4  }
0x181: {  	v22 =	vadd.f32 v1, v22;
	v1 =	vld [tilespmem:$0x1FCB0];
	_ =	sdelay $0x3  }
0x182: {  	v31 =	vld [tilespmem:$0x5DA0]  }
0x183: {  	v10 =	vadd.f32 v1, v20;
	v1 =	vld [tilespmem:$0x1FCC0];
	_ =	sdelay $0x4  }
0x184: {  	[tilespmem:$0x1FEE0] =	vst v31;
	v31 =	vadd.f32 v1, v9;
	v1 =	vld [tilespmem:$0x1FCD0];
	_ =	sdelay $0x4  }
0x185: {  	v18 =	vadd.f32 v1, v18;
	v1 =	vld [tilespmem:$0x1FCE0];
	_ =	sdelay $0x4  }
0x186: {  	v22 =	vadd.f32 v1, v22;
	v1 =	vld [tilespmem:$0x1FCF0];
	_ =	sdelay $0x4  }
0x187: {  	v11 =	vadd.f32 v1, v10;
	v1 =	vld [tilespmem:$0x1FD00];
	_ =	sdelay $0x4  }
0x188: {  	v12 =	vadd.f32 v1, v31;
	v1 =	vld [tilespmem:$0x1FD10];
	_ =	sdelay $0x4  }
0x189: {  	v32 =	vadd.f32 v1, v18;
	v1 =	vld [tilespmem:$0x1FD20];
	_ =	sdelay $0x4  }
0x18a: {  	v4 =	vadd.f32 v1, v22;
	v1 =	vld [tilespmem:$0x1FD30];
	_ =	sdelay $0x4  }
0x18b: {  	v31 =	vadd.f32 v1, v11;
	v1 =	vld [tilespmem:$0x1FD40];
	_ =	sdelay $0x4  }
0x18c: {  	v5 =	vadd.f32 v1, v12;
	v1 =	vld [tilespmem:$0x1FD50];
	_ =	sdelay $0x3  }
0x18d: {  	v2 =	vld [tilespmem:$0x1FD70]  }
0x18e: {  	v22 =	vadd.f32 v1, v4;
	v1 =	vld [tilespmem:$0x1FD60];
	_ =	sdelay $0x4  }
0x18f: {  	v1 =	vadd.f32 v2, v1;
	v2 =	vld [tilespmem:$0x1FD80]  }
0x190: {  	v19 =	vld [tilespmem:$0x5CA0]  }
0x191: {  	v30 =	vld [tilespmem:$0x5A30]  }
0x192: {  	v13 =	vld [tilespmem:$0x5AB0]  }
0x193: {  	v3 =	vld [tilespmem:$0x1FDA0]  }
0x194: {  	v18 =	vadd.f32 v2, v5;
	v2 =	vld [tilespmem:$0x1FD90]  }
0x195: {  	[tilespmem:$0x1FE90] =	vst v19;
	v19 =	vld [tilespmem:$0x5B30]  }
0x196: {  	v25 =	vld [tilespmem:$0x5DD0]  }
0x197: {  	v40 =	vld [tilespmem:$0x5C30]  }
0x198: {  	v44 =	vld [tilespmem:$0x5CB0]  }
0x199: {  	v12 =	vadd.f32 v3, v2;
	v2 =	vld [tilespmem:$0x1FDB0]  }
0x19a: {  	v13 =	vadd.f32 v13, v30;
	v30 =	vld [tilespmem:$0x6110]  }
0x19b: {  	v49 =	vld [tilespmem:$0x5BF0]  }
0x19c: {  	v55 =	vld [tilespmem:$0x5DF0]  }
0x19d: {  	v3 =	vld [tilespmem:$0x1FDD0]  }
0x19e: {  	v1 =	vadd.f32 v2, v1;
	v2 =	vld [tilespmem:$0x1FDC0]  }
0x19f: {  	v14 =	vld [tilespmem:$0x5A50]  }
0x1a0: {  	v26 =	vld [tilespmem:$0x5AD0]  }
0x1a1: {  	v59 =	vld [tilespmem:$0x5BB0]  }
0x1a2: {  	v13 =	vadd.f32 v19, v13;
	v19 =	vld [tilespmem:$0x5E20]  }
0x1a3: {  	v2 =	vadd.f32 v3, v2;
	v3 =	vld [tilespmem:$0x1FDE0]  }
0x1a4: {  	v17 =	vld [tilespmem:$0x5B50]  }
0x1a5: {  	v46 =	vld [tilespmem:$0x5D30]  }
0x1a6: {  	v14 =	vadd.f32 v26, v14;
	v26 =	vld [tilespmem:$0x5F30];
	v13 =	vadd.f32 v59, v13  }
0x1a7: {  	v59 =	vld [tilespmem:$0x5F20]  }
0x1a8: {  	v13 =	vadd.f32 v40, v13;
	v60 =	vadd.f32 v3, v12;
	v3 =	vld [tilespmem:$0x1FDF0]  }
0x1a9: {  	v48 =	vld [tilespmem:$0x5AC0]  }
0x1aa: {  	v40 =	vld [tilespmem:$0x6020];
	v13 =	vadd.f32 v44, v13  }
0x1ab: {  	v44 =	vld [tilespmem:$0x6120]  }
0x1ac: {  	v13 =	vadd.f32 v46, v13;
	v46 =	vld [tilespmem:$0x1FF00]  }
0x1ad: {  	v1 =	vadd.f32 v3, v1;
	v3 =	vld [tilespmem:$0x1FE00]  }
0x1ae: {  	v21 =	vld [tilespmem:$0x5C50]  }
0x1af: {  	v28 =	vld [tilespmem:$0x5D60]  }
0x1b0: {  	v15 =	vld [tilespmem:$0x5BD0]  }
0x1b1: {  	v29 =	vld [tilespmem:$0x5D50]  }
0x1b2: {  	v2 =	vadd.f32 v3, v2;
	v3 =	vld [tilespmem:$0x1FE10]  }
0x1b3: {  	v42 =	vld [tilespmem:$0x5A60]  }
0x1b4: {  	v43 =	vld [tilespmem:$0x5B60]  }
0x1b5: {  	v16 =	vld [tilespmem:$0x5DE0]  }
0x1b6: {  	v45 =	vld [tilespmem:$0x5AF0]  }
0x1b7: {  	v60 =	vadd.f32 v3, v60;
	v3 =	vld [tilespmem:$0x1FE20]  }
0x1b8: {  	v23 =	vld [tilespmem:$0x5CD0]  }
0x1b9: {  	v56 =	vld [tilespmem:$0x5F00]  }
0x1ba: {  	v14 =	vadd.f32 v17, v14;
	v34 =	vld [tilespmem:$0x6100]  }
0x1bb: {  	v35 =	vld [tilespmem:$0x5CE0]  }
0x1bc: {  	v14 =	vadd.f32 v15, v14;
	v1 =	vadd.f32 v3, v1;
	v3 =	vld [tilespmem:$0x1FE30]  }
0x1bd: {  	v51 =	vld [tilespmem:$0x5CF0]  }
0x1be: {  	v14 =	vadd.f32 v21, v14;
	v21 =	vld [tilespmem:$0x5E40]  }
0x1bf: {  	v24 =	vld [tilespmem:$0x5C60]  }
0x1c0: {  	v47 =	vld [tilespmem:$0x5B70]  }
0x1c1: {  	v2 =	vadd.f32 v3, v2;
	v3 =	vld [tilespmem:$0x1FE40]  }
0x1c2: {  	v13 =	vadd.f32 v46, v13;
	v46 =	vld [tilespmem:$0x1FF10]  }
0x1c3: {  	v14 =	vadd.f32 v23, v14;
	v23 =	vld [tilespmem:$0x5F40]  }
0x1c4: {  	v38 =	vld [tilespmem:$0x5A70]  }
0x1c5: {  	v63 =	vld [tilespmem:$0x5E90]  }
0x1c6: {  	v60 =	vadd.f32 v3, v60;
	v3 =	vld [tilespmem:$0x1FE50]  }
0x1c7: {  	v14 =	vadd.f32 v29, v14;
	v29 =	vld [tilespmem:$0x6040]  }
0x1c8: {  	v52 =	vld [tilespmem:$0x5D70]  }
0x1c9: {  	v14 =	vadd.f32 v25, v14;
	v25 =	vld [tilespmem:$0x6140]  }
0x1ca: {  	v17 =	vadd.f32 v45, v38;
	v38 =	vld [tilespmem:$0x6030]  }
0x1cb: {  	v1 =	vadd.f32 v3, v1;
	v3 =	vld [tilespmem:$0x1FE60]  }
0x1cc: {  	v45 =	vld [tilespmem:$0x1FF20]  }
0x1cd: {  	v15 =	vadd.f32 v47, v17;
	v17 =	vld [tilespmem:$0x6130]  }
0x1ce: {  	v47 =	vld [tilespmem:$0x61C0]  }
0x1cf: {  	v53 =	vld [tilespmem:$0x5E00]  }
0x1d0: {  	v2 =	vadd.f32 v3, v2;
	v3 =	vld [tilespmem:$0x1FE70]  }
0x1d1: {  	v54 =	vld [tilespmem:$0x5E80]  }
0x1d2: {  	v15 =	vadd.f32 v49, v15;
	v49 =	vld [tilespmem:$0x1FF40]  }
0x1d3: {  	v58 =	vld [tilespmem:$0x6000]  }
0x1d4: {  	v61 =	vld [tilespmem:$0x5F10]  }
0x1d5: {  	v60 =	vadd.f32 v3, v60;
	v3 =	vld [tilespmem:$0x1FE80]  }
0x1d6: {  	v54 =	vadd.f32 v54, v53;
	v53 =	vld [tilespmem:$0x1FF90]  }
0x1d7: {  	v39 =	vld [tilespmem:$0x5AE0]  }
0x1d8: {  	v57 =	vld [tilespmem:$0x5F80]  }
0x1d9: {  	v36 =	vld [tilespmem:$0x5BE0]  }
0x1da: {  	v1 =	vadd.f32 v3, v1;
	v3 =	vld [tilespmem:$0x1FE90]  }
0x1db: {  	v50 =	vld [tilespmem:$0x5C70]  }
0x1dc: {  	v62 =	vld [tilespmem:$0x5E10];
	v39 =	vadd.f32 v39, v42  }
0x1dd: {  	v42 =	vld [tilespmem:$0x5FB0]  }
0x1de: {  	v39 =	vadd.f32 v43, v39;
	v43 =	vld [tilespmem:$0x60B0]  }
0x1df: {  	v2 =	vadd.f32 v3, v2;
	v3 =	vld [tilespmem:$0x1FEA0]  }
0x1e0: {  	v15 =	vadd.f32 v50, v15;
	v50 =	vld [tilespmem:$0x1FF50]  }
0x1e1: {  	v36 =	vadd.f32 v36, v39;
	v39 =	vld [tilespmem:$0x61B0]  }
0x1e2: {  	v15 =	vadd.f32 v51, v15;
	v51 =	vld [tilespmem:$0x1FF60]  }
0x1e3: {  	v24 =	vadd.f32 v24, v36;
	v36 =	vld [tilespmem:$0x5EC0]  }
0x1e4: {  	v60 =	vadd.f32 v3, v60;
	v3 =	vld [tilespmem:$0x1FEB0]  }
0x1e5: {  	v15 =	vadd.f32 v52, v15;
	v52 =	vld [tilespmem:$0x1FF70]  }
0x1e6: {  	v24 =	vadd.f32 v35, v24;
	v35 =	vld [tilespmem:$0x5FC0]  }
0x1e7: {  	v15 =	vadd.f32 v55, v15;
	v55 =	vld [tilespmem:$0x1FFB0]  }
0x1e8: {  	v24 =	vadd.f32 v28, v24;
	v28 =	vld [tilespmem:$0x60C0]  }
0x1e9: {  	v10 =	vadd.f32 v3, v1;
	v1 =	vld [tilespmem:$0x1FEC0]  }
0x1ea: {  	[tilespmem:$0x6200] =	vst v52;
	v52 =	vadd.f32 v63, v62;
	v62 =	vld [tilespmem:$0x1FFE0]  }
0x1eb: {  	v63 =	vld [tilespmem:$0x6150]  }
0x1ec: {  	v16 =	vadd.f32 v16, v24;
	v24 =	vadd.f32 v56, v54;
	v54 =	vld [tilespmem:$0x1FFA0]  }
0x1ed: {  	v56 =	vld [tilespmem:$0x5FD0]  }
0x1ee: {  	v2 =	vadd.f32 v1, v2;
	v1 =	vld [tilespmem:$0x1FED0]  }
0x1ef: {  	[tilespmem:$0x6240] =	vst v55;
	v55 =	vld [tilespmem:$0x6070];
	v24 =	vadd.f32 v57, v24  }
0x1f0: {  	v57 =	vld [tilespmem:$0x1FFC0]  }
0x1f1: {  	v24 =	vadd.f32 v58, v24;
	v58 =	vld [tilespmem:$0x6160]  }
0x1f2: {  	[tilespmem:$0x6230] =	vst v54;
	v54 =	vld [tilespmem:$0x6060]  }
0x1f3: {  	v60 =	vadd.f32 v1, v60;
	v1 =	vld [tilespmem:$0x1FEE0]  }
0x1f4: {  	v4 =	vld [tilespmem:$0x5EA0]  }
0x1f5: {  	[tilespmem:$0x62A0] =	vst v41;
	v41 =	vld [tilespmem:$0x1FFF0]  }
0x1f6: {  	v6 =	vld [tilespmem:$0x60A0]  }
0x1f7: {  	v5 =	vld [tilespmem:$0x5FA0]  }
0x1f8: {  	v2 =	vadd.f32 v1, v2;
	v1 =	vld [tilespmem:$0x1FEF0]  }
0x1f9: {  	v7 =	vld [tilespmem:$0x61A0];
	v4 =	vadd.f32 v4, v19  }
0x1fa: {  	v8 =	vld [tilespmem:$0x5F90]  }
0x1fb: {  	v27 =	vld [tilespmem:$0x6080];
	v4 =	vadd.f32 v59, v4  }
0x1fc: {  	v20 =	vld [tilespmem:$0x6180]  }
0x1fd: {  	v4 =	vadd.f32 v5, v4;
	v3 =	vld [tilespmem:$0x5E30];
	v48 =	vadd.f32 v48, v1  }
0x1fe: {  	v1 =	vld [tilespmem:$0x5EB0]  }
0x1ff: {  	v9 =	vld [tilespmem:$0x6010];
	v4 =	vadd.f32 v40, v4;
	v48 =	vadd.f32 v46, v48  }
0x200: {  	v46 =	vld [tilespmem:$0x1FF80]  }
0x201: {  	v4 =	vadd.f32 v6, v4;
	v45 =	vadd.f32 v45, v48;
	v48 =	vld [tilespmem:$0x1FF30]  }
0x202: {  	v24 =	vadd.f32 v27, v24;
	v11 =	vld [tilespmem:$0x6090]  }
0x203: {  	[tilespmem:$0x6330] =	vst v13;
	v19 =	vld [tilespmem:$0x5ED0];
	v4 =	vadd.f32 v44, v4;
	v1 =	vadd.f32 v1, v3  }
0x204: {  	[tilespmem:$0x6350] =	vst v14;
	v24 =	vadd.f32 v34, v24;
	v59 =	vld [tilespmem:$0x1FFD0]  }
0x205: {  	[tilespmem:$0x6220] =	vst v53;
	v40 =	vld [tilespmem:$0x5EE0];
	v4 =	vadd.f32 v7, v4;
	v1 =	vadd.f32 v26, v1  }
0x206: {  	v44 =	vld [tilespmem:$0x5F60];
	[tilespmem:$0x6210] =	vst v46;
	v46 =	vadd.f32 v36, v21;
	v45 =	vadd.f32 v48, v45  }
0x207: {  	[tilespmem:$0x6370] =	vst v15;
	v3 =	vld [tilespmem:$0x5F50];
	v48 =	vadd.f32 v61, v52;
	v1 =	vadd.f32 v42, v1  }
0x208: {  	[tilespmem:$0x6360] =	vst v16;
	v42 =	vld [tilespmem:$0x5E70];
	v7 =	vadd.f32 v23, v46;
	v45 =	vadd.f32 v49, v45  }
0x209: {  	[tilespmem:$0x6270] =	vst v62;
	v49 =	vld [tilespmem:$0x5E50];
	v8 =	vadd.f32 v8, v48;
	v1 =	vadd.f32 v38, v1  }
0x20a: {  	[tilespmem:$0x6320] =	vst v2;
	v38 =	vld [tilespmem:$0x5E60];
	v2 =	vadd.f32 v35, v7;
	v45 =	vadd.f32 v50, v45  }
0x20b: {  	[tilespmem:$0x6250] =	vst v57;
	v8 =	vadd.f32 v9, v8;
	v1 =	vadd.f32 v43, v1;
	v43 =	vld [tilespmem:$0x5EF0]  }
0x20c: {  	[tilespmem:$0x6280] =	vst v33;
	v20 =	vadd.f32 v20, v24;
	v26 =	vld [tilespmem:$0x6050];
	v2 =	vadd.f32 v29, v2  }
0x20d: {  	[tilespmem:$0x6290] =	vst v37;
	v48 =	vld [tilespmem:$0x5F70];
	v45 =	vadd.f32 v51, v45;
	v8 =	vadd.f32 v11, v8  }
0x20e: {  	[tilespmem:$0x62B0] =	vst v41;
	v1 =	vadd.f32 v17, v1;
	v51 =	vld [tilespmem:$0x5FE0];
	v49 =	vadd.f32 v19, v49  }
0x20f: {  	[tilespmem:$0x6380] =	vst v20;
	v52 =	vld [tilespmem:$0x5FF0];
	v2 =	vadd.f32 v28, v2;
	v6 =	vadd.f32 v40, v38  }
0x210: {  	[tilespmem:$0x62C0] =	vst v32;
	v12 =	vld [tilespmem:$0x6190];
	v3 =	vadd.f32 v3, v49;
	v53 =	vadd.f32 v43, v42  }
0x211: {  	[tilespmem:$0x62D0] =	vst v31;
	v61 =	vld [tilespmem:$0x60D0];
	v8 =	vadd.f32 v30, v8;
	v6 =	vadd.f32 v44, v6  }
0x212: {  	[tilespmem:$0x62E0] =	vst v22;
	v3 =	vadd.f32 v56, v3;
	v11 =	vadd.f32 v48, v53;
	v56 =	vld [tilespmem:$0x60E0]  }
0x213: {  	v57 =	vld [tilespmem:$0x60F0];
	[tilespmem:$0x6260] =	vst v59;
	v1 =	vadd.f32 v39, v1;
	v6 =	vadd.f32 v51, v6  }
0x214: {  	v27 =	vld [tilespmem:$0x61D0];
	[tilespmem:$0x6300] =	vst v10;
	v3 =	vadd.f32 v26, v3;
	v10 =	vadd.f32 v52, v11  }
0x215: {  	[tilespmem:$0x62F0] =	vst v18;
	v59 =	vld [tilespmem:$0x6170];
	v2 =	vadd.f32 v25, v2;
	v6 =	vadd.f32 v54, v6  }
0x216: {  	[tilespmem:$0x6310] =	vst v60;
	v3 =	vadd.f32 v61, v3;
	v60 =	vadd.f32 v55, v10;
	v61 =	vld [tilespmem:$0x61E0]  }
0x217: {  	v62 =	vld [tilespmem:$0x61F0];
	[tilespmem:$0x63A0] =	vst v4;
	v8 =	vadd.f32 v12, v8;
	v6 =	vadd.f32 v56, v6  }
0x218: {  	[tilespmem:$0x6340] =	vst v45;
	v3 =	vadd.f32 v63, v3;
	v5 =	vadd.f32 v57, v60  }
0x219: {  	v2 =	vadd.f32 v47, v2;
	[tilespmem:$0x63B0] =	vst v1;
	v63 =	vadd.f32 v58, v6  }
0x21a: {  	[tilespmem:$0x6390] =	vst v8;
	v1 =	vadd.f32 v27, v3;
	v3 =	vadd.f32 v59, v5  }
0x21b: {  	[tilespmem:$0x63C0] =	vst v2;
	v2 =	vadd.f32 v61, v63  }
0x21c: {  	s19 =	sadd.s32 $0x1, s19;
	[tilespmem:$0x63D0] =	vst v1;
	v1 =	vadd.f32 v62, v3  }
0x21d: {  	p0 =	sne.s32 s19, s10;
	[tilespmem:$0x63E0] =	vst v2  }
.Ltmp2:
0x21e: {  	s31 =	simm.s32 $0x6200;
	[tilespmem:$0x63F0] =	vst v1;
	(pc) =	sbr.rel @p0 .LBB2_1-.Ltmp2, $4  }
0x21f: {  	[hbm4b:s9+s3] =	stream.linear.scatter [tilespmem:s31], [sflag:$0x5], $0x200, $0x38;
	[tilespmem:$0x7400] =	vst v63  }
0x220: {  	_ =	swait.ge [sflag:s16], $0x200  }
0x221: {  	[sflag:s16] =	ssyncset.done $0x0  }
0x222: {  	[sflag:s16] =	ssyncadd.s32 $0xFFFFFE00  }
0x223: {  	_ =	sfence.sel $0x180000  }
0x224: {  	[bflag:$0x0] =	sbarrier.arrive $0xFFFF  }
0x225: {  	_ =	strace $0x90000047  }
0x226: {  	s0 =	stileid.u32;
	[bflag:$0x2] =	sbarrier.arrive $0xFFFF  }
0x227: {  	p0 =	sne.s32 s0, $0x0;
	s0 =	rddreg [dreg:$0x3]  }
0x228: {  	s0 =	sadd.s32 @!p0 $0x100000, s0  }
0x229: {  	[sflag:s0] =	ssyncadd.tile.s32 @!p0 $0x1;
	_ =	shalt  }
.Lfunc_end2:
_tile_overlayer_lowered:
.L_overlay_start_2:
0x22a: {  	(tag) =	ssettag $0x2  }
0x22b: {  	s0 =	rddreg [dreg:$0x0];
	s2 =	stileid.u32  }
0x22c: {  	s1 =	rddreg [dreg:$0x1];
	p0 =	sne.s32 s2, $0x0  }
0x22d: {  	s3 =	rddreg [dreg:$0x2];
	[bflag:$0x3] =	sbarrier.arrive $0xFFFF;
	s2 =	simm.s32 @!p0 $0x1C05  }
0x22e: {  	[timem:s3], [sflag:s2] =	dma.local @!p0 [hbm:s0], s1  }
0x22f: {  	s0 =	simm.s32 @!p0 $0x5  }
0x230: {  	_ =	swait.ge @!p0 [sflag:s0], s1  }
0x231: {  	s1 =	ssub.s32 @!p0 $0x0, s1;
	[sflag:s0] =	ssyncset.done @!p0 $0x0  }
0x232: {  	[sflag:s0] =	ssyncadd.s32 @!p0 s1  }
0x233: {  	[bflag:$0x3] =	sbarrier.arrive $0xFFFF  }
0x234: {  	_ =	shalt  }

</sc_bundles>
